<compile_context>
chip_gen: v7x
topology: tpu7x:2x2x1
jax: 0.10.2.dev20260603
libtpu: 0.0.44.dev20260713+nightly
codegen_flags: <defaults>
</compile_context>

<pallas_src>
import functools

import jax
import jax.numpy as jnp
from jax import lax
from jax.experimental import pallas as pl
from jax.experimental.pallas import tpu as pltpu
from jax.experimental.pallas import tpu_sc as plsc

D = 128
NC, NS = 2, 16
NW = NC * NS
GRP = 4
NBUF = 4


@functools.partial(jax.jit, static_argnames=("batch", "hist"))
def _sc_gather(idx2, table, batch, hist):
    e_per_w = batch // NW
    n_chunks = e_per_w // GRP
    ngroups = n_chunks // NBUF
    assert n_chunks == ngroups * NBUF and ngroups >= 2
    mesh = plsc.VectorSubcoreMesh(
        core_axis_name="c", subcore_axis_name="s", num_cores=NC)

    @functools.partial(
        pl.kernel,
        mesh=mesh,
        out_type=jax.ShapeDtypeStruct((batch, hist, D), jnp.float32),
        scratch_types=[
            pltpu.VMEM((e_per_w, hist), jnp.int32),
            *[pltpu.VMEM((GRP, hist, D), jnp.float32) for _ in range(NBUF)],
            pltpu.SemaphoreType.DMA,
            pltpu.SemaphoreType.DMA,
        ],
    )
    def k(table_hbm, idx_hbm, out_hbm, idx_v, *rest):
        bufs = rest[:NBUF]
        gsem, osem = rest[NBUF], rest[NBUF + 1]
        wid = lax.axis_index("s") * NC + lax.axis_index("c")
        base = wid * e_per_w
        pltpu.sync_copy(idx_hbm.at[pl.ds(base, e_per_w)], idx_v)

        def g_copy(j, b, t):
            return pltpu.make_async_copy(
                table_hbm.at[idx_v.at[j * GRP + t]], bufs[b].at[t], gsem)

        def start_g(j, b):
            for t in range(GRP):
                g_copy(j, b, t).start()

        def wait_g(j, b):
            for t in range(GRP):
                g_copy(j, b, t).wait()

        def s_copy(j, b):
            return pltpu.make_async_copy(
                bufs[b], out_hbm.at[pl.ds(base + j * GRP, GRP)], osem)

        def steady(j, b):
            prev = (b - 1) % NBUF
            s_copy(j - 1, prev).wait()
            start_g(j + NBUF - 1, prev)
            wait_g(j, b)
            s_copy(j, b).start()

        def tail(j, b):
            s_copy(j - 1, (b - 1) % NBUF).wait()
            wait_g(j, b)
            s_copy(j, b).start()

        for b in range(NBUF):
            start_g(b, b)
        wait_g(0, 0)
        s_copy(0, 0).start()
        for b in range(1, NBUF):
            steady(b, b)

        def body(g, carry):
            j = g * NBUF
            for b in range(NBUF):
                steady(j + b, b)
            return carry

        lax.fori_loop(1, ngroups - 1, body, 0)

        jl = n_chunks - NBUF
        steady(jl, 0)
        for b in range(1, NBUF):
            tail(jl + b, b)
        s_copy(n_chunks - 1, NBUF - 1).wait()

    return k(table, idx2)


def kernel(indices, table):
    batch, hist = indices.shape
    return _sc_gather(indices.astype(jnp.int32), table, batch, hist)

# --- scband reference (transcript-rebuilt; emitter-appended) ---
"""Pipeline reference for scband-node-embedder-7756710937110 (READ-ONLY COPY).

The authoritative reference and input builder live on the scoring server;
editing this copy changes nothing except your own understanding.
"""

import jax, jax.numpy as jnp
import numpy as np

VOCAB = 100000
EMBED_DIM = 128
BATCH = 4096
HIST = 50

def setup_inputs(seed: int = 0) -> dict:
    key = jax.random.key(seed)
    k1, k2 = jax.random.split(key)
    indices = jax.random.randint(k1, (BATCH, HIST), 0, VOCAB, dtype=jnp.int64 if jax.config.read('jax_enable_x64') else jnp.int32)
    table = jax.random.normal(k2, (VOCAB, EMBED_DIM), dtype=jnp.float32)
    return {"indices": indices, "table": table}

def reference(indices, table):
    # NodeEmbedder.forward: self.matrix[node_seq[self.node_key]]
    # node_seq['id'] == indices; G is unused by the module.
    return jnp.take(table, indices, axis=0)

if __name__ == "__main__":
    import jax
    _d = setup_inputs()
    print(jax.jit(kernel)(*tuple(_d.values())))

</pallas_src>

<mosaic_0001>
#map = affine_map<(d0, d1) -> (0, 0)>
#map1 = affine_map<(d0, d1) -> (0, 0, 0)>
module attributes {stable_mosaic.version = 14 : i64} {
  func.func @k(%arg0: i32, %arg1: i32, %arg2: memref<100000x128xf32, #tpu.memory_space<hbm>>, %arg3: memref<4096x50xi32, #tpu.memory_space<hbm>>, %arg4: memref<4096x50x128xf32, #tpu.memory_space<hbm>>, %arg5: memref<128x50xi32, #tpu.memory_space<vmem>>, %arg6: memref<4x50x128xf32, #tpu.memory_space<vmem>>, %arg7: memref<4x50x128xf32, #tpu.memory_space<vmem>>, %arg8: memref<4x50x128xf32, #tpu.memory_space<vmem>>, %arg9: memref<4x50x128xf32, #tpu.memory_space<vmem>>, %arg10: memref<!tpu.dma_semaphore, #tpu.memory_space<semaphore_mem>>, %arg11: memref<!tpu.dma_semaphore, #tpu.memory_space<semaphore_mem>>) attributes {dimension_semantics = [#tpu.dimension_semantics<core_parallel>, #tpu.dimension_semantics<subcore_parallel>], iteration_bounds = array<i64: 2, 16>, scalar_prefetch = 0 : i64, scratch_operands = 7 : i64, tpu.core_type = #tpu.core_type<sc_vector_subcore>, window_params = [{transform_indices = #map}, {transform_indices = #map}, {transform_indices = #map1}]} {
    %mul3A = arith.constant 2 : i32
    %mul3A_0 = arith.muli %arg1, %mul3A : i32
    %add3A = arith.addi %mul3A_0, %arg0 : i32
    %mul3A_1 = arith.constant 128 : i32
    %mul3A_2 = arith.muli %add3A, %mul3A_1 : i32
    "tpu.region"() ({
      %run_scoped3A = tpu.sem_alloc : memref<!tpu.dma_semaphore, #tpu.memory_space<semaphore_mem>>
      %dma_start3A_902 = arith.constant 0 : i32
      %dma_start3A_903 = tpu.memref_slice %arg3[%mul3A_2, %dma_start3A_902] : memref<4096x50xi32, #tpu.memory_space<hbm>> -> memref<128x50xi32, #tpu.memory_space<hbm>>
      %dma_start3A_904 = arith.constant 0 : i32
      %dma_start3A_905 = tpu.memref_slice %arg3[%mul3A_2, %dma_start3A_904] : memref<4096x50xi32, #tpu.memory_space<hbm>> -> memref<128x50xi32, #tpu.memory_space<hbm>>
      tpu.enqueue_dma source(%dma_start3A_905 : memref<128x50xi32, #tpu.memory_space<hbm>>) target(%arg5 : memref<128x50xi32, #tpu.memory_space<vmem>>) target_semaphore(%run_scoped3A : memref<!tpu.dma_semaphore, #tpu.memory_space<semaphore_mem>>)
      %dma_wait3A_906 = arith.constant 0 : i32
      %dma_wait3A_907 = tpu.memref_slice %arg3[%mul3A_2, %dma_wait3A_906] : memref<4096x50xi32, #tpu.memory_space<hbm>> -> memref<128x50xi32, #tpu.memory_space<hbm>>
      %dma_wait3A_908 = arith.constant 0 : i32
      %dma_wait3A_909 = tpu.memref_slice %arg3[%mul3A_2, %dma_wait3A_908] : memref<4096x50xi32, #tpu.memory_space<hbm>> -> memref<128x50xi32, #tpu.memory_space<hbm>>
      tpu.wait_dma2 semaphore(%run_scoped3A : memref<!tpu.dma_semaphore, #tpu.memory_space<semaphore_mem>>) src(%dma_wait3A_909 : memref<128x50xi32, #tpu.memory_space<hbm>>) dst(%arg5 : memref<128x50xi32, #tpu.memory_space<vmem>>)
      tpu.yield
    }) : () -> ()
    %dma_start3A = arith.constant 0 : i32
    %dma_start3A_3 = arith.constant 0 : i32
    %dma_start3A_4 = arith.constant 0 : i32
    %dma_start3A_5 = arith.constant 0 : i32
    %dma_start3A_6 = tpu.memref_slice %arg6[%dma_start3A_3, %dma_start3A_4, %dma_start3A_5] : memref<4x50x128xf32, #tpu.memory_space<vmem>> -> memref<1x50x128xf32, #tpu.memory_space<vmem>>
    %dma_start3A_7 = tpu.memref_squeeze %dma_start3A_6 : memref<1x50x128xf32, #tpu.memory_space<vmem>> -> memref<50x128xf32, #tpu.memory_space<vmem>>
    %dma_start3A_8 = arith.constant 0 : i32
    %dma_start3A_9 = tpu.memref_slice %arg5[%dma_start3A, %dma_start3A_8] : memref<128x50xi32, #tpu.memory_space<vmem>> -> memref<1x50xi32, #tpu.memory_space<vmem>>
    %dma_start3A_10 = tpu.memref_squeeze %dma_start3A_9 : memref<1x50xi32, #tpu.memory_space<vmem>> -> memref<50xi32, #tpu.memory_space<vmem>>
    %dma_start3A_11 = arith.constant 0 : i32
    %dma_start3A_12 = arith.constant 0 : i32
    %dma_start3A_13 = tpu.memref_slice %arg2[%dma_start3A_11, %dma_start3A_12] : memref<100000x128xf32, #tpu.memory_space<hbm>> -> memref<100000x128xf32, #tpu.memory_space<hbm>>
    tpu.enqueue_indirect_dma source(%dma_start3A_13 : memref<100000x128xf32, #tpu.memory_space<hbm>>) target(%dma_start3A_7 : memref<50x128xf32, #tpu.memory_space<vmem>>) offsets(%dma_start3A_10 : memref<50xi32, #tpu.memory_space<vmem>>) semaphore(%arg10 : memref<!tpu.dma_semaphore, #tpu.memory_space<semaphore_mem>>)
    %dma_start3A_14 = arith.constant 1 : i32
    %dma_start3A_15 = arith.constant 1 : i32
    %dma_start3A_16 = arith.constant 0 : i32
    %dma_start3A_17 = arith.constant 0 : i32
    %dma_start3A_18 = tpu.memref_slice %arg6[%dma_start3A_15, %dma_start3A_16, %dma_start3A_17] : memref<4x50x128xf32, #tpu.memory_space<vmem>> -> memref<1x50x128xf32, #tpu.memory_space<vmem>>
    %dma_start3A_19 = tpu.memref_squeeze %dma_start3A_18 : memref<1x50x128xf32, #tpu.memory_space<vmem>> -> memref<50x128xf32, #tpu.memory_space<vmem>>
    %dma_start3A_20 = arith.constant 0 : i32
    %dma_start3A_21 = tpu.memref_slice %arg5[%dma_start3A_14, %dma_start3A_20] : memref<128x50xi32, #tpu.memory_space<vmem>> -> memref<1x50xi32, #tpu.memory_space<vmem>>
    %dma_start3A_22 = tpu.memref_squeeze %dma_start3A_21 : memref<1x50xi32, #tpu.memory_space<vmem>> -> memref<50xi32, #tpu.memory_space<vmem>>
    %dma_start3A_23 = arith.constant 0 : i32
    %dma_start3A_24 = arith.constant 0 : i32
    %dma_start3A_25 = tpu.memref_slice %arg2[%dma_start3A_23, %dma_start3A_24] : memref<100000x128xf32, #tpu.memory_space<hbm>> -> memref<100000x128xf32, #tpu.memory_space<hbm>>
    tpu.enqueue_indirect_dma source(%dma_start3A_25 : memref<100000x128xf32, #tpu.memory_space<hbm>>) target(%dma_start3A_19 : memref<50x128xf32, #tpu.memory_space<vmem>>) offsets(%dma_start3A_22 : memref<50xi32, #tpu.memory_space<vmem>>) semaphore(%arg10 : memref<!tpu.dma_semaphore, #tpu.memory_space<semaphore_mem>>)
    %dma_start3A_26 = arith.constant 2 : i32
    %dma_start3A_27 = arith.constant 2 : i32
    %dma_start3A_28 = arith.constant 0 : i32
    %dma_start3A_29 = arith.constant 0 : i32
    %dma_start3A_30 = tpu.memref_slice %arg6[%dma_start3A_27, %dma_start3A_28, %dma_start3A_29] : memref<4x50x128xf32, #tpu.memory_space<vmem>> -> memref<1x50x128xf32, #tpu.memory_space<vmem>>
    %dma_start3A_31 = tpu.memref_squeeze %dma_start3A_30 : memref<1x50x128xf32, #tpu.memory_space<vmem>> -> memref<50x128xf32, #tpu.memory_space<vmem>>
    %dma_start3A_32 = arith.constant 0 : i32
    %dma_start3A_33 = tpu.memref_slice %arg5[%dma_start3A_26, %dma_start3A_32] : memref<128x50xi32, #tpu.memory_space<vmem>> -> memref<1x50xi32, #tpu.memory_space<vmem>>
    %dma_start3A_34 = tpu.memref_squeeze %dma_start3A_33 : memref<1x50xi32, #tpu.memory_space<vmem>> -> memref<50xi32, #tpu.memory_space<vmem>>
    %dma_start3A_35 = arith.constant 0 : i32
    %dma_start3A_36 = arith.constant 0 : i32
    %dma_start3A_37 = tpu.memref_slice %arg2[%dma_start3A_35, %dma_start3A_36] : memref<100000x128xf32, #tpu.memory_space<hbm>> -> memref<100000x128xf32, #tpu.memory_space<hbm>>
    tpu.enqueue_indirect_dma source(%dma_start3A_37 : memref<100000x128xf32, #tpu.memory_space<hbm>>) target(%dma_start3A_31 : memref<50x128xf32, #tpu.memory_space<vmem>>) offsets(%dma_start3A_34 : memref<50xi32, #tpu.memory_space<vmem>>) semaphore(%arg10 : memref<!tpu.dma_semaphore, #tpu.memory_space<semaphore_mem>>)
    %dma_start3A_38 = arith.constant 3 : i32
    %dma_start3A_39 = arith.constant 3 : i32
    %dma_start3A_40 = arith.constant 0 : i32
    %dma_start3A_41 = arith.constant 0 : i32
    %dma_start3A_42 = tpu.memref_slice %arg6[%dma_start3A_39, %dma_start3A_40, %dma_start3A_41] : memref<4x50x128xf32, #tpu.memory_space<vmem>> -> memref<1x50x128xf32, #tpu.memory_space<vmem>>
    %dma_start3A_43 = tpu.memref_squeeze %dma_start3A_42 : memref<1x50x128xf32, #tpu.memory_space<vmem>> -> memref<50x128xf32, #tpu.memory_space<vmem>>
    %dma_start3A_44 = arith.constant 0 : i32
    %dma_start3A_45 = tpu.memref_slice %arg5[%dma_start3A_38, %dma_start3A_44] : memref<128x50xi32, #tpu.memory_space<vmem>> -> memref<1x50xi32, #tpu.memory_space<vmem>>
    %dma_start3A_46 = tpu.memref_squeeze %dma_start3A_45 : memref<1x50xi32, #tpu.memory_space<vmem>> -> memref<50xi32, #tpu.memory_space<vmem>>
    %dma_start3A_47 = arith.constant 0 : i32
    %dma_start3A_48 = arith.constant 0 : i32
    %dma_start3A_49 = tpu.memref_slice %arg2[%dma_start3A_47, %dma_start3A_48] : memref<100000x128xf32, #tpu.memory_space<hbm>> -> memref<100000x128xf32, #tpu.memory_space<hbm>>
    tpu.enqueue_indirect_dma source(%dma_start3A_49 : memref<100000x128xf32, #tpu.memory_space<hbm>>) target(%dma_start3A_43 : memref<50x128xf32, #tpu.memory_space<vmem>>) offsets(%dma_start3A_46 : memref<50xi32, #tpu.memory_space<vmem>>) semaphore(%arg10 : memref<!tpu.dma_semaphore, #tpu.memory_space<semaphore_mem>>)
    %dma_start3A_50 = arith.constant 4 : i32
    %dma_start3A_51 = arith.constant 0 : i32
    %dma_start3A_52 = arith.constant 0 : i32
    %dma_start3A_53 = arith.constant 0 : i32
    %dma_start3A_54 = tpu.memref_slice %arg7[%dma_start3A_51, %dma_start3A_52, %dma_start3A_53] : memref<4x50x128xf32, #tpu.memory_space<vmem>> -> memref<1x50x128xf32, #tpu.memory_space<vmem>>
    %dma_start3A_55 = tpu.memref_squeeze %dma_start3A_54 : memref<1x50x128xf32, #tpu.memory_space<vmem>> -> memref<50x128xf32, #tpu.memory_space<vmem>>
    %dma_start3A_56 = arith.constant 0 : i32
    %dma_start3A_57 = tpu.memref_slice %arg5[%dma_start3A_50, %dma_start3A_56] : memref<128x50xi32, #tpu.memory_space<vmem>> -> memref<1x50xi32, #tpu.memory_space<vmem>>
    %dma_start3A_58 = tpu.memref_squeeze %dma_start3A_57 : memref<1x50xi32, #tpu.memory_space<vmem>> -> memref<50xi32, #tpu.memory_space<vmem>>
    %dma_start3A_59 = arith.constant 0 : i32
    %dma_start3A_60 = arith.constant 0 : i32
    %dma_start3A_61 = tpu.memref_slice %arg2[%dma_start3A_59, %dma_start3A_60] : memref<100000x128xf32, #tpu.memory_space<hbm>> -> memref<100000x128xf32, #tpu.memory_space<hbm>>
    tpu.enqueue_indirect_dma source(%dma_start3A_61 : memref<100000x128xf32, #tpu.memory_space<hbm>>) target(%dma_start3A_55 : memref<50x128xf32, #tpu.memory_space<vmem>>) offsets(%dma_start3A_58 : memref<50xi32, #tpu.memory_space<vmem>>) semaphore(%arg10 : memref<!tpu.dma_semaphore, #tpu.memory_space<semaphore_mem>>)
    %dma_start3A_62 = arith.constant 5 : i32
    %dma_start3A_63 = arith.constant 1 : i32
    %dma_start3A_64 = arith.constant 0 : i32
    %dma_start3A_65 = arith.constant 0 : i32
    %dma_start3A_66 = tpu.memref_slice %arg7[%dma_start3A_63, %dma_start3A_64, %dma_start3A_65] : memref<4x50x128xf32, #tpu.memory_space<vmem>> -> memref<1x50x128xf32, #tpu.memory_space<vmem>>
    %dma_start3A_67 = tpu.memref_squeeze %dma_start3A_66 : memref<1x50x128xf32, #tpu.memory_space<vmem>> -> memref<50x128xf32, #tpu.memory_space<vmem>>
    %dma_start3A_68 = arith.constant 0 : i32
    %dma_start3A_69 = tpu.memref_slice %arg5[%dma_start3A_62, %dma_start3A_68] : memref<128x50xi32, #tpu.memory_space<vmem>> -> memref<1x50xi32, #tpu.memory_space<vmem>>
    %dma_start3A_70 = tpu.memref_squeeze %dma_start3A_69 : memref<1x50xi32, #tpu.memory_space<vmem>> -> memref<50xi32, #tpu.memory_space<vmem>>
    %dma_start3A_71 = arith.constant 0 : i32
    %dma_start3A_72 = arith.constant 0 : i32
    %dma_start3A_73 = tpu.memref_slice %arg2[%dma_start3A_71, %dma_start3A_72] : memref<100000x128xf32, #tpu.memory_space<hbm>> -> memref<100000x128xf32, #tpu.memory_space<hbm>>
    tpu.enqueue_indirect_dma source(%dma_start3A_73 : memref<100000x128xf32, #tpu.memory_space<hbm>>) target(%dma_start3A_67 : memref<50x128xf32, #tpu.memory_space<vmem>>) offsets(%dma_start3A_70 : memref<50xi32, #tpu.memory_space<vmem>>) semaphore(%arg10 : memref<!tpu.dma_semaphore, #tpu.memory_space<semaphore_mem>>)
    %dma_start3A_74 = arith.constant 6 : i32
    %dma_start3A_75 = arith.constant 2 : i32
    %dma_start3A_76 = arith.constant 0 : i32
    %dma_start3A_77 = arith.constant 0 : i32
    %dma_start3A_78 = tpu.memref_slice %arg7[%dma_start3A_75, %dma_start3A_76, %dma_start3A_77] : memref<4x50x128xf32, #tpu.memory_space<vmem>> -> memref<1x50x128xf32, #tpu.memory_space<vmem>>
    %dma_start3A_79 = tpu.memref_squeeze %dma_start3A_78 : memref<1x50x128xf32, #tpu.memory_space<vmem>> -> memref<50x128xf32, #tpu.memory_space<vmem>>
    %dma_start3A_80 = arith.constant 0 : i32
    %dma_start3A_81 = tpu.memref_slice %arg5[%dma_start3A_74, %dma_start3A_80] : memref<128x50xi32, #tpu.memory_space<vmem>> -> memref<1x50xi32, #tpu.memory_space<vmem>>
    %dma_start3A_82 = tpu.memref_squeeze %dma_start3A_81 : memref<1x50xi32, #tpu.memory_space<vmem>> -> memref<50xi32, #tpu.memory_space<vmem>>
    %dma_start3A_83 = arith.constant 0 : i32
    %dma_start3A_84 = arith.constant 0 : i32
    %dma_start3A_85 = tpu.memref_slice %arg2[%dma_start3A_83, %dma_start3A_84] : memref<100000x128xf32, #tpu.memory_space<hbm>> -> memref<100000x128xf32, #tpu.memory_space<hbm>>
    tpu.enqueue_indirect_dma source(%dma_start3A_85 : memref<100000x128xf32, #tpu.memory_space<hbm>>) target(%dma_start3A_79 : memref<50x128xf32, #tpu.memory_space<vmem>>) offsets(%dma_start3A_82 : memref<50xi32, #tpu.memory_space<vmem>>) semaphore(%arg10 : memref<!tpu.dma_semaphore, #tpu.memory_space<semaphore_mem>>)
    %dma_start3A_86 = arith.constant 7 : i32
    %dma_start3A_87 = arith.constant 3 : i32
    %dma_start3A_88 = arith.constant 0 : i32
    %dma_start3A_89 = arith.constant 0 : i32
    %dma_start3A_90 = tpu.memref_slice %arg7[%dma_start3A_87, %dma_start3A_88, %dma_start3A_89] : memref<4x50x128xf32, #tpu.memory_space<vmem>> -> memref<1x50x128xf32, #tpu.memory_space<vmem>>
    %dma_start3A_91 = tpu.memref_squeeze %dma_start3A_90 : memref<1x50x128xf32, #tpu.memory_space<vmem>> -> memref<50x128xf32, #tpu.memory_space<vmem>>
    %dma_start3A_92 = arith.constant 0 : i32
    %dma_start3A_93 = tpu.memref_slice %arg5[%dma_start3A_86, %dma_start3A_92] : memref<128x50xi32, #tpu.memory_space<vmem>> -> memref<1x50xi32, #tpu.memory_space<vmem>>
    %dma_start3A_94 = tpu.memref_squeeze %dma_start3A_93 : memref<1x50xi32, #tpu.memory_space<vmem>> -> memref<50xi32, #tpu.memory_space<vmem>>
    %dma_start3A_95 = arith.constant 0 : i32
    %dma_start3A_96 = arith.constant 0 : i32
    %dma_start3A_97 = tpu.memref_slice %arg2[%dma_start3A_95, %dma_start3A_96] : memref<100000x128xf32, #tpu.memory_space<hbm>> -> memref<100000x128xf32, #tpu.memory_space<hbm>>
    tpu.enqueue_indirect_dma source(%dma_start3A_97 : memref<100000x128xf32, #tpu.memory_space<hbm>>) target(%dma_start3A_91 : memref<50x128xf32, #tpu.memory_space<vmem>>) offsets(%dma_start3A_94 : memref<50xi32, #tpu.memory_space<vmem>>) semaphore(%arg10 : memref<!tpu.dma_semaphore, #tpu.memory_space<semaphore_mem>>)
    %dma_start3A_98 = arith.constant 8 : i32
    %dma_start3A_99 = arith.constant 0 : i32
    %dma_start3A_100 = arith.constant 0 : i32
    %dma_start3A_101 = arith.constant 0 : i32
    %dma_start3A_102 = tpu.memref_slice %arg8[%dma_start3A_99, %dma_start3A_100, %dma_start3A_101] : memref<4x50x128xf32, #tpu.memory_space<vmem>> -> memref<1x50x128xf32, #tpu.memory_space<vmem>>
    %dma_start3A_103 = tpu.memref_squeeze %dma_start3A_102 : memref<1x50x128xf32, #tpu.memory_space<vmem>> -> memref<50x128xf32, #tpu.memory_space<vmem>>
    %dma_start3A_104 = arith.constant 0 : i32
    %dma_start3A_105 = tpu.memref_slice %arg5[%dma_start3A_98, %dma_start3A_104] : memref<128x50xi32, #tpu.memory_space<vmem>> -> memref<1x50xi32, #tpu.memory_space<vmem>>
    %dma_start3A_106 = tpu.memref_squeeze %dma_start3A_105 : memref<1x50xi32, #tpu.memory_space<vmem>> -> memref<50xi32, #tpu.memory_space<vmem>>
    %dma_start3A_107 = arith.constant 0 : i32
    %dma_start3A_108 = arith.constant 0 : i32
    %dma_start3A_109 = tpu.memref_slice %arg2[%dma_start3A_107, %dma_start3A_108] : memref<100000x128xf32, #tpu.memory_space<hbm>> -> memref<100000x128xf32, #tpu.memory_space<hbm>>
    tpu.enqueue_indirect_dma source(%dma_start3A_109 : memref<100000x128xf32, #tpu.memory_space<hbm>>) target(%dma_start3A_103 : memref<50x128xf32, #tpu.memory_space<vmem>>) offsets(%dma_start3A_106 : memref<50xi32, #tpu.memory_space<vmem>>) semaphore(%arg10 : memref<!tpu.dma_semaphore, #tpu.memory_space<semaphore_mem>>)
    %dma_start3A_110 = arith.constant 9 : i32
    %dma_start3A_111 = arith.constant 1 : i32
    %dma_start3A_112 = arith.constant 0 : i32
    %dma_start3A_113 = arith.constant 0 : i32
    %dma_start3A_114 = tpu.memref_slice %arg8[%dma_start3A_111, %dma_start3A_112, %dma_start3A_113] : memref<4x50x128xf32, #tpu.memory_space<vmem>> -> memref<1x50x128xf32, #tpu.memory_space<vmem>>
    %dma_start3A_115 = tpu.memref_squeeze %dma_start3A_114 : memref<1x50x128xf32, #tpu.memory_space<vmem>> -> memref<50x128xf32, #tpu.memory_space<vmem>>
    %dma_start3A_116 = arith.constant 0 : i32
    %dma_start3A_117 = tpu.memref_slice %arg5[%dma_start3A_110, %dma_start3A_116] : memref<128x50xi32, #tpu.memory_space<vmem>> -> memref<1x50xi32, #tpu.memory_space<vmem>>
    %dma_start3A_118 = tpu.memref_squeeze %dma_start3A_117 : memref<1x50xi32, #tpu.memory_space<vmem>> -> memref<50xi32, #tpu.memory_space<vmem>>
    %dma_start3A_119 = arith.constant 0 : i32
    %dma_start3A_120 = arith.constant 0 : i32
    %dma_start3A_121 = tpu.memref_slice %arg2[%dma_start3A_119, %dma_start3A_120] : memref<100000x128xf32, #tpu.memory_space<hbm>> -> memref<100000x128xf32, #tpu.memory_space<hbm>>
    tpu.enqueue_indirect_dma source(%dma_start3A_121 : memref<100000x128xf32, #tpu.memory_space<hbm>>) target(%dma_start3A_115 : memref<50x128xf32, #tpu.memory_space<vmem>>) offsets(%dma_start3A_118 : memref<50xi32, #tpu.memory_space<vmem>>) semaphore(%arg10 : memref<!tpu.dma_semaphore, #tpu.memory_space<semaphore_mem>>)
    %dma_start3A_122 = arith.constant 10 : i32
    %dma_start3A_123 = arith.constant 2 : i32
    %dma_start3A_124 = arith.constant 0 : i32
    %dma_start3A_125 = arith.constant 0 : i32
    %dma_start3A_126 = tpu.memref_slice %arg8[%dma_start3A_123, %dma_start3A_124, %dma_start3A_125] : memref<4x50x128xf32, #tpu.memory_space<vmem>> -> memref<1x50x128xf32, #tpu.memory_space<vmem>>
    %dma_start3A_127 = tpu.memref_squeeze %dma_start3A_126 : memref<1x50x128xf32, #tpu.memory_space<vmem>> -> memref<50x128xf32, #tpu.memory_space<vmem>>
    %dma_start3A_128 = arith.constant 0 : i32
    %dma_start3A_129 = tpu.memref_slice %arg5[%dma_start3A_122, %dma_start3A_128] : memref<128x50xi32, #tpu.memory_space<vmem>> -> memref<1x50xi32, #tpu.memory_space<vmem>>
    %dma_start3A_130 = tpu.memref_squeeze %dma_start3A_129 : memref<1x50xi32, #tpu.memory_space<vmem>> -> memref<50xi32, #tpu.memory_space<vmem>>
    %dma_start3A_131 = arith.constant 0 : i32
    %dma_start3A_132 = arith.constant 0 : i32
    %dma_start3A_133 = tpu.memref_slice %arg2[%dma_start3A_131, %dma_start3A_132] : memref<100000x128xf32, #tpu.memory_space<hbm>> -> memref<100000x128xf32, #tpu.memory_space<hbm>>
    tpu.enqueue_indirect_dma source(%dma_start3A_133 : memref<100000x128xf32, #tpu.memory_space<hbm>>) target(%dma_start3A_127 : memref<50x128xf32, #tpu.memory_space<vmem>>) offsets(%dma_start3A_130 : memref<50xi32, #tpu.memory_space<vmem>>) semaphore(%arg10 : memref<!tpu.dma_semaphore, #tpu.memory_space<semaphore_mem>>)
    %dma_start3A_134 = arith.constant 11 : i32
    %dma_start3A_135 = arith.constant 3 : i32
    %dma_start3A_136 = arith.constant 0 : i32
    %dma_start3A_137 = arith.constant 0 : i32
    %dma_start3A_138 = tpu.memref_slice %arg8[%dma_start3A_135, %dma_start3A_136, %dma_start3A_137] : memref<4x50x128xf32, #tpu.memory_space<vmem>> -> memref<1x50x128xf32, #tpu.memory_space<vmem>>
    %dma_start3A_139 = tpu.memref_squeeze %dma_start3A_138 : memref<1x50x128xf32, #tpu.memory_space<vmem>> -> memref<50x128xf32, #tpu.memory_space<vmem>>
    %dma_start3A_140 = arith.constant 0 : i32
    %dma_start3A_141 = tpu.memref_slice %arg5[%dma_start3A_134, %dma_start3A_140] : memref<128x50xi32, #tpu.memory_space<vmem>> -> memref<1x50xi32, #tpu.memory_space<vmem>>
    %dma_start3A_142 = tpu.memref_squeeze %dma_start3A_141 : memref<1x50xi32, #tpu.memory_space<vmem>> -> memref<50xi32, #tpu.memory_space<vmem>>
    %dma_start3A_143 = arith.constant 0 : i32
    %dma_start3A_144 = arith.constant 0 : i32
    %dma_start3A_145 = tpu.memref_slice %arg2[%dma_start3A_143, %dma_start3A_144] : memref<100000x128xf32, #tpu.memory_space<hbm>> -> memref<100000x128xf32, #tpu.memory_space<hbm>>
    tpu.enqueue_indirect_dma source(%dma_start3A_145 : memref<100000x128xf32, #tpu.memory_space<hbm>>) target(%dma_start3A_139 : memref<50x128xf32, #tpu.memory_space<vmem>>) offsets(%dma_start3A_142 : memref<50xi32, #tpu.memory_space<vmem>>) semaphore(%arg10 : memref<!tpu.dma_semaphore, #tpu.memory_space<semaphore_mem>>)
    %dma_start3A_146 = arith.constant 12 : i32
    %dma_start3A_147 = arith.constant 0 : i32
    %dma_start3A_148 = arith.constant 0 : i32
    %dma_start3A_149 = arith.constant 0 : i32
    %dma_start3A_150 = tpu.memref_slice %arg9[%dma_start3A_147, %dma_start3A_148, %dma_start3A_149] : memref<4x50x128xf32, #tpu.memory_space<vmem>> -> memref<1x50x128xf32, #tpu.memory_space<vmem>>
    %dma_start3A_151 = tpu.memref_squeeze %dma_start3A_150 : memref<1x50x128xf32, #tpu.memory_space<vmem>> -> memref<50x128xf32, #tpu.memory_space<vmem>>
    %dma_start3A_152 = arith.constant 0 : i32
    %dma_start3A_153 = tpu.memref_slice %arg5[%dma_start3A_146, %dma_start3A_152] : memref<128x50xi32, #tpu.memory_space<vmem>> -> memref<1x50xi32, #tpu.memory_space<vmem>>
    %dma_start3A_154 = tpu.memref_squeeze %dma_start3A_153 : memref<1x50xi32, #tpu.memory_space<vmem>> -> memref<50xi32, #tpu.memory_space<vmem>>
    %dma_start3A_155 = arith.constant 0 : i32
    %dma_start3A_156 = arith.constant 0 : i32
    %dma_start3A_157 = tpu.memref_slice %arg2[%dma_start3A_155, %dma_start3A_156] : memref<100000x128xf32, #tpu.memory_space<hbm>> -> memref<100000x128xf32, #tpu.memory_space<hbm>>
    tpu.enqueue_indirect_dma source(%dma_start3A_157 : memref<100000x128xf32, #tpu.memory_space<hbm>>) target(%dma_start3A_151 : memref<50x128xf32, #tpu.memory_space<vmem>>) offsets(%dma_start3A_154 : memref<50xi32, #tpu.memory_space<vmem>>) semaphore(%arg10 : memref<!tpu.dma_semaphore, #tpu.memory_space<semaphore_mem>>)
    %dma_start3A_158 = arith.constant 13 : i32
    %dma_start3A_159 = arith.constant 1 : i32
    %dma_start3A_160 = arith.constant 0 : i32
    %dma_start3A_161 = arith.constant 0 : i32
    %dma_start3A_162 = tpu.memref_slice %arg9[%dma_start3A_159, %dma_start3A_160, %dma_start3A_161] : memref<4x50x128xf32, #tpu.memory_space<vmem>> -> memref<1x50x128xf32, #tpu.memory_space<vmem>>
    %dma_start3A_163 = tpu.memref_squeeze %dma_start3A_162 : memref<1x50x128xf32, #tpu.memory_space<vmem>> -> memref<50x128xf32, #tpu.memory_space<vmem>>
    %dma_start3A_164 = arith.constant 0 : i32
    %dma_start3A_165 = tpu.memref_slice %arg5[%dma_start3A_158, %dma_start3A_164] : memref<128x50xi32, #tpu.memory_space<vmem>> -> memref<1x50xi32, #tpu.memory_space<vmem>>
    %dma_start3A_166 = tpu.memref_squeeze %dma_start3A_165 : memref<1x50xi32, #tpu.memory_space<vmem>> -> memref<50xi32, #tpu.memory_space<vmem>>
    %dma_start3A_167 = arith.constant 0 : i32
    %dma_start3A_168 = arith.constant 0 : i32
    %dma_start3A_169 = tpu.memref_slice %arg2[%dma_start3A_167, %dma_start3A_168] : memref<100000x128xf32, #tpu.memory_space<hbm>> -> memref<100000x128xf32, #tpu.memory_space<hbm>>
    tpu.enqueue_indirect_dma source(%dma_start3A_169 : memref<100000x128xf32, #tpu.memory_space<hbm>>) target(%dma_start3A_163 : memref<50x128xf32, #tpu.memory_space<vmem>>) offsets(%dma_start3A_166 : memref<50xi32, #tpu.memory_space<vmem>>) semaphore(%arg10 : memref<!tpu.dma_semaphore, #tpu.memory_space<semaphore_mem>>)
    %dma_start3A_170 = arith.constant 14 : i32
    %dma_start3A_171 = arith.constant 2 : i32
    %dma_start3A_172 = arith.constant 0 : i32
    %dma_start3A_173 = arith.constant 0 : i32
    %dma_start3A_174 = tpu.memref_slice %arg9[%dma_start3A_171, %dma_start3A_172, %dma_start3A_173] : memref<4x50x128xf32, #tpu.memory_space<vmem>> -> memref<1x50x128xf32, #tpu.memory_space<vmem>>
    %dma_start3A_175 = tpu.memref_squeeze %dma_start3A_174 : memref<1x50x128xf32, #tpu.memory_space<vmem>> -> memref<50x128xf32, #tpu.memory_space<vmem>>
    %dma_start3A_176 = arith.constant 0 : i32
    %dma_start3A_177 = tpu.memref_slice %arg5[%dma_start3A_170, %dma_start3A_176] : memref<128x50xi32, #tpu.memory_space<vmem>> -> memref<1x50xi32, #tpu.memory_space<vmem>>
    %dma_start3A_178 = tpu.memref_squeeze %dma_start3A_177 : memref<1x50xi32, #tpu.memory_space<vmem>> -> memref<50xi32, #tpu.memory_space<vmem>>
    %dma_start3A_179 = arith.constant 0 : i32
    %dma_start3A_180 = arith.constant 0 : i32
    %dma_start3A_181 = tpu.memref_slice %arg2[%dma_start3A_179, %dma_start3A_180] : memref<100000x128xf32, #tpu.memory_space<hbm>> -> memref<100000x128xf32, #tpu.memory_space<hbm>>
    tpu.enqueue_indirect_dma source(%dma_start3A_181 : memref<100000x128xf32, #tpu.memory_space<hbm>>) target(%dma_start3A_175 : memref<50x128xf32, #tpu.memory_space<vmem>>) offsets(%dma_start3A_178 : memref<50xi32, #tpu.memory_space<vmem>>) semaphore(%arg10 : memref<!tpu.dma_semaphore, #tpu.memory_space<semaphore_mem>>)
    %dma_start3A_182 = arith.constant 15 : i32
    %dma_start3A_183 = arith.constant 3 : i32
    %dma_start3A_184 = arith.constant 0 : i32
    %dma_start3A_185 = arith.constant 0 : i32
    %dma_start3A_186 = tpu.memref_slice %arg9[%dma_start3A_183, %dma_start3A_184, %dma_start3A_185] : memref<4x50x128xf32, #tpu.memory_space<vmem>> -> memref<1x50x128xf32, #tpu.memory_space<vmem>>
    %dma_start3A_187 = tpu.memref_squeeze %dma_start3A_186 : memref<1x50x128xf32, #tpu.memory_space<vmem>> -> memref<50x128xf32, #tpu.memory_space<vmem>>
    %dma_start3A_188 = arith.constant 0 : i32
    %dma_start3A_189 = tpu.memref_slice %arg5[%dma_start3A_182, %dma_start3A_188] : memref<128x50xi32, #tpu.memory_space<vmem>> -> memref<1x50xi32, #tpu.memory_space<vmem>>
    %dma_start3A_190 = tpu.memref_squeeze %dma_start3A_189 : memref<1x50xi32, #tpu.memory_space<vmem>> -> memref<50xi32, #tpu.memory_space<vmem>>
    %dma_start3A_191 = arith.constant 0 : i32
    %dma_start3A_192 = arith.constant 0 : i32
    %dma_start3A_193 = tpu.memref_slice %arg2[%dma_start3A_191, %dma_start3A_192] : memref<100000x128xf32, #tpu.memory_space<hbm>> -> memref<100000x128xf32, #tpu.memory_space<hbm>>
    tpu.enqueue_indirect_dma source(%dma_start3A_193 : memref<100000x128xf32, #tpu.memory_space<hbm>>) target(%dma_start3A_187 : memref<50x128xf32, #tpu.memory_space<vmem>>) offsets(%dma_start3A_190 : memref<50xi32, #tpu.memory_space<vmem>>) semaphore(%arg10 : memref<!tpu.dma_semaphore, #tpu.memory_space<semaphore_mem>>)
    %dma_wait3A = arith.constant 0 : i32
    %dma_wait3A_194 = arith.constant 0 : i32
    %dma_wait3A_195 = arith.constant 0 : i32
    %dma_wait3A_196 = arith.constant 0 : i32
    %dma_wait3A_197 = tpu.memref_slice %arg6[%dma_wait3A_194, %dma_wait3A_195, %dma_wait3A_196] : memref<4x50x128xf32, #tpu.memory_space<vmem>> -> memref<1x50x128xf32, #tpu.memory_space<vmem>>
    %dma_wait3A_198 = tpu.memref_squeeze %dma_wait3A_197 : memref<1x50x128xf32, #tpu.memory_space<vmem>> -> memref<50x128xf32, #tpu.memory_space<vmem>>
    %dma_wait3A_199 = arith.constant 0 : i32
    %dma_wait3A_200 = tpu.memref_slice %arg5[%dma_wait3A, %dma_wait3A_199] : memref<128x50xi32, #tpu.memory_space<vmem>> -> memref<1x50xi32, #tpu.memory_space<vmem>>
    %dma_wait3A_201 = tpu.memref_squeeze %dma_wait3A_200 : memref<1x50xi32, #tpu.memory_space<vmem>> -> memref<50xi32, #tpu.memory_space<vmem>>
    %dma_wait3A_202 = arith.constant 0 : i32
    %dma_wait3A_203 = arith.constant 0 : i32
    %dma_wait3A_204 = tpu.memref_slice %arg2[%dma_wait3A_202, %dma_wait3A_203] : memref<100000x128xf32, #tpu.memory_space<hbm>> -> memref<100000x128xf32, #tpu.memory_space<hbm>>
    tpu.wait_indirect_dma semaphore(%arg10 : memref<!tpu.dma_semaphore, #tpu.memory_space<semaphore_mem>>) src(%dma_wait3A_204 : memref<100000x128xf32, #tpu.memory_space<hbm>>) dst(%dma_wait3A_198 : memref<50x128xf32, #tpu.memory_space<vmem>>)
    %dma_wait3A_205 = arith.constant 1 : i32
    %dma_wait3A_206 = arith.constant 1 : i32
    %dma_wait3A_207 = arith.constant 0 : i32
    %dma_wait3A_208 = arith.constant 0 : i32
    %dma_wait3A_209 = tpu.memref_slice %arg6[%dma_wait3A_206, %dma_wait3A_207, %dma_wait3A_208] : memref<4x50x128xf32, #tpu.memory_space<vmem>> -> memref<1x50x128xf32, #tpu.memory_space<vmem>>
    %dma_wait3A_210 = tpu.memref_squeeze %dma_wait3A_209 : memref<1x50x128xf32, #tpu.memory_space<vmem>> -> memref<50x128xf32, #tpu.memory_space<vmem>>
    %dma_wait3A_211 = arith.constant 0 : i32
    %dma_wait3A_212 = tpu.memref_slice %arg5[%dma_wait3A_205, %dma_wait3A_211] : memref<128x50xi32, #tpu.memory_space<vmem>> -> memref<1x50xi32, #tpu.memory_space<vmem>>
    %dma_wait3A_213 = tpu.memref_squeeze %dma_wait3A_212 : memref<1x50xi32, #tpu.memory_space<vmem>> -> memref<50xi32, #tpu.memory_space<vmem>>
    %dma_wait3A_214 = arith.constant 0 : i32
    %dma_wait3A_215 = arith.constant 0 : i32
    %dma_wait3A_216 = tpu.memref_slice %arg2[%dma_wait3A_214, %dma_wait3A_215] : memref<100000x128xf32, #tpu.memory_space<hbm>> -> memref<100000x128xf32, #tpu.memory_space<hbm>>
    tpu.wait_indirect_dma semaphore(%arg10 : memref<!tpu.dma_semaphore, #tpu.memory_space<semaphore_mem>>) src(%dma_wait3A_216 : memref<100000x128xf32, #tpu.memory_space<hbm>>) dst(%dma_wait3A_210 : memref<50x128xf32, #tpu.memory_space<vmem>>)
    %dma_wait3A_217 = arith.constant 2 : i32
    %dma_wait3A_218 = arith.constant 2 : i32
    %dma_wait3A_219 = arith.constant 0 : i32
    %dma_wait3A_220 = arith.constant 0 : i32
    %dma_wait3A_221 = tpu.memref_slice %arg6[%dma_wait3A_218, %dma_wait3A_219, %dma_wait3A_220] : memref<4x50x128xf32, #tpu.memory_space<vmem>> -> memref<1x50x128xf32, #tpu.memory_space<vmem>>
    %dma_wait3A_222 = tpu.memref_squeeze %dma_wait3A_221 : memref<1x50x128xf32, #tpu.memory_space<vmem>> -> memref<50x128xf32, #tpu.memory_space<vmem>>
    %dma_wait3A_223 = arith.constant 0 : i32
    %dma_wait3A_224 = tpu.memref_slice %arg5[%dma_wait3A_217, %dma_wait3A_223] : memref<128x50xi32, #tpu.memory_space<vmem>> -> memref<1x50xi32, #tpu.memory_space<vmem>>
    %dma_wait3A_225 = tpu.memref_squeeze %dma_wait3A_224 : memref<1x50xi32, #tpu.memory_space<vmem>> -> memref<50xi32, #tpu.memory_space<vmem>>
    %dma_wait3A_226 = arith.constant 0 : i32
    %dma_wait3A_227 = arith.constant 0 : i32
    %dma_wait3A_228 = tpu.memref_slice %arg2[%dma_wait3A_226, %dma_wait3A_227] : memref<100000x128xf32, #tpu.memory_space<hbm>> -> memref<100000x128xf32, #tpu.memory_space<hbm>>
    tpu.wait_indirect_dma semaphore(%arg10 : memref<!tpu.dma_semaphore, #tpu.memory_space<semaphore_mem>>) src(%dma_wait3A_228 : memref<100000x128xf32, #tpu.memory_space<hbm>>) dst(%dma_wait3A_222 : memref<50x128xf32, #tpu.memory_space<vmem>>)
    %dma_wait3A_229 = arith.constant 3 : i32
    %dma_wait3A_230 = arith.constant 3 : i32
    %dma_wait3A_231 = arith.constant 0 : i32
    %dma_wait3A_232 = arith.constant 0 : i32
    %dma_wait3A_233 = tpu.memref_slice %arg6[%dma_wait3A_230, %dma_wait3A_231, %dma_wait3A_232] : memref<4x50x128xf32, #tpu.memory_space<vmem>> -> memref<1x50x128xf32, #tpu.memory_space<vmem>>
    %dma_wait3A_234 = tpu.memref_squeeze %dma_wait3A_233 : memref<1x50x128xf32, #tpu.memory_space<vmem>> -> memref<50x128xf32, #tpu.memory_space<vmem>>
    %dma_wait3A_235 = arith.constant 0 : i32
    %dma_wait3A_236 = tpu.memref_slice %arg5[%dma_wait3A_229, %dma_wait3A_235] : memref<128x50xi32, #tpu.memory_space<vmem>> -> memref<1x50xi32, #tpu.memory_space<vmem>>
    %dma_wait3A_237 = tpu.memref_squeeze %dma_wait3A_236 : memref<1x50xi32, #tpu.memory_space<vmem>> -> memref<50xi32, #tpu.memory_space<vmem>>
    %dma_wait3A_238 = arith.constant 0 : i32
    %dma_wait3A_239 = arith.constant 0 : i32
    %dma_wait3A_240 = tpu.memref_slice %arg2[%dma_wait3A_238, %dma_wait3A_239] : memref<100000x128xf32, #tpu.memory_space<hbm>> -> memref<100000x128xf32, #tpu.memory_space<hbm>>
    tpu.wait_indirect_dma semaphore(%arg10 : memref<!tpu.dma_semaphore, #tpu.memory_space<semaphore_mem>>) src(%dma_wait3A_240 : memref<100000x128xf32, #tpu.memory_space<hbm>>) dst(%dma_wait3A_234 : memref<50x128xf32, #tpu.memory_space<vmem>>)
    %add3A_241 = arith.constant 0 : i32
    %add3A_242 = arith.addi %mul3A_2, %add3A_241 : i32
    %dma_start3A_243 = arith.constant 0 : i32
    %dma_start3A_244 = arith.constant 0 : i32
    %dma_start3A_245 = tpu.memref_slice %arg4[%add3A_242, %dma_start3A_243, %dma_start3A_244] : memref<4096x50x128xf32, #tpu.memory_space<hbm>> -> memref<4x50x128xf32, #tpu.memory_space<hbm>>
    %dma_start3A_246 = arith.constant 0 : i32
    %dma_start3A_247 = arith.constant 0 : i32
    %dma_start3A_248 = tpu.memref_slice %arg4[%add3A_242, %dma_start3A_246, %dma_start3A_247] : memref<4096x50x128xf32, #tpu.memory_space<hbm>> -> memref<4x50x128xf32, #tpu.memory_space<hbm>>
    tpu.enqueue_dma source(%arg6 : memref<4x50x128xf32, #tpu.memory_space<vmem>>) target(%dma_start3A_248 : memref<4x50x128xf32, #tpu.memory_space<hbm>>) target_semaphore(%arg11 : memref<!tpu.dma_semaphore, #tpu.memory_space<semaphore_mem>>)
    %add3A_249 = arith.constant 0 : i32
    %add3A_250 = arith.addi %mul3A_2, %add3A_249 : i32
    %dma_wait3A_251 = arith.constant 0 : i32
    %dma_wait3A_252 = arith.constant 0 : i32
    %dma_wait3A_253 = tpu.memref_slice %arg4[%add3A_250, %dma_wait3A_251, %dma_wait3A_252] : memref<4096x50x128xf32, #tpu.memory_space<hbm>> -> memref<4x50x128xf32, #tpu.memory_space<hbm>>
    %dma_wait3A_254 = arith.constant 0 : i32
    %dma_wait3A_255 = arith.constant 0 : i32
    %dma_wait3A_256 = tpu.memref_slice %arg4[%add3A_250, %dma_wait3A_254, %dma_wait3A_255] : memref<4096x50x128xf32, #tpu.memory_space<hbm>> -> memref<4x50x128xf32, #tpu.memory_space<hbm>>
    tpu.wait_dma2 semaphore(%arg11 : memref<!tpu.dma_semaphore, #tpu.memory_space<semaphore_mem>>) src(%arg6 : memref<4x50x128xf32, #tpu.memory_space<vmem>>) dst(%dma_wait3A_256 : memref<4x50x128xf32, #tpu.memory_space<hbm>>)
    %dma_start3A_257 = arith.constant 16 : i32
    %dma_start3A_258 = arith.constant 0 : i32
    %dma_start3A_259 = arith.constant 0 : i32
    %dma_start3A_260 = arith.constant 0 : i32
    %dma_start3A_261 = tpu.memref_slice %arg6[%dma_start3A_258, %dma_start3A_259, %dma_start3A_260] : memref<4x50x128xf32, #tpu.memory_space<vmem>> -> memref<1x50x128xf32, #tpu.memory_space<vmem>>
    %dma_start3A_262 = tpu.memref_squeeze %dma_start3A_261 : memref<1x50x128xf32, #tpu.memory_space<vmem>> -> memref<50x128xf32, #tpu.memory_space<vmem>>
    %dma_start3A_263 = arith.constant 0 : i32
    %dma_start3A_264 = tpu.memref_slice %arg5[%dma_start3A_257, %dma_start3A_263] : memref<128x50xi32, #tpu.memory_space<vmem>> -> memref<1x50xi32, #tpu.memory_space<vmem>>
    %dma_start3A_265 = tpu.memref_squeeze %dma_start3A_264 : memref<1x50xi32, #tpu.memory_space<vmem>> -> memref<50xi32, #tpu.memory_space<vmem>>
    %dma_start3A_266 = arith.constant 0 : i32
    %dma_start3A_267 = arith.constant 0 : i32
    %dma_start3A_268 = tpu.memref_slice %arg2[%dma_start3A_266, %dma_start3A_267] : memref<100000x128xf32, #tpu.memory_space<hbm>> -> memref<100000x128xf32, #tpu.memory_space<hbm>>
    tpu.enqueue_indirect_dma source(%dma_start3A_268 : memref<100000x128xf32, #tpu.memory_space<hbm>>) target(%dma_start3A_262 : memref<50x128xf32, #tpu.memory_space<vmem>>) offsets(%dma_start3A_265 : memref<50xi32, #tpu.memory_space<vmem>>) semaphore(%arg10 : memref<!tpu.dma_semaphore, #tpu.memory_space<semaphore_mem>>)
    %dma_start3A_269 = arith.constant 17 : i32
    %dma_start3A_270 = arith.constant 1 : i32
    %dma_start3A_271 = arith.constant 0 : i32
    %dma_start3A_272 = arith.constant 0 : i32
    %dma_start3A_273 = tpu.memref_slice %arg6[%dma_start3A_270, %dma_start3A_271, %dma_start3A_272] : memref<4x50x128xf32, #tpu.memory_space<vmem>> -> memref<1x50x128xf32, #tpu.memory_space<vmem>>
    %dma_start3A_274 = tpu.memref_squeeze %dma_start3A_273 : memref<1x50x128xf32, #tpu.memory_space<vmem>> -> memref<50x128xf32, #tpu.memory_space<vmem>>
    %dma_start3A_275 = arith.constant 0 : i32
    %dma_start3A_276 = tpu.memref_slice %arg5[%dma_start3A_269, %dma_start3A_275] : memref<128x50xi32, #tpu.memory_space<vmem>> -> memref<1x50xi32, #tpu.memory_space<vmem>>
    %dma_start3A_277 = tpu.memref_squeeze %dma_start3A_276 : memref<1x50xi32, #tpu.memory_space<vmem>> -> memref<50xi32, #tpu.memory_space<vmem>>
    %dma_start3A_278 = arith.constant 0 : i32
    %dma_start3A_279 = arith.constant 0 : i32
    %dma_start3A_280 = tpu.memref_slice %arg2[%dma_start3A_278, %dma_start3A_279] : memref<100000x128xf32, #tpu.memory_space<hbm>> -> memref<100000x128xf32, #tpu.memory_space<hbm>>
    tpu.enqueue_indirect_dma source(%dma_start3A_280 : memref<100000x128xf32, #tpu.memory_space<hbm>>) target(%dma_start3A_274 : memref<50x128xf32, #tpu.memory_space<vmem>>) offsets(%dma_start3A_277 : memref<50xi32, #tpu.memory_space<vmem>>) semaphore(%arg10 : memref<!tpu.dma_semaphore, #tpu.memory_space<semaphore_mem>>)
    %dma_start3A_281 = arith.constant 18 : i32
    %dma_start3A_282 = arith.constant 2 : i32
    %dma_start3A_283 = arith.constant 0 : i32
    %dma_start3A_284 = arith.constant 0 : i32
    %dma_start3A_285 = tpu.memref_slice %arg6[%dma_start3A_282, %dma_start3A_283, %dma_start3A_284] : memref<4x50x128xf32, #tpu.memory_space<vmem>> -> memref<1x50x128xf32, #tpu.memory_space<vmem>>
    %dma_start3A_286 = tpu.memref_squeeze %dma_start3A_285 : memref<1x50x128xf32, #tpu.memory_space<vmem>> -> memref<50x128xf32, #tpu.memory_space<vmem>>
    %dma_start3A_287 = arith.constant 0 : i32
    %dma_start3A_288 = tpu.memref_slice %arg5[%dma_start3A_281, %dma_start3A_287] : memref<128x50xi32, #tpu.memory_space<vmem>> -> memref<1x50xi32, #tpu.memory_space<vmem>>
    %dma_start3A_289 = tpu.memref_squeeze %dma_start3A_288 : memref<1x50xi32, #tpu.memory_space<vmem>> -> memref<50xi32, #tpu.memory_space<vmem>>
    %dma_start3A_290 = arith.constant 0 : i32
    %dma_start3A_291 = arith.constant 0 : i32
    %dma_start3A_292 = tpu.memref_slice %arg2[%dma_start3A_290, %dma_start3A_291] : memref<100000x128xf32, #tpu.memory_space<hbm>> -> memref<100000x128xf32, #tpu.memory_space<hbm>>
    tpu.enqueue_indirect_dma source(%dma_start3A_292 : memref<100000x128xf32, #tpu.memory_space<hbm>>) target(%dma_start3A_286 : memref<50x128xf32, #tpu.memory_space<vmem>>) offsets(%dma_start3A_289 : memref<50xi32, #tpu.memory_space<vmem>>) semaphore(%arg10 : memref<!tpu.dma_semaphore, #tpu.memory_space<semaphore_mem>>)
    %dma_start3A_293 = arith.constant 19 : i32
    %dma_start3A_294 = arith.constant 3 : i32
    %dma_start3A_295 = arith.constant 0 : i32
    %dma_start3A_296 = arith.constant 0 : i32
    %dma_start3A_297 = tpu.memref_slice %arg6[%dma_start3A_294, %dma_start3A_295, %dma_start3A_296] : memref<4x50x128xf32, #tpu.memory_space<vmem>> -> memref<1x50x128xf32, #tpu.memory_space<vmem>>
    %dma_start3A_298 = tpu.memref_squeeze %dma_start3A_297 : memref<1x50x128xf32, #tpu.memory_space<vmem>> -> memref<50x128xf32, #tpu.memory_space<vmem>>
    %dma_start3A_299 = arith.constant 0 : i32
    %dma_start3A_300 = tpu.memref_slice %arg5[%dma_start3A_293, %dma_start3A_299] : memref<128x50xi32, #tpu.memory_space<vmem>> -> memref<1x50xi32, #tpu.memory_space<vmem>>
    %dma_start3A_301 = tpu.memref_squeeze %dma_start3A_300 : memref<1x50xi32, #tpu.memory_space<vmem>> -> memref<50xi32, #tpu.memory_space<vmem>>
    %dma_start3A_302 = arith.constant 0 : i32
    %dma_start3A_303 = arith.constant 0 : i32
    %dma_start3A_304 = tpu.memref_slice %arg2[%dma_start3A_302, %dma_start3A_303] : memref<100000x128xf32, #tpu.memory_space<hbm>> -> memref<100000x128xf32, #tpu.memory_space<hbm>>
    tpu.enqueue_indirect_dma source(%dma_start3A_304 : memref<100000x128xf32, #tpu.memory_space<hbm>>) target(%dma_start3A_298 : memref<50x128xf32, #tpu.memory_space<vmem>>) offsets(%dma_start3A_301 : memref<50xi32, #tpu.memory_space<vmem>>) semaphore(%arg10 : memref<!tpu.dma_semaphore, #tpu.memory_space<semaphore_mem>>)
    %dma_wait3A_305 = arith.constant 4 : i32
    %dma_wait3A_306 = arith.constant 0 : i32
    %dma_wait3A_307 = arith.constant 0 : i32
    %dma_wait3A_308 = arith.constant 0 : i32
    %dma_wait3A_309 = tpu.memref_slice %arg7[%dma_wait3A_306, %dma_wait3A_307, %dma_wait3A_308] : memref<4x50x128xf32, #tpu.memory_space<vmem>> -> memref<1x50x128xf32, #tpu.memory_space<vmem>>
    %dma_wait3A_310 = tpu.memref_squeeze %dma_wait3A_309 : memref<1x50x128xf32, #tpu.memory_space<vmem>> -> memref<50x128xf32, #tpu.memory_space<vmem>>
    %dma_wait3A_311 = arith.constant 0 : i32
    %dma_wait3A_312 = tpu.memref_slice %arg5[%dma_wait3A_305, %dma_wait3A_311] : memref<128x50xi32, #tpu.memory_space<vmem>> -> memref<1x50xi32, #tpu.memory_space<vmem>>
    %dma_wait3A_313 = tpu.memref_squeeze %dma_wait3A_312 : memref<1x50xi32, #tpu.memory_space<vmem>> -> memref<50xi32, #tpu.memory_space<vmem>>
    %dma_wait3A_314 = arith.constant 0 : i32
    %dma_wait3A_315 = arith.constant 0 : i32
    %dma_wait3A_316 = tpu.memref_slice %arg2[%dma_wait3A_314, %dma_wait3A_315] : memref<100000x128xf32, #tpu.memory_space<hbm>> -> memref<100000x128xf32, #tpu.memory_space<hbm>>
    tpu.wait_indirect_dma semaphore(%arg10 : memref<!tpu.dma_semaphore, #tpu.memory_space<semaphore_mem>>) src(%dma_wait3A_316 : memref<100000x128xf32, #tpu.memory_space<hbm>>) dst(%dma_wait3A_310 : memref<50x128xf32, #tpu.memory_space<vmem>>)
    %dma_wait3A_317 = arith.constant 5 : i32
    %dma_wait3A_318 = arith.constant 1 : i32
    %dma_wait3A_319 = arith.constant 0 : i32
    %dma_wait3A_320 = arith.constant 0 : i32
    %dma_wait3A_321 = tpu.memref_slice %arg7[%dma_wait3A_318, %dma_wait3A_319, %dma_wait3A_320] : memref<4x50x128xf32, #tpu.memory_space<vmem>> -> memref<1x50x128xf32, #tpu.memory_space<vmem>>
    %dma_wait3A_322 = tpu.memref_squeeze %dma_wait3A_321 : memref<1x50x128xf32, #tpu.memory_space<vmem>> -> memref<50x128xf32, #tpu.memory_space<vmem>>
    %dma_wait3A_323 = arith.constant 0 : i32
    %dma_wait3A_324 = tpu.memref_slice %arg5[%dma_wait3A_317, %dma_wait3A_323] : memref<128x50xi32, #tpu.memory_space<vmem>> -> memref<1x50xi32, #tpu.memory_space<vmem>>
    %dma_wait3A_325 = tpu.memref_squeeze %dma_wait3A_324 : memref<1x50xi32, #tpu.memory_space<vmem>> -> memref<50xi32, #tpu.memory_space<vmem>>
    %dma_wait3A_326 = arith.constant 0 : i32
    %dma_wait3A_327 = arith.constant 0 : i32
    %dma_wait3A_328 = tpu.memref_slice %arg2[%dma_wait3A_326, %dma_wait3A_327] : memref<100000x128xf32, #tpu.memory_space<hbm>> -> memref<100000x128xf32, #tpu.memory_space<hbm>>
    tpu.wait_indirect_dma semaphore(%arg10 : memref<!tpu.dma_semaphore, #tpu.memory_space<semaphore_mem>>) src(%dma_wait3A_328 : memref<100000x128xf32, #tpu.memory_space<hbm>>) dst(%dma_wait3A_322 : memref<50x128xf32, #tpu.memory_space<vmem>>)
    %dma_wait3A_329 = arith.constant 6 : i32
    %dma_wait3A_330 = arith.constant 2 : i32
    %dma_wait3A_331 = arith.constant 0 : i32
    %dma_wait3A_332 = arith.constant 0 : i32
    %dma_wait3A_333 = tpu.memref_slice %arg7[%dma_wait3A_330, %dma_wait3A_331, %dma_wait3A_332] : memref<4x50x128xf32, #tpu.memory_space<vmem>> -> memref<1x50x128xf32, #tpu.memory_space<vmem>>
    %dma_wait3A_334 = tpu.memref_squeeze %dma_wait3A_333 : memref<1x50x128xf32, #tpu.memory_space<vmem>> -> memref<50x128xf32, #tpu.memory_space<vmem>>
    %dma_wait3A_335 = arith.constant 0 : i32
    %dma_wait3A_336 = tpu.memref_slice %arg5[%dma_wait3A_329, %dma_wait3A_335] : memref<128x50xi32, #tpu.memory_space<vmem>> -> memref<1x50xi32, #tpu.memory_space<vmem>>
    %dma_wait3A_337 = tpu.memref_squeeze %dma_wait3A_336 : memref<1x50xi32, #tpu.memory_space<vmem>> -> memref<50xi32, #tpu.memory_space<vmem>>
    %dma_wait3A_338 = arith.constant 0 : i32
    %dma_wait3A_339 = arith.constant 0 : i32
    %dma_wait3A_340 = tpu.memref_slice %arg2[%dma_wait3A_338, %dma_wait3A_339] : memref<100000x128xf32, #tpu.memory_space<hbm>> -> memref<100000x128xf32, #tpu.memory_space<hbm>>
    tpu.wait_indirect_dma semaphore(%arg10 : memref<!tpu.dma_semaphore, #tpu.memory_space<semaphore_mem>>) src(%dma_wait3A_340 : memref<100000x128xf32, #tpu.memory_space<hbm>>) dst(%dma_wait3A_334 : memref<50x128xf32, #tpu.memory_space<vmem>>)
    %dma_wait3A_341 = arith.constant 7 : i32
    %dma_wait3A_342 = arith.constant 3 : i32
    %dma_wait3A_343 = arith.constant 0 : i32
    %dma_wait3A_344 = arith.constant 0 : i32
    %dma_wait3A_345 = tpu.memref_slice %arg7[%dma_wait3A_342, %dma_wait3A_343, %dma_wait3A_344] : memref<4x50x128xf32, #tpu.memory_space<vmem>> -> memref<1x50x128xf32, #tpu.memory_space<vmem>>
    %dma_wait3A_346 = tpu.memref_squeeze %dma_wait3A_345 : memref<1x50x128xf32, #tpu.memory_space<vmem>> -> memref<50x128xf32, #tpu.memory_space<vmem>>
    %dma_wait3A_347 = arith.constant 0 : i32
    %dma_wait3A_348 = tpu.memref_slice %arg5[%dma_wait3A_341, %dma_wait3A_347] : memref<128x50xi32, #tpu.memory_space<vmem>> -> memref<1x50xi32, #tpu.memory_space<vmem>>
    %dma_wait3A_349 = tpu.memref_squeeze %dma_wait3A_348 : memref<1x50xi32, #tpu.memory_space<vmem>> -> memref<50xi32, #tpu.memory_space<vmem>>
    %dma_wait3A_350 = arith.constant 0 : i32
    %dma_wait3A_351 = arith.constant 0 : i32
    %dma_wait3A_352 = tpu.memref_slice %arg2[%dma_wait3A_350, %dma_wait3A_351] : memref<100000x128xf32, #tpu.memory_space<hbm>> -> memref<100000x128xf32, #tpu.memory_space<hbm>>
    tpu.wait_indirect_dma semaphore(%arg10 : memref<!tpu.dma_semaphore, #tpu.memory_space<semaphore_mem>>) src(%dma_wait3A_352 : memref<100000x128xf32, #tpu.memory_space<hbm>>) dst(%dma_wait3A_346 : memref<50x128xf32, #tpu.memory_space<vmem>>)
    %add3A_353 = arith.constant 4 : i32
    %add3A_354 = arith.addi %mul3A_2, %add3A_353 : i32
    %dma_start3A_355 = arith.constant 0 : i32
    %dma_start3A_356 = arith.constant 0 : i32
    %dma_start3A_357 = tpu.memref_slice %arg4[%add3A_354, %dma_start3A_355, %dma_start3A_356] : memref<4096x50x128xf32, #tpu.memory_space<hbm>> -> memref<4x50x128xf32, #tpu.memory_space<hbm>>
    %dma_start3A_358 = arith.constant 0 : i32
    %dma_start3A_359 = arith.constant 0 : i32
    %dma_start3A_360 = tpu.memref_slice %arg4[%add3A_354, %dma_start3A_358, %dma_start3A_359] : memref<4096x50x128xf32, #tpu.memory_space<hbm>> -> memref<4x50x128xf32, #tpu.memory_space<hbm>>
    tpu.enqueue_dma source(%arg7 : memref<4x50x128xf32, #tpu.memory_space<vmem>>) target(%dma_start3A_360 : memref<4x50x128xf32, #tpu.memory_space<hbm>>) target_semaphore(%arg11 : memref<!tpu.dma_semaphore, #tpu.memory_space<semaphore_mem>>)
    %add3A_361 = arith.constant 4 : i32
    %add3A_362 = arith.addi %mul3A_2, %add3A_361 : i32
    %dma_wait3A_363 = arith.constant 0 : i32
    %dma_wait3A_364 = arith.constant 0 : i32
    %dma_wait3A_365 = tpu.memref_slice %arg4[%add3A_362, %dma_wait3A_363, %dma_wait3A_364] : memref<4096x50x128xf32, #tpu.memory_space<hbm>> -> memref<4x50x128xf32, #tpu.memory_space<hbm>>
    %dma_wait3A_366 = arith.constant 0 : i32
    %dma_wait3A_367 = arith.constant 0 : i32
    %dma_wait3A_368 = tpu.memref_slice %arg4[%add3A_362, %dma_wait3A_366, %dma_wait3A_367] : memref<4096x50x128xf32, #tpu.memory_space<hbm>> -> memref<4x50x128xf32, #tpu.memory_space<hbm>>
    tpu.wait_dma2 semaphore(%arg11 : memref<!tpu.dma_semaphore, #tpu.memory_space<semaphore_mem>>) src(%arg7 : memref<4x50x128xf32, #tpu.memory_space<vmem>>) dst(%dma_wait3A_368 : memref<4x50x128xf32, #tpu.memory_space<hbm>>)
    %dma_start3A_369 = arith.constant 20 : i32
    %dma_start3A_370 = arith.constant 0 : i32
    %dma_start3A_371 = arith.constant 0 : i32
    %dma_start3A_372 = arith.constant 0 : i32
    %dma_start3A_373 = tpu.memref_slice %arg7[%dma_start3A_370, %dma_start3A_371, %dma_start3A_372] : memref<4x50x128xf32, #tpu.memory_space<vmem>> -> memref<1x50x128xf32, #tpu.memory_space<vmem>>
    %dma_start3A_374 = tpu.memref_squeeze %dma_start3A_373 : memref<1x50x128xf32, #tpu.memory_space<vmem>> -> memref<50x128xf32, #tpu.memory_space<vmem>>
    %dma_start3A_375 = arith.constant 0 : i32
    %dma_start3A_376 = tpu.memref_slice %arg5[%dma_start3A_369, %dma_start3A_375] : memref<128x50xi32, #tpu.memory_space<vmem>> -> memref<1x50xi32, #tpu.memory_space<vmem>>
    %dma_start3A_377 = tpu.memref_squeeze %dma_start3A_376 : memref<1x50xi32, #tpu.memory_space<vmem>> -> memref<50xi32, #tpu.memory_space<vmem>>
    %dma_start3A_378 = arith.constant 0 : i32
    %dma_start3A_379 = arith.constant 0 : i32
    %dma_start3A_380 = tpu.memref_slice %arg2[%dma_start3A_378, %dma_start3A_379] : memref<100000x128xf32, #tpu.memory_space<hbm>> -> memref<100000x128xf32, #tpu.memory_space<hbm>>
    tpu.enqueue_indirect_dma source(%dma_start3A_380 : memref<100000x128xf32, #tpu.memory_space<hbm>>) target(%dma_start3A_374 : memref<50x128xf32, #tpu.memory_space<vmem>>) offsets(%dma_start3A_377 : memref<50xi32, #tpu.memory_space<vmem>>) semaphore(%arg10 : memref<!tpu.dma_semaphore, #tpu.memory_space<semaphore_mem>>)
    %dma_start3A_381 = arith.constant 21 : i32
    %dma_start3A_382 = arith.constant 1 : i32
    %dma_start3A_383 = arith.constant 0 : i32
    %dma_start3A_384 = arith.constant 0 : i32
    %dma_start3A_385 = tpu.memref_slice %arg7[%dma_start3A_382, %dma_start3A_383, %dma_start3A_384] : memref<4x50x128xf32, #tpu.memory_space<vmem>> -> memref<1x50x128xf32, #tpu.memory_space<vmem>>
    %dma_start3A_386 = tpu.memref_squeeze %dma_start3A_385 : memref<1x50x128xf32, #tpu.memory_space<vmem>> -> memref<50x128xf32, #tpu.memory_space<vmem>>
    %dma_start3A_387 = arith.constant 0 : i32
    %dma_start3A_388 = tpu.memref_slice %arg5[%dma_start3A_381, %dma_start3A_387] : memref<128x50xi32, #tpu.memory_space<vmem>> -> memref<1x50xi32, #tpu.memory_space<vmem>>
    %dma_start3A_389 = tpu.memref_squeeze %dma_start3A_388 : memref<1x50xi32, #tpu.memory_space<vmem>> -> memref<50xi32, #tpu.memory_space<vmem>>
    %dma_start3A_390 = arith.constant 0 : i32
    %dma_start3A_391 = arith.constant 0 : i32
    %dma_start3A_392 = tpu.memref_slice %arg2[%dma_start3A_390, %dma_start3A_391] : memref<100000x128xf32, #tpu.memory_space<hbm>> -> memref<100000x128xf32, #tpu.memory_space<hbm>>
    tpu.enqueue_indirect_dma source(%dma_start3A_392 : memref<100000x128xf32, #tpu.memory_space<hbm>>) target(%dma_start3A_386 : memref<50x128xf32, #tpu.memory_space<vmem>>) offsets(%dma_start3A_389 : memref<50xi32, #tpu.memory_space<vmem>>) semaphore(%arg10 : memref<!tpu.dma_semaphore, #tpu.memory_space<semaphore_mem>>)
    %dma_start3A_393 = arith.constant 22 : i32
    %dma_start3A_394 = arith.constant 2 : i32
    %dma_start3A_395 = arith.constant 0 : i32
    %dma_start3A_396 = arith.constant 0 : i32
    %dma_start3A_397 = tpu.memref_slice %arg7[%dma_start3A_394, %dma_start3A_395, %dma_start3A_396] : memref<4x50x128xf32, #tpu.memory_space<vmem>> -> memref<1x50x128xf32, #tpu.memory_space<vmem>>
    %dma_start3A_398 = tpu.memref_squeeze %dma_start3A_397 : memref<1x50x128xf32, #tpu.memory_space<vmem>> -> memref<50x128xf32, #tpu.memory_space<vmem>>
    %dma_start3A_399 = arith.constant 0 : i32
    %dma_start3A_400 = tpu.memref_slice %arg5[%dma_start3A_393, %dma_start3A_399] : memref<128x50xi32, #tpu.memory_space<vmem>> -> memref<1x50xi32, #tpu.memory_space<vmem>>
    %dma_start3A_401 = tpu.memref_squeeze %dma_start3A_400 : memref<1x50xi32, #tpu.memory_space<vmem>> -> memref<50xi32, #tpu.memory_space<vmem>>
    %dma_start3A_402 = arith.constant 0 : i32
    %dma_start3A_403 = arith.constant 0 : i32
    %dma_start3A_404 = tpu.memref_slice %arg2[%dma_start3A_402, %dma_start3A_403] : memref<100000x128xf32, #tpu.memory_space<hbm>> -> memref<100000x128xf32, #tpu.memory_space<hbm>>
    tpu.enqueue_indirect_dma source(%dma_start3A_404 : memref<100000x128xf32, #tpu.memory_space<hbm>>) target(%dma_start3A_398 : memref<50x128xf32, #tpu.memory_space<vmem>>) offsets(%dma_start3A_401 : memref<50xi32, #tpu.memory_space<vmem>>) semaphore(%arg10 : memref<!tpu.dma_semaphore, #tpu.memory_space<semaphore_mem>>)
    %dma_start3A_405 = arith.constant 23 : i32
    %dma_start3A_406 = arith.constant 3 : i32
    %dma_start3A_407 = arith.constant 0 : i32
    %dma_start3A_408 = arith.constant 0 : i32
    %dma_start3A_409 = tpu.memref_slice %arg7[%dma_start3A_406, %dma_start3A_407, %dma_start3A_408] : memref<4x50x128xf32, #tpu.memory_space<vmem>> -> memref<1x50x128xf32, #tpu.memory_space<vmem>>
    %dma_start3A_410 = tpu.memref_squeeze %dma_start3A_409 : memref<1x50x128xf32, #tpu.memory_space<vmem>> -> memref<50x128xf32, #tpu.memory_space<vmem>>
    %dma_start3A_411 = arith.constant 0 : i32
    %dma_start3A_412 = tpu.memref_slice %arg5[%dma_start3A_405, %dma_start3A_411] : memref<128x50xi32, #tpu.memory_space<vmem>> -> memref<1x50xi32, #tpu.memory_space<vmem>>
    %dma_start3A_413 = tpu.memref_squeeze %dma_start3A_412 : memref<1x50xi32, #tpu.memory_space<vmem>> -> memref<50xi32, #tpu.memory_space<vmem>>
    %dma_start3A_414 = arith.constant 0 : i32
    %dma_start3A_415 = arith.constant 0 : i32
    %dma_start3A_416 = tpu.memref_slice %arg2[%dma_start3A_414, %dma_start3A_415] : memref<100000x128xf32, #tpu.memory_space<hbm>> -> memref<100000x128xf32, #tpu.memory_space<hbm>>
    tpu.enqueue_indirect_dma source(%dma_start3A_416 : memref<100000x128xf32, #tpu.memory_space<hbm>>) target(%dma_start3A_410 : memref<50x128xf32, #tpu.memory_space<vmem>>) offsets(%dma_start3A_413 : memref<50xi32, #tpu.memory_space<vmem>>) semaphore(%arg10 : memref<!tpu.dma_semaphore, #tpu.memory_space<semaphore_mem>>)
    %dma_wait3A_417 = arith.constant 8 : i32
    %dma_wait3A_418 = arith.constant 0 : i32
    %dma_wait3A_419 = arith.constant 0 : i32
    %dma_wait3A_420 = arith.constant 0 : i32
    %dma_wait3A_421 = tpu.memref_slice %arg8[%dma_wait3A_418, %dma_wait3A_419, %dma_wait3A_420] : memref<4x50x128xf32, #tpu.memory_space<vmem>> -> memref<1x50x128xf32, #tpu.memory_space<vmem>>
    %dma_wait3A_422 = tpu.memref_squeeze %dma_wait3A_421 : memref<1x50x128xf32, #tpu.memory_space<vmem>> -> memref<50x128xf32, #tpu.memory_space<vmem>>
    %dma_wait3A_423 = arith.constant 0 : i32
    %dma_wait3A_424 = tpu.memref_slice %arg5[%dma_wait3A_417, %dma_wait3A_423] : memref<128x50xi32, #tpu.memory_space<vmem>> -> memref<1x50xi32, #tpu.memory_space<vmem>>
    %dma_wait3A_425 = tpu.memref_squeeze %dma_wait3A_424 : memref<1x50xi32, #tpu.memory_space<vmem>> -> memref<50xi32, #tpu.memory_space<vmem>>
    %dma_wait3A_426 = arith.constant 0 : i32
    %dma_wait3A_427 = arith.constant 0 : i32
    %dma_wait3A_428 = tpu.memref_slice %arg2[%dma_wait3A_426, %dma_wait3A_427] : memref<100000x128xf32, #tpu.memory_space<hbm>> -> memref<100000x128xf32, #tpu.memory_space<hbm>>
    tpu.wait_indirect_dma semaphore(%arg10 : memref<!tpu.dma_semaphore, #tpu.memory_space<semaphore_mem>>) src(%dma_wait3A_428 : memref<100000x128xf32, #tpu.memory_space<hbm>>) dst(%dma_wait3A_422 : memref<50x128xf32, #tpu.memory_space<vmem>>)
    %dma_wait3A_429 = arith.constant 9 : i32
    %dma_wait3A_430 = arith.constant 1 : i32
    %dma_wait3A_431 = arith.constant 0 : i32
    %dma_wait3A_432 = arith.constant 0 : i32
    %dma_wait3A_433 = tpu.memref_slice %arg8[%dma_wait3A_430, %dma_wait3A_431, %dma_wait3A_432] : memref<4x50x128xf32, #tpu.memory_space<vmem>> -> memref<1x50x128xf32, #tpu.memory_space<vmem>>
    %dma_wait3A_434 = tpu.memref_squeeze %dma_wait3A_433 : memref<1x50x128xf32, #tpu.memory_space<vmem>> -> memref<50x128xf32, #tpu.memory_space<vmem>>
    %dma_wait3A_435 = arith.constant 0 : i32
    %dma_wait3A_436 = tpu.memref_slice %arg5[%dma_wait3A_429, %dma_wait3A_435] : memref<128x50xi32, #tpu.memory_space<vmem>> -> memref<1x50xi32, #tpu.memory_space<vmem>>
    %dma_wait3A_437 = tpu.memref_squeeze %dma_wait3A_436 : memref<1x50xi32, #tpu.memory_space<vmem>> -> memref<50xi32, #tpu.memory_space<vmem>>
    %dma_wait3A_438 = arith.constant 0 : i32
    %dma_wait3A_439 = arith.constant 0 : i32
    %dma_wait3A_440 = tpu.memref_slice %arg2[%dma_wait3A_438, %dma_wait3A_439] : memref<100000x128xf32, #tpu.memory_space<hbm>> -> memref<100000x128xf32, #tpu.memory_space<hbm>>
    tpu.wait_indirect_dma semaphore(%arg10 : memref<!tpu.dma_semaphore, #tpu.memory_space<semaphore_mem>>) src(%dma_wait3A_440 : memref<100000x128xf32, #tpu.memory_space<hbm>>) dst(%dma_wait3A_434 : memref<50x128xf32, #tpu.memory_space<vmem>>)
    %dma_wait3A_441 = arith.constant 10 : i32
    %dma_wait3A_442 = arith.constant 2 : i32
    %dma_wait3A_443 = arith.constant 0 : i32
    %dma_wait3A_444 = arith.constant 0 : i32
    %dma_wait3A_445 = tpu.memref_slice %arg8[%dma_wait3A_442, %dma_wait3A_443, %dma_wait3A_444] : memref<4x50x128xf32, #tpu.memory_space<vmem>> -> memref<1x50x128xf32, #tpu.memory_space<vmem>>
    %dma_wait3A_446 = tpu.memref_squeeze %dma_wait3A_445 : memref<1x50x128xf32, #tpu.memory_space<vmem>> -> memref<50x128xf32, #tpu.memory_space<vmem>>
    %dma_wait3A_447 = arith.constant 0 : i32
    %dma_wait3A_448 = tpu.memref_slice %arg5[%dma_wait3A_441, %dma_wait3A_447] : memref<128x50xi32, #tpu.memory_space<vmem>> -> memref<1x50xi32, #tpu.memory_space<vmem>>
    %dma_wait3A_449 = tpu.memref_squeeze %dma_wait3A_448 : memref<1x50xi32, #tpu.memory_space<vmem>> -> memref<50xi32, #tpu.memory_space<vmem>>
    %dma_wait3A_450 = arith.constant 0 : i32
    %dma_wait3A_451 = arith.constant 0 : i32
    %dma_wait3A_452 = tpu.memref_slice %arg2[%dma_wait3A_450, %dma_wait3A_451] : memref<100000x128xf32, #tpu.memory_space<hbm>> -> memref<100000x128xf32, #tpu.memory_space<hbm>>
    tpu.wait_indirect_dma semaphore(%arg10 : memref<!tpu.dma_semaphore, #tpu.memory_space<semaphore_mem>>) src(%dma_wait3A_452 : memref<100000x128xf32, #tpu.memory_space<hbm>>) dst(%dma_wait3A_446 : memref<50x128xf32, #tpu.memory_space<vmem>>)
    %dma_wait3A_453 = arith.constant 11 : i32
    %dma_wait3A_454 = arith.constant 3 : i32
    %dma_wait3A_455 = arith.constant 0 : i32
    %dma_wait3A_456 = arith.constant 0 : i32
    %dma_wait3A_457 = tpu.memref_slice %arg8[%dma_wait3A_454, %dma_wait3A_455, %dma_wait3A_456] : memref<4x50x128xf32, #tpu.memory_space<vmem>> -> memref<1x50x128xf32, #tpu.memory_space<vmem>>
    %dma_wait3A_458 = tpu.memref_squeeze %dma_wait3A_457 : memref<1x50x128xf32, #tpu.memory_space<vmem>> -> memref<50x128xf32, #tpu.memory_space<vmem>>
    %dma_wait3A_459 = arith.constant 0 : i32
    %dma_wait3A_460 = tpu.memref_slice %arg5[%dma_wait3A_453, %dma_wait3A_459] : memref<128x50xi32, #tpu.memory_space<vmem>> -> memref<1x50xi32, #tpu.memory_space<vmem>>
    %dma_wait3A_461 = tpu.memref_squeeze %dma_wait3A_460 : memref<1x50xi32, #tpu.memory_space<vmem>> -> memref<50xi32, #tpu.memory_space<vmem>>
    %dma_wait3A_462 = arith.constant 0 : i32
    %dma_wait3A_463 = arith.constant 0 : i32
    %dma_wait3A_464 = tpu.memref_slice %arg2[%dma_wait3A_462, %dma_wait3A_463] : memref<100000x128xf32, #tpu.memory_space<hbm>> -> memref<100000x128xf32, #tpu.memory_space<hbm>>
    tpu.wait_indirect_dma semaphore(%arg10 : memref<!tpu.dma_semaphore, #tpu.memory_space<semaphore_mem>>) src(%dma_wait3A_464 : memref<100000x128xf32, #tpu.memory_space<hbm>>) dst(%dma_wait3A_458 : memref<50x128xf32, #tpu.memory_space<vmem>>)
    %add3A_465 = arith.constant 8 : i32
    %add3A_466 = arith.addi %mul3A_2, %add3A_465 : i32
    %dma_start3A_467 = arith.constant 0 : i32
    %dma_start3A_468 = arith.constant 0 : i32
    %dma_start3A_469 = tpu.memref_slice %arg4[%add3A_466, %dma_start3A_467, %dma_start3A_468] : memref<4096x50x128xf32, #tpu.memory_space<hbm>> -> memref<4x50x128xf32, #tpu.memory_space<hbm>>
    %dma_start3A_470 = arith.constant 0 : i32
    %dma_start3A_471 = arith.constant 0 : i32
    %dma_start3A_472 = tpu.memref_slice %arg4[%add3A_466, %dma_start3A_470, %dma_start3A_471] : memref<4096x50x128xf32, #tpu.memory_space<hbm>> -> memref<4x50x128xf32, #tpu.memory_space<hbm>>
    tpu.enqueue_dma source(%arg8 : memref<4x50x128xf32, #tpu.memory_space<vmem>>) target(%dma_start3A_472 : memref<4x50x128xf32, #tpu.memory_space<hbm>>) target_semaphore(%arg11 : memref<!tpu.dma_semaphore, #tpu.memory_space<semaphore_mem>>)
    %add3A_473 = arith.constant 8 : i32
    %add3A_474 = arith.addi %mul3A_2, %add3A_473 : i32
    %dma_wait3A_475 = arith.constant 0 : i32
    %dma_wait3A_476 = arith.constant 0 : i32
    %dma_wait3A_477 = tpu.memref_slice %arg4[%add3A_474, %dma_wait3A_475, %dma_wait3A_476] : memref<4096x50x128xf32, #tpu.memory_space<hbm>> -> memref<4x50x128xf32, #tpu.memory_space<hbm>>
    %dma_wait3A_478 = arith.constant 0 : i32
    %dma_wait3A_479 = arith.constant 0 : i32
    %dma_wait3A_480 = tpu.memref_slice %arg4[%add3A_474, %dma_wait3A_478, %dma_wait3A_479] : memref<4096x50x128xf32, #tpu.memory_space<hbm>> -> memref<4x50x128xf32, #tpu.memory_space<hbm>>
    tpu.wait_dma2 semaphore(%arg11 : memref<!tpu.dma_semaphore, #tpu.memory_space<semaphore_mem>>) src(%arg8 : memref<4x50x128xf32, #tpu.memory_space<vmem>>) dst(%dma_wait3A_480 : memref<4x50x128xf32, #tpu.memory_space<hbm>>)
    %dma_start3A_481 = arith.constant 24 : i32
    %dma_start3A_482 = arith.constant 0 : i32
    %dma_start3A_483 = arith.constant 0 : i32
    %dma_start3A_484 = arith.constant 0 : i32
    %dma_start3A_485 = tpu.memref_slice %arg8[%dma_start3A_482, %dma_start3A_483, %dma_start3A_484] : memref<4x50x128xf32, #tpu.memory_space<vmem>> -> memref<1x50x128xf32, #tpu.memory_space<vmem>>
    %dma_start3A_486 = tpu.memref_squeeze %dma_start3A_485 : memref<1x50x128xf32, #tpu.memory_space<vmem>> -> memref<50x128xf32, #tpu.memory_space<vmem>>
    %dma_start3A_487 = arith.constant 0 : i32
    %dma_start3A_488 = tpu.memref_slice %arg5[%dma_start3A_481, %dma_start3A_487] : memref<128x50xi32, #tpu.memory_space<vmem>> -> memref<1x50xi32, #tpu.memory_space<vmem>>
    %dma_start3A_489 = tpu.memref_squeeze %dma_start3A_488 : memref<1x50xi32, #tpu.memory_space<vmem>> -> memref<50xi32, #tpu.memory_space<vmem>>
    %dma_start3A_490 = arith.constant 0 : i32
    %dma_start3A_491 = arith.constant 0 : i32
    %dma_start3A_492 = tpu.memref_slice %arg2[%dma_start3A_490, %dma_start3A_491] : memref<100000x128xf32, #tpu.memory_space<hbm>> -> memref<100000x128xf32, #tpu.memory_space<hbm>>
    tpu.enqueue_indirect_dma source(%dma_start3A_492 : memref<100000x128xf32, #tpu.memory_space<hbm>>) target(%dma_start3A_486 : memref<50x128xf32, #tpu.memory_space<vmem>>) offsets(%dma_start3A_489 : memref<50xi32, #tpu.memory_space<vmem>>) semaphore(%arg10 : memref<!tpu.dma_semaphore, #tpu.memory_space<semaphore_mem>>)
    %dma_start3A_493 = arith.constant 25 : i32
    %dma_start3A_494 = arith.constant 1 : i32
    %dma_start3A_495 = arith.constant 0 : i32
    %dma_start3A_496 = arith.constant 0 : i32
    %dma_start3A_497 = tpu.memref_slice %arg8[%dma_start3A_494, %dma_start3A_495, %dma_start3A_496] : memref<4x50x128xf32, #tpu.memory_space<vmem>> -> memref<1x50x128xf32, #tpu.memory_space<vmem>>
    %dma_start3A_498 = tpu.memref_squeeze %dma_start3A_497 : memref<1x50x128xf32, #tpu.memory_space<vmem>> -> memref<50x128xf32, #tpu.memory_space<vmem>>
    %dma_start3A_499 = arith.constant 0 : i32
    %dma_start3A_500 = tpu.memref_slice %arg5[%dma_start3A_493, %dma_start3A_499] : memref<128x50xi32, #tpu.memory_space<vmem>> -> memref<1x50xi32, #tpu.memory_space<vmem>>
    %dma_start3A_501 = tpu.memref_squeeze %dma_start3A_500 : memref<1x50xi32, #tpu.memory_space<vmem>> -> memref<50xi32, #tpu.memory_space<vmem>>
    %dma_start3A_502 = arith.constant 0 : i32
    %dma_start3A_503 = arith.constant 0 : i32
    %dma_start3A_504 = tpu.memref_slice %arg2[%dma_start3A_502, %dma_start3A_503] : memref<100000x128xf32, #tpu.memory_space<hbm>> -> memref<100000x128xf32, #tpu.memory_space<hbm>>
    tpu.enqueue_indirect_dma source(%dma_start3A_504 : memref<100000x128xf32, #tpu.memory_space<hbm>>) target(%dma_start3A_498 : memref<50x128xf32, #tpu.memory_space<vmem>>) offsets(%dma_start3A_501 : memref<50xi32, #tpu.memory_space<vmem>>) semaphore(%arg10 : memref<!tpu.dma_semaphore, #tpu.memory_space<semaphore_mem>>)
    %dma_start3A_505 = arith.constant 26 : i32
    %dma_start3A_506 = arith.constant 2 : i32
    %dma_start3A_507 = arith.constant 0 : i32
    %dma_start3A_508 = arith.constant 0 : i32
    %dma_start3A_509 = tpu.memref_slice %arg8[%dma_start3A_506, %dma_start3A_507, %dma_start3A_508] : memref<4x50x128xf32, #tpu.memory_space<vmem>> -> memref<1x50x128xf32, #tpu.memory_space<vmem>>
    %dma_start3A_510 = tpu.memref_squeeze %dma_start3A_509 : memref<1x50x128xf32, #tpu.memory_space<vmem>> -> memref<50x128xf32, #tpu.memory_space<vmem>>
    %dma_start3A_511 = arith.constant 0 : i32
    %dma_start3A_512 = tpu.memref_slice %arg5[%dma_start3A_505, %dma_start3A_511] : memref<128x50xi32, #tpu.memory_space<vmem>> -> memref<1x50xi32, #tpu.memory_space<vmem>>
    %dma_start3A_513 = tpu.memref_squeeze %dma_start3A_512 : memref<1x50xi32, #tpu.memory_space<vmem>> -> memref<50xi32, #tpu.memory_space<vmem>>
    %dma_start3A_514 = arith.constant 0 : i32
    %dma_start3A_515 = arith.constant 0 : i32
    %dma_start3A_516 = tpu.memref_slice %arg2[%dma_start3A_514, %dma_start3A_515] : memref<100000x128xf32, #tpu.memory_space<hbm>> -> memref<100000x128xf32, #tpu.memory_space<hbm>>
    tpu.enqueue_indirect_dma source(%dma_start3A_516 : memref<100000x128xf32, #tpu.memory_space<hbm>>) target(%dma_start3A_510 : memref<50x128xf32, #tpu.memory_space<vmem>>) offsets(%dma_start3A_513 : memref<50xi32, #tpu.memory_space<vmem>>) semaphore(%arg10 : memref<!tpu.dma_semaphore, #tpu.memory_space<semaphore_mem>>)
    %dma_start3A_517 = arith.constant 27 : i32
    %dma_start3A_518 = arith.constant 3 : i32
    %dma_start3A_519 = arith.constant 0 : i32
    %dma_start3A_520 = arith.constant 0 : i32
    %dma_start3A_521 = tpu.memref_slice %arg8[%dma_start3A_518, %dma_start3A_519, %dma_start3A_520] : memref<4x50x128xf32, #tpu.memory_space<vmem>> -> memref<1x50x128xf32, #tpu.memory_space<vmem>>
    %dma_start3A_522 = tpu.memref_squeeze %dma_start3A_521 : memref<1x50x128xf32, #tpu.memory_space<vmem>> -> memref<50x128xf32, #tpu.memory_space<vmem>>
    %dma_start3A_523 = arith.constant 0 : i32
    %dma_start3A_524 = tpu.memref_slice %arg5[%dma_start3A_517, %dma_start3A_523] : memref<128x50xi32, #tpu.memory_space<vmem>> -> memref<1x50xi32, #tpu.memory_space<vmem>>
    %dma_start3A_525 = tpu.memref_squeeze %dma_start3A_524 : memref<1x50xi32, #tpu.memory_space<vmem>> -> memref<50xi32, #tpu.memory_space<vmem>>
    %dma_start3A_526 = arith.constant 0 : i32
    %dma_start3A_527 = arith.constant 0 : i32
    %dma_start3A_528 = tpu.memref_slice %arg2[%dma_start3A_526, %dma_start3A_527] : memref<100000x128xf32, #tpu.memory_space<hbm>> -> memref<100000x128xf32, #tpu.memory_space<hbm>>
    tpu.enqueue_indirect_dma source(%dma_start3A_528 : memref<100000x128xf32, #tpu.memory_space<hbm>>) target(%dma_start3A_522 : memref<50x128xf32, #tpu.memory_space<vmem>>) offsets(%dma_start3A_525 : memref<50xi32, #tpu.memory_space<vmem>>) semaphore(%arg10 : memref<!tpu.dma_semaphore, #tpu.memory_space<semaphore_mem>>)
    %dma_wait3A_529 = arith.constant 12 : i32
    %dma_wait3A_530 = arith.constant 0 : i32
    %dma_wait3A_531 = arith.constant 0 : i32
    %dma_wait3A_532 = arith.constant 0 : i32
    %dma_wait3A_533 = tpu.memref_slice %arg9[%dma_wait3A_530, %dma_wait3A_531, %dma_wait3A_532] : memref<4x50x128xf32, #tpu.memory_space<vmem>> -> memref<1x50x128xf32, #tpu.memory_space<vmem>>
    %dma_wait3A_534 = tpu.memref_squeeze %dma_wait3A_533 : memref<1x50x128xf32, #tpu.memory_space<vmem>> -> memref<50x128xf32, #tpu.memory_space<vmem>>
    %dma_wait3A_535 = arith.constant 0 : i32
    %dma_wait3A_536 = tpu.memref_slice %arg5[%dma_wait3A_529, %dma_wait3A_535] : memref<128x50xi32, #tpu.memory_space<vmem>> -> memref<1x50xi32, #tpu.memory_space<vmem>>
    %dma_wait3A_537 = tpu.memref_squeeze %dma_wait3A_536 : memref<1x50xi32, #tpu.memory_space<vmem>> -> memref<50xi32, #tpu.memory_space<vmem>>
    %dma_wait3A_538 = arith.constant 0 : i32
    %dma_wait3A_539 = arith.constant 0 : i32
    %dma_wait3A_540 = tpu.memref_slice %arg2[%dma_wait3A_538, %dma_wait3A_539] : memref<100000x128xf32, #tpu.memory_space<hbm>> -> memref<100000x128xf32, #tpu.memory_space<hbm>>
    tpu.wait_indirect_dma semaphore(%arg10 : memref<!tpu.dma_semaphore, #tpu.memory_space<semaphore_mem>>) src(%dma_wait3A_540 : memref<100000x128xf32, #tpu.memory_space<hbm>>) dst(%dma_wait3A_534 : memref<50x128xf32, #tpu.memory_space<vmem>>)
    %dma_wait3A_541 = arith.constant 13 : i32
    %dma_wait3A_542 = arith.constant 1 : i32
    %dma_wait3A_543 = arith.constant 0 : i32
    %dma_wait3A_544 = arith.constant 0 : i32
    %dma_wait3A_545 = tpu.memref_slice %arg9[%dma_wait3A_542, %dma_wait3A_543, %dma_wait3A_544] : memref<4x50x128xf32, #tpu.memory_space<vmem>> -> memref<1x50x128xf32, #tpu.memory_space<vmem>>
    %dma_wait3A_546 = tpu.memref_squeeze %dma_wait3A_545 : memref<1x50x128xf32, #tpu.memory_space<vmem>> -> memref<50x128xf32, #tpu.memory_space<vmem>>
    %dma_wait3A_547 = arith.constant 0 : i32
    %dma_wait3A_548 = tpu.memref_slice %arg5[%dma_wait3A_541, %dma_wait3A_547] : memref<128x50xi32, #tpu.memory_space<vmem>> -> memref<1x50xi32, #tpu.memory_space<vmem>>
    %dma_wait3A_549 = tpu.memref_squeeze %dma_wait3A_548 : memref<1x50xi32, #tpu.memory_space<vmem>> -> memref<50xi32, #tpu.memory_space<vmem>>
    %dma_wait3A_550 = arith.constant 0 : i32
    %dma_wait3A_551 = arith.constant 0 : i32
    %dma_wait3A_552 = tpu.memref_slice %arg2[%dma_wait3A_550, %dma_wait3A_551] : memref<100000x128xf32, #tpu.memory_space<hbm>> -> memref<100000x128xf32, #tpu.memory_space<hbm>>
    tpu.wait_indirect_dma semaphore(%arg10 : memref<!tpu.dma_semaphore, #tpu.memory_space<semaphore_mem>>) src(%dma_wait3A_552 : memref<100000x128xf32, #tpu.memory_space<hbm>>) dst(%dma_wait3A_546 : memref<50x128xf32, #tpu.memory_space<vmem>>)
    %dma_wait3A_553 = arith.constant 14 : i32
    %dma_wait3A_554 = arith.constant 2 : i32
    %dma_wait3A_555 = arith.constant 0 : i32
    %dma_wait3A_556 = arith.constant 0 : i32
    %dma_wait3A_557 = tpu.memref_slice %arg9[%dma_wait3A_554, %dma_wait3A_555, %dma_wait3A_556] : memref<4x50x128xf32, #tpu.memory_space<vmem>> -> memref<1x50x128xf32, #tpu.memory_space<vmem>>
    %dma_wait3A_558 = tpu.memref_squeeze %dma_wait3A_557 : memref<1x50x128xf32, #tpu.memory_space<vmem>> -> memref<50x128xf32, #tpu.memory_space<vmem>>
    %dma_wait3A_559 = arith.constant 0 : i32
    %dma_wait3A_560 = tpu.memref_slice %arg5[%dma_wait3A_553, %dma_wait3A_559] : memref<128x50xi32, #tpu.memory_space<vmem>> -> memref<1x50xi32, #tpu.memory_space<vmem>>
    %dma_wait3A_561 = tpu.memref_squeeze %dma_wait3A_560 : memref<1x50xi32, #tpu.memory_space<vmem>> -> memref<50xi32, #tpu.memory_space<vmem>>
    %dma_wait3A_562 = arith.constant 0 : i32
    %dma_wait3A_563 = arith.constant 0 : i32
    %dma_wait3A_564 = tpu.memref_slice %arg2[%dma_wait3A_562, %dma_wait3A_563] : memref<100000x128xf32, #tpu.memory_space<hbm>> -> memref<100000x128xf32, #tpu.memory_space<hbm>>
    tpu.wait_indirect_dma semaphore(%arg10 : memref<!tpu.dma_semaphore, #tpu.memory_space<semaphore_mem>>) src(%dma_wait3A_564 : memref<100000x128xf32, #tpu.memory_space<hbm>>) dst(%dma_wait3A_558 : memref<50x128xf32, #tpu.memory_space<vmem>>)
    %dma_wait3A_565 = arith.constant 15 : i32
    %dma_wait3A_566 = arith.constant 3 : i32
    %dma_wait3A_567 = arith.constant 0 : i32
    %dma_wait3A_568 = arith.constant 0 : i32
    %dma_wait3A_569 = tpu.memref_slice %arg9[%dma_wait3A_566, %dma_wait3A_567, %dma_wait3A_568] : memref<4x50x128xf32, #tpu.memory_space<vmem>> -> memref<1x50x128xf32, #tpu.memory_space<vmem>>
    %dma_wait3A_570 = tpu.memref_squeeze %dma_wait3A_569 : memref<1x50x128xf32, #tpu.memory_space<vmem>> -> memref<50x128xf32, #tpu.memory_space<vmem>>
    %dma_wait3A_571 = arith.constant 0 : i32
    %dma_wait3A_572 = tpu.memref_slice %arg5[%dma_wait3A_565, %dma_wait3A_571] : memref<128x50xi32, #tpu.memory_space<vmem>> -> memref<1x50xi32, #tpu.memory_space<vmem>>
    %dma_wait3A_573 = tpu.memref_squeeze %dma_wait3A_572 : memref<1x50xi32, #tpu.memory_space<vmem>> -> memref<50xi32, #tpu.memory_space<vmem>>
    %dma_wait3A_574 = arith.constant 0 : i32
    %dma_wait3A_575 = arith.constant 0 : i32
    %dma_wait3A_576 = tpu.memref_slice %arg2[%dma_wait3A_574, %dma_wait3A_575] : memref<100000x128xf32, #tpu.memory_space<hbm>> -> memref<100000x128xf32, #tpu.memory_space<hbm>>
    tpu.wait_indirect_dma semaphore(%arg10 : memref<!tpu.dma_semaphore, #tpu.memory_space<semaphore_mem>>) src(%dma_wait3A_576 : memref<100000x128xf32, #tpu.memory_space<hbm>>) dst(%dma_wait3A_570 : memref<50x128xf32, #tpu.memory_space<vmem>>)
    %add3A_577 = arith.constant 12 : i32
    %add3A_578 = arith.addi %mul3A_2, %add3A_577 : i32
    %dma_start3A_579 = arith.constant 0 : i32
    %dma_start3A_580 = arith.constant 0 : i32
    %dma_start3A_581 = tpu.memref_slice %arg4[%add3A_578, %dma_start3A_579, %dma_start3A_580] : memref<4096x50x128xf32, #tpu.memory_space<hbm>> -> memref<4x50x128xf32, #tpu.memory_space<hbm>>
    %dma_start3A_582 = arith.constant 0 : i32
    %dma_start3A_583 = arith.constant 0 : i32
    %dma_start3A_584 = tpu.memref_slice %arg4[%add3A_578, %dma_start3A_582, %dma_start3A_583] : memref<4096x50x128xf32, #tpu.memory_space<hbm>> -> memref<4x50x128xf32, #tpu.memory_space<hbm>>
    tpu.enqueue_dma source(%arg9 : memref<4x50x128xf32, #tpu.memory_space<vmem>>) target(%dma_start3A_584 : memref<4x50x128xf32, #tpu.memory_space<hbm>>) target_semaphore(%arg11 : memref<!tpu.dma_semaphore, #tpu.memory_space<semaphore_mem>>)
    %scan3A = arith.constant 0 : i32
    %scan3A_585 = arith.constant 1 : i32
    %scan3A_586 = arith.constant 6 : i32
    %scan3A_587 = arith.addi %scan3A_585, %scan3A_586 : i32
    %scan3A_588 = arith.constant 1 : i32
    scf.for %scan3A_902 = %scan3A_585 to %scan3A_587 step %scan3A_588  : i32 {
      %mul3A_903 = arith.constant 4 : i32
      %mul3A_904 = arith.muli %scan3A_902, %mul3A_903 : i32
      %add3A_905 = arith.constant 0 : i32
      %add3A_906 = arith.addi %mul3A_904, %add3A_905 : i32
      %sub3A = arith.constant 1 : i32
      %sub3A_907 = arith.subi %add3A_906, %sub3A : i32
      %mul3A_908 = arith.constant 4 : i32
      %mul3A_909 = arith.muli %sub3A_907, %mul3A_908 : i32
      %add3A_910 = arith.addi %mul3A_2, %mul3A_909 : i32
      %dma_wait3A_911 = arith.constant 0 : i32
      %dma_wait3A_912 = arith.constant 0 : i32
      %dma_wait3A_913 = tpu.memref_slice %arg4[%add3A_910, %dma_wait3A_911, %dma_wait3A_912] : memref<4096x50x128xf32, #tpu.memory_space<hbm>> -> memref<4x50x128xf32, #tpu.memory_space<hbm>>
      %dma_wait3A_914 = arith.constant 0 : i32
      %dma_wait3A_915 = arith.constant 0 : i32
      %dma_wait3A_916 = tpu.memref_slice %arg4[%add3A_910, %dma_wait3A_914, %dma_wait3A_915] : memref<4096x50x128xf32, #tpu.memory_space<hbm>> -> memref<4x50x128xf32, #tpu.memory_space<hbm>>
      tpu.wait_dma2 semaphore(%arg11 : memref<!tpu.dma_semaphore, #tpu.memory_space<semaphore_mem>>) src(%arg9 : memref<4x50x128xf32, #tpu.memory_space<vmem>>) dst(%dma_wait3A_916 : memref<4x50x128xf32, #tpu.memory_space<hbm>>)
      %add3A_917 = arith.constant 4 : i32
      %add3A_918 = arith.addi %add3A_906, %add3A_917 : i32
      %sub3A_919 = arith.constant 1 : i32
      %sub3A_920 = arith.subi %add3A_918, %sub3A_919 : i32
      %mul3A_921 = arith.constant 4 : i32
      %mul3A_922 = arith.muli %sub3A_920, %mul3A_921 : i32
      %add3A_923 = arith.constant 0 : i32
      %add3A_924 = arith.addi %mul3A_922, %add3A_923 : i32
      %dma_start3A_925 = arith.constant 0 : i32
      %dma_start3A_926 = arith.constant 0 : i32
      %dma_start3A_927 = arith.constant 0 : i32
      %dma_start3A_928 = tpu.memref_slice %arg9[%dma_start3A_925, %dma_start3A_926, %dma_start3A_927] : memref<4x50x128xf32, #tpu.memory_space<vmem>> -> memref<1x50x128xf32, #tpu.memory_space<vmem>>
      %dma_start3A_929 = tpu.memref_squeeze %dma_start3A_928 : memref<1x50x128xf32, #tpu.memory_space<vmem>> -> memref<50x128xf32, #tpu.memory_space<vmem>>
      %dma_start3A_930 = arith.constant 0 : i32
      %dma_start3A_931 = tpu.memref_slice %arg5[%add3A_924, %dma_start3A_930] : memref<128x50xi32, #tpu.memory_space<vmem>> -> memref<1x50xi32, #tpu.memory_space<vmem>>
      %dma_start3A_932 = tpu.memref_squeeze %dma_start3A_931 : memref<1x50xi32, #tpu.memory_space<vmem>> -> memref<50xi32, #tpu.memory_space<vmem>>
      %dma_start3A_933 = arith.constant 0 : i32
      %dma_start3A_934 = arith.constant 0 : i32
      %dma_start3A_935 = tpu.memref_slice %arg2[%dma_start3A_933, %dma_start3A_934] : memref<100000x128xf32, #tpu.memory_space<hbm>> -> memref<100000x128xf32, #tpu.memory_space<hbm>>
      tpu.enqueue_indirect_dma source(%dma_start3A_935 : memref<100000x128xf32, #tpu.memory_space<hbm>>) target(%dma_start3A_929 : memref<50x128xf32, #tpu.memory_space<vmem>>) offsets(%dma_start3A_932 : memref<50xi32, #tpu.memory_space<vmem>>) semaphore(%arg10 : memref<!tpu.dma_semaphore, #tpu.memory_space<semaphore_mem>>)
      %mul3A_936 = arith.constant 4 : i32
      %mul3A_937 = arith.muli %sub3A_920, %mul3A_936 : i32
      %add3A_938 = arith.constant 1 : i32
      %add3A_939 = arith.addi %mul3A_937, %add3A_938 : i32
      %dma_start3A_940 = arith.constant 1 : i32
      %dma_start3A_941 = arith.constant 0 : i32
      %dma_start3A_942 = arith.constant 0 : i32
      %dma_start3A_943 = tpu.memref_slice %arg9[%dma_start3A_940, %dma_start3A_941, %dma_start3A_942] : memref<4x50x128xf32, #tpu.memory_space<vmem>> -> memref<1x50x128xf32, #tpu.memory_space<vmem>>
      %dma_start3A_944 = tpu.memref_squeeze %dma_start3A_943 : memref<1x50x128xf32, #tpu.memory_space<vmem>> -> memref<50x128xf32, #tpu.memory_space<vmem>>
      %dma_start3A_945 = arith.constant 0 : i32
      %dma_start3A_946 = tpu.memref_slice %arg5[%add3A_939, %dma_start3A_945] : memref<128x50xi32, #tpu.memory_space<vmem>> -> memref<1x50xi32, #tpu.memory_space<vmem>>
      %dma_start3A_947 = tpu.memref_squeeze %dma_start3A_946 : memref<1x50xi32, #tpu.memory_space<vmem>> -> memref<50xi32, #tpu.memory_space<vmem>>
      %dma_start3A_948 = arith.constant 0 : i32
      %dma_start3A_949 = arith.constant 0 : i32
      %dma_start3A_950 = tpu.memref_slice %arg2[%dma_start3A_948, %dma_start3A_949] : memref<100000x128xf32, #tpu.memory_space<hbm>> -> memref<100000x128xf32, #tpu.memory_space<hbm>>
      tpu.enqueue_indirect_dma source(%dma_start3A_950 : memref<100000x128xf32, #tpu.memory_space<hbm>>) target(%dma_start3A_944 : memref<50x128xf32, #tpu.memory_space<vmem>>) offsets(%dma_start3A_947 : memref<50xi32, #tpu.memory_space<vmem>>) semaphore(%arg10 : memref<!tpu.dma_semaphore, #tpu.memory_space<semaphore_mem>>)
      %mul3A_951 = arith.constant 4 : i32
      %mul3A_952 = arith.muli %sub3A_920, %mul3A_951 : i32
      %add3A_953 = arith.constant 2 : i32
      %add3A_954 = arith.addi %mul3A_952, %add3A_953 : i32
      %dma_start3A_955 = arith.constant 2 : i32
      %dma_start3A_956 = arith.constant 0 : i32
      %dma_start3A_957 = arith.constant 0 : i32
      %dma_start3A_958 = tpu.memref_slice %arg9[%dma_start3A_955, %dma_start3A_956, %dma_start3A_957] : memref<4x50x128xf32, #tpu.memory_space<vmem>> -> memref<1x50x128xf32, #tpu.memory_space<vmem>>
      %dma_start3A_959 = tpu.memref_squeeze %dma_start3A_958 : memref<1x50x128xf32, #tpu.memory_space<vmem>> -> memref<50x128xf32, #tpu.memory_space<vmem>>
      %dma_start3A_960 = arith.constant 0 : i32
      %dma_start3A_961 = tpu.memref_slice %arg5[%add3A_954, %dma_start3A_960] : memref<128x50xi32, #tpu.memory_space<vmem>> -> memref<1x50xi32, #tpu.memory_space<vmem>>
      %dma_start3A_962 = tpu.memref_squeeze %dma_start3A_961 : memref<1x50xi32, #tpu.memory_space<vmem>> -> memref<50xi32, #tpu.memory_space<vmem>>
      %dma_start3A_963 = arith.constant 0 : i32
      %dma_start3A_964 = arith.constant 0 : i32
      %dma_start3A_965 = tpu.memref_slice %arg2[%dma_start3A_963, %dma_start3A_964] : memref<100000x128xf32, #tpu.memory_space<hbm>> -> memref<100000x128xf32, #tpu.memory_space<hbm>>
      tpu.enqueue_indirect_dma source(%dma_start3A_965 : memref<100000x128xf32, #tpu.memory_space<hbm>>) target(%dma_start3A_959 : memref<50x128xf32, #tpu.memory_space<vmem>>) offsets(%dma_start3A_962 : memref<50xi32, #tpu.memory_space<vmem>>) semaphore(%arg10 : memref<!tpu.dma_semaphore, #tpu.memory_space<semaphore_mem>>)
      %mul3A_966 = arith.constant 4 : i32
      %mul3A_967 = arith.muli %sub3A_920, %mul3A_966 : i32
      %add3A_968 = arith.constant 3 : i32
      %add3A_969 = arith.addi %mul3A_967, %add3A_968 : i32
      %dma_start3A_970 = arith.constant 3 : i32
      %dma_start3A_971 = arith.constant 0 : i32
      %dma_start3A_972 = arith.constant 0 : i32
      %dma_start3A_973 = tpu.memref_slice %arg9[%dma_start3A_970, %dma_start3A_971, %dma_start3A_972] : memref<4x50x128xf32, #tpu.memory_space<vmem>> -> memref<1x50x128xf32, #tpu.memory_space<vmem>>
      %dma_start3A_974 = tpu.memref_squeeze %dma_start3A_973 : memref<1x50x128xf32, #tpu.memory_space<vmem>> -> memref<50x128xf32, #tpu.memory_space<vmem>>
      %dma_start3A_975 = arith.constant 0 : i32
      %dma_start3A_976 = tpu.memref_slice %arg5[%add3A_969, %dma_start3A_975] : memref<128x50xi32, #tpu.memory_space<vmem>> -> memref<1x50xi32, #tpu.memory_space<vmem>>
      %dma_start3A_977 = tpu.memref_squeeze %dma_start3A_976 : memref<1x50xi32, #tpu.memory_space<vmem>> -> memref<50xi32, #tpu.memory_space<vmem>>
      %dma_start3A_978 = arith.constant 0 : i32
      %dma_start3A_979 = arith.constant 0 : i32
      %dma_start3A_980 = tpu.memref_slice %arg2[%dma_start3A_978, %dma_start3A_979] : memref<100000x128xf32, #tpu.memory_space<hbm>> -> memref<100000x128xf32, #tpu.memory_space<hbm>>
      tpu.enqueue_indirect_dma source(%dma_start3A_980 : memref<100000x128xf32, #tpu.memory_space<hbm>>) target(%dma_start3A_974 : memref<50x128xf32, #tpu.memory_space<vmem>>) offsets(%dma_start3A_977 : memref<50xi32, #tpu.memory_space<vmem>>) semaphore(%arg10 : memref<!tpu.dma_semaphore, #tpu.memory_space<semaphore_mem>>)
      %mul3A_981 = arith.constant 4 : i32
      %mul3A_982 = arith.muli %add3A_906, %mul3A_981 : i32
      %add3A_983 = arith.constant 0 : i32
      %add3A_984 = arith.addi %mul3A_982, %add3A_983 : i32
      %dma_wait3A_985 = arith.constant 0 : i32
      %dma_wait3A_986 = arith.constant 0 : i32
      %dma_wait3A_987 = arith.constant 0 : i32
      %dma_wait3A_988 = tpu.memref_slice %arg6[%dma_wait3A_985, %dma_wait3A_986, %dma_wait3A_987] : memref<4x50x128xf32, #tpu.memory_space<vmem>> -> memref<1x50x128xf32, #tpu.memory_space<vmem>>
      %dma_wait3A_989 = tpu.memref_squeeze %dma_wait3A_988 : memref<1x50x128xf32, #tpu.memory_space<vmem>> -> memref<50x128xf32, #tpu.memory_space<vmem>>
      %dma_wait3A_990 = arith.constant 0 : i32
      %dma_wait3A_991 = tpu.memref_slice %arg5[%add3A_984, %dma_wait3A_990] : memref<128x50xi32, #tpu.memory_space<vmem>> -> memref<1x50xi32, #tpu.memory_space<vmem>>
      %dma_wait3A_992 = tpu.memref_squeeze %dma_wait3A_991 : memref<1x50xi32, #tpu.memory_space<vmem>> -> memref<50xi32, #tpu.memory_space<vmem>>
      %dma_wait3A_993 = arith.constant 0 : i32
      %dma_wait3A_994 = arith.constant 0 : i32
      %dma_wait3A_995 = tpu.memref_slice %arg2[%dma_wait3A_993, %dma_wait3A_994] : memref<100000x128xf32, #tpu.memory_space<hbm>> -> memref<100000x128xf32, #tpu.memory_space<hbm>>
      tpu.wait_indirect_dma semaphore(%arg10 : memref<!tpu.dma_semaphore, #tpu.memory_space<semaphore_mem>>) src(%dma_wait3A_995 : memref<100000x128xf32, #tpu.memory_space<hbm>>) dst(%dma_wait3A_989 : memref<50x128xf32, #tpu.memory_space<vmem>>)
      %mul3A_996 = arith.constant 4 : i32
      %mul3A_997 = arith.muli %add3A_906, %mul3A_996 : i32
      %add3A_998 = arith.constant 1 : i32
      %add3A_999 = arith.addi %mul3A_997, %add3A_998 : i32
      %dma_wait3A_1000 = arith.constant 1 : i32
      %dma_wait3A_1001 = arith.constant 0 : i32
      %dma_wait3A_1002 = arith.constant 0 : i32
      %dma_wait3A_1003 = tpu.memref_slice %arg6[%dma_wait3A_1000, %dma_wait3A_1001, %dma_wait3A_1002] : memref<4x50x128xf32, #tpu.memory_space<vmem>> -> memref<1x50x128xf32, #tpu.memory_space<vmem>>
      %dma_wait3A_1004 = tpu.memref_squeeze %dma_wait3A_1003 : memref<1x50x128xf32, #tpu.memory_space<vmem>> -> memref<50x128xf32, #tpu.memory_space<vmem>>
      %dma_wait3A_1005 = arith.constant 0 : i32
      %dma_wait3A_1006 = tpu.memref_slice %arg5[%add3A_999, %dma_wait3A_1005] : memref<128x50xi32, #tpu.memory_space<vmem>> -> memref<1x50xi32, #tpu.memory_space<vmem>>
      %dma_wait3A_1007 = tpu.memref_squeeze %dma_wait3A_1006 : memref<1x50xi32, #tpu.memory_space<vmem>> -> memref<50xi32, #tpu.memory_space<vmem>>
      %dma_wait3A_1008 = arith.constant 0 : i32
      %dma_wait3A_1009 = arith.constant 0 : i32
      %dma_wait3A_1010 = tpu.memref_slice %arg2[%dma_wait3A_1008, %dma_wait3A_1009] : memref<100000x128xf32, #tpu.memory_space<hbm>> -> memref<100000x128xf32, #tpu.memory_space<hbm>>
      tpu.wait_indirect_dma semaphore(%arg10 : memref<!tpu.dma_semaphore, #tpu.memory_space<semaphore_mem>>) src(%dma_wait3A_1010 : memref<100000x128xf32, #tpu.memory_space<hbm>>) dst(%dma_wait3A_1004 : memref<50x128xf32, #tpu.memory_space<vmem>>)
      %mul3A_1011 = arith.constant 4 : i32
      %mul3A_1012 = arith.muli %add3A_906, %mul3A_1011 : i32
      %add3A_1013 = arith.constant 2 : i32
      %add3A_1014 = arith.addi %mul3A_1012, %add3A_1013 : i32
      %dma_wait3A_1015 = arith.constant 2 : i32
      %dma_wait3A_1016 = arith.constant 0 : i32
      %dma_wait3A_1017 = arith.constant 0 : i32
      %dma_wait3A_1018 = tpu.memref_slice %arg6[%dma_wait3A_1015, %dma_wait3A_1016, %dma_wait3A_1017] : memref<4x50x128xf32, #tpu.memory_space<vmem>> -> memref<1x50x128xf32, #tpu.memory_space<vmem>>
      %dma_wait3A_1019 = tpu.memref_squeeze %dma_wait3A_1018 : memref<1x50x128xf32, #tpu.memory_space<vmem>> -> memref<50x128xf32, #tpu.memory_space<vmem>>
      %dma_wait3A_1020 = arith.constant 0 : i32
      %dma_wait3A_1021 = tpu.memref_slice %arg5[%add3A_1014, %dma_wait3A_1020] : memref<128x50xi32, #tpu.memory_space<vmem>> -> memref<1x50xi32, #tpu.memory_space<vmem>>
      %dma_wait3A_1022 = tpu.memref_squeeze %dma_wait3A_1021 : memref<1x50xi32, #tpu.memory_space<vmem>> -> memref<50xi32, #tpu.memory_space<vmem>>
      %dma_wait3A_1023 = arith.constant 0 : i32
      %dma_wait3A_1024 = arith.constant 0 : i32
      %dma_wait3A_1025 = tpu.memref_slice %arg2[%dma_wait3A_1023, %dma_wait3A_1024] : memref<100000x128xf32, #tpu.memory_space<hbm>> -> memref<100000x128xf32, #tpu.memory_space<hbm>>
      tpu.wait_indirect_dma semaphore(%arg10 : memref<!tpu.dma_semaphore, #tpu.memory_space<semaphore_mem>>) src(%dma_wait3A_1025 : memref<100000x128xf32, #tpu.memory_space<hbm>>) dst(%dma_wait3A_1019 : memref<50x128xf32, #tpu.memory_space<vmem>>)
      %mul3A_1026 = arith.constant 4 : i32
      %mul3A_1027 = arith.muli %add3A_906, %mul3A_1026 : i32
      %add3A_1028 = arith.constant 3 : i32
      %add3A_1029 = arith.addi %mul3A_1027, %add3A_1028 : i32
      %dma_wait3A_1030 = arith.constant 3 : i32
      %dma_wait3A_1031 = arith.constant 0 : i32
      %dma_wait3A_1032 = arith.constant 0 : i32
      %dma_wait3A_1033 = tpu.memref_slice %arg6[%dma_wait3A_1030, %dma_wait3A_1031, %dma_wait3A_1032] : memref<4x50x128xf32, #tpu.memory_space<vmem>> -> memref<1x50x128xf32, #tpu.memory_space<vmem>>
      %dma_wait3A_1034 = tpu.memref_squeeze %dma_wait3A_1033 : memref<1x50x128xf32, #tpu.memory_space<vmem>> -> memref<50x128xf32, #tpu.memory_space<vmem>>
      %dma_wait3A_1035 = arith.constant 0 : i32
      %dma_wait3A_1036 = tpu.memref_slice %arg5[%add3A_1029, %dma_wait3A_1035] : memref<128x50xi32, #tpu.memory_space<vmem>> -> memref<1x50xi32, #tpu.memory_space<vmem>>
      %dma_wait3A_1037 = tpu.memref_squeeze %dma_wait3A_1036 : memref<1x50xi32, #tpu.memory_space<vmem>> -> memref<50xi32, #tpu.memory_space<vmem>>
      %dma_wait3A_1038 = arith.constant 0 : i32
      %dma_wait3A_1039 = arith.constant 0 : i32
      %dma_wait3A_1040 = tpu.memref_slice %arg2[%dma_wait3A_1038, %dma_wait3A_1039] : memref<100000x128xf32, #tpu.memory_space<hbm>> -> memref<100000x128xf32, #tpu.memory_space<hbm>>
      tpu.wait_indirect_dma semaphore(%arg10 : memref<!tpu.dma_semaphore, #tpu.memory_space<semaphore_mem>>) src(%dma_wait3A_1040 : memref<100000x128xf32, #tpu.memory_space<hbm>>) dst(%dma_wait3A_1034 : memref<50x128xf32, #tpu.memory_space<vmem>>)
      %mul3A_1041 = arith.constant 4 : i32
      %mul3A_1042 = arith.muli %add3A_906, %mul3A_1041 : i32
      %add3A_1043 = arith.addi %mul3A_2, %mul3A_1042 : i32
      %dma_start3A_1044 = arith.constant 0 : i32
      %dma_start3A_1045 = arith.constant 0 : i32
      %dma_start3A_1046 = tpu.memref_slice %arg4[%add3A_1043, %dma_start3A_1044, %dma_start3A_1045] : memref<4096x50x128xf32, #tpu.memory_space<hbm>> -> memref<4x50x128xf32, #tpu.memory_space<hbm>>
      %dma_start3A_1047 = arith.constant 0 : i32
      %dma_start3A_1048 = arith.constant 0 : i32
      %dma_start3A_1049 = tpu.memref_slice %arg4[%add3A_1043, %dma_start3A_1047, %dma_start3A_1048] : memref<4096x50x128xf32, #tpu.memory_space<hbm>> -> memref<4x50x128xf32, #tpu.memory_space<hbm>>
      tpu.enqueue_dma source(%arg6 : memref<4x50x128xf32, #tpu.memory_space<vmem>>) target(%dma_start3A_1049 : memref<4x50x128xf32, #tpu.memory_space<hbm>>) target_semaphore(%arg11 : memref<!tpu.dma_semaphore, #tpu.memory_space<semaphore_mem>>)
      %add3A_1050 = arith.constant 1 : i32
      %add3A_1051 = arith.addi %mul3A_904, %add3A_1050 : i32
      %sub3A_1052 = arith.constant 1 : i32
      %sub3A_1053 = arith.subi %add3A_1051, %sub3A_1052 : i32
      %mul3A_1054 = arith.constant 4 : i32
      %mul3A_1055 = arith.muli %sub3A_1053, %mul3A_1054 : i32
      %add3A_1056 = arith.addi %mul3A_2, %mul3A_1055 : i32
      %dma_wait3A_1057 = arith.constant 0 : i32
      %dma_wait3A_1058 = arith.constant 0 : i32
      %dma_wait3A_1059 = tpu.memref_slice %arg4[%add3A_1056, %dma_wait3A_1057, %dma_wait3A_1058] : memref<4096x50x128xf32, #tpu.memory_space<hbm>> -> memref<4x50x128xf32, #tpu.memory_space<hbm>>
      %dma_wait3A_1060 = arith.constant 0 : i32
      %dma_wait3A_1061 = arith.constant 0 : i32
      %dma_wait3A_1062 = tpu.memref_slice %arg4[%add3A_1056, %dma_wait3A_1060, %dma_wait3A_1061] : memref<4096x50x128xf32, #tpu.memory_space<hbm>> -> memref<4x50x128xf32, #tpu.memory_space<hbm>>
      tpu.wait_dma2 semaphore(%arg11 : memref<!tpu.dma_semaphore, #tpu.memory_space<semaphore_mem>>) src(%arg6 : memref<4x50x128xf32, #tpu.memory_space<vmem>>) dst(%dma_wait3A_1062 : memref<4x50x128xf32, #tpu.memory_space<hbm>>)
      %add3A_1063 = arith.constant 4 : i32
      %add3A_1064 = arith.addi %add3A_1051, %add3A_1063 : i32
      %sub3A_1065 = arith.constant 1 : i32
      %sub3A_1066 = arith.subi %add3A_1064, %sub3A_1065 : i32
      %mul3A_1067 = arith.constant 4 : i32
      %mul3A_1068 = arith.muli %sub3A_1066, %mul3A_1067 : i32
      %add3A_1069 = arith.constant 0 : i32
      %add3A_1070 = arith.addi %mul3A_1068, %add3A_1069 : i32
      %dma_start3A_1071 = arith.constant 0 : i32
      %dma_start3A_1072 = arith.constant 0 : i32
      %dma_start3A_1073 = arith.constant 0 : i32
      %dma_start3A_1074 = tpu.memref_slice %arg6[%dma_start3A_1071, %dma_start3A_1072, %dma_start3A_1073] : memref<4x50x128xf32, #tpu.memory_space<vmem>> -> memref<1x50x128xf32, #tpu.memory_space<vmem>>
      %dma_start3A_1075 = tpu.memref_squeeze %dma_start3A_1074 : memref<1x50x128xf32, #tpu.memory_space<vmem>> -> memref<50x128xf32, #tpu.memory_space<vmem>>
      %dma_start3A_1076 = arith.constant 0 : i32
      %dma_start3A_1077 = tpu.memref_slice %arg5[%add3A_1070, %dma_start3A_1076] : memref<128x50xi32, #tpu.memory_space<vmem>> -> memref<1x50xi32, #tpu.memory_space<vmem>>
      %dma_start3A_1078 = tpu.memref_squeeze %dma_start3A_1077 : memref<1x50xi32, #tpu.memory_space<vmem>> -> memref<50xi32, #tpu.memory_space<vmem>>
      %dma_start3A_1079 = arith.constant 0 : i32
      %dma_start3A_1080 = arith.constant 0 : i32
      %dma_start3A_1081 = tpu.memref_slice %arg2[%dma_start3A_1079, %dma_start3A_1080] : memref<100000x128xf32, #tpu.memory_space<hbm>> -> memref<100000x128xf32, #tpu.memory_space<hbm>>
      tpu.enqueue_indirect_dma source(%dma_start3A_1081 : memref<100000x128xf32, #tpu.memory_space<hbm>>) target(%dma_start3A_1075 : memref<50x128xf32, #tpu.memory_space<vmem>>) offsets(%dma_start3A_1078 : memref<50xi32, #tpu.memory_space<vmem>>) semaphore(%arg10 : memref<!tpu.dma_semaphore, #tpu.memory_space<semaphore_mem>>)
      %mul3A_1082 = arith.constant 4 : i32
      %mul3A_1083 = arith.muli %sub3A_1066, %mul3A_1082 : i32
      %add3A_1084 = arith.constant 1 : i32
      %add3A_1085 = arith.addi %mul3A_1083, %add3A_1084 : i32
      %dma_start3A_1086 = arith.constant 1 : i32
      %dma_start3A_1087 = arith.constant 0 : i32
      %dma_start3A_1088 = arith.constant 0 : i32
      %dma_start3A_1089 = tpu.memref_slice %arg6[%dma_start3A_1086, %dma_start3A_1087, %dma_start3A_1088] : memref<4x50x128xf32, #tpu.memory_space<vmem>> -> memref<1x50x128xf32, #tpu.memory_space<vmem>>
      %dma_start3A_1090 = tpu.memref_squeeze %dma_start3A_1089 : memref<1x50x128xf32, #tpu.memory_space<vmem>> -> memref<50x128xf32, #tpu.memory_space<vmem>>
      %dma_start3A_1091 = arith.constant 0 : i32
      %dma_start3A_1092 = tpu.memref_slice %arg5[%add3A_1085, %dma_start3A_1091] : memref<128x50xi32, #tpu.memory_space<vmem>> -> memref<1x50xi32, #tpu.memory_space<vmem>>
      %dma_start3A_1093 = tpu.memref_squeeze %dma_start3A_1092 : memref<1x50xi32, #tpu.memory_space<vmem>> -> memref<50xi32, #tpu.memory_space<vmem>>
      %dma_start3A_1094 = arith.constant 0 : i32
      %dma_start3A_1095 = arith.constant 0 : i32
      %dma_start3A_1096 = tpu.memref_slice %arg2[%dma_start3A_1094, %dma_start3A_1095] : memref<100000x128xf32, #tpu.memory_space<hbm>> -> memref<100000x128xf32, #tpu.memory_space<hbm>>
      tpu.enqueue_indirect_dma source(%dma_start3A_1096 : memref<100000x128xf32, #tpu.memory_space<hbm>>) target(%dma_start3A_1090 : memref<50x128xf32, #tpu.memory_space<vmem>>) offsets(%dma_start3A_1093 : memref<50xi32, #tpu.memory_space<vmem>>) semaphore(%arg10 : memref<!tpu.dma_semaphore, #tpu.memory_space<semaphore_mem>>)
      %mul3A_1097 = arith.constant 4 : i32
      %mul3A_1098 = arith.muli %sub3A_1066, %mul3A_1097 : i32
      %add3A_1099 = arith.constant 2 : i32
      %add3A_1100 = arith.addi %mul3A_1098, %add3A_1099 : i32
      %dma_start3A_1101 = arith.constant 2 : i32
      %dma_start3A_1102 = arith.constant 0 : i32
      %dma_start3A_1103 = arith.constant 0 : i32
      %dma_start3A_1104 = tpu.memref_slice %arg6[%dma_start3A_1101, %dma_start3A_1102, %dma_start3A_1103] : memref<4x50x128xf32, #tpu.memory_space<vmem>> -> memref<1x50x128xf32, #tpu.memory_space<vmem>>
      %dma_start3A_1105 = tpu.memref_squeeze %dma_start3A_1104 : memref<1x50x128xf32, #tpu.memory_space<vmem>> -> memref<50x128xf32, #tpu.memory_space<vmem>>
      %dma_start3A_1106 = arith.constant 0 : i32
      %dma_start3A_1107 = tpu.memref_slice %arg5[%add3A_1100, %dma_start3A_1106] : memref<128x50xi32, #tpu.memory_space<vmem>> -> memref<1x50xi32, #tpu.memory_space<vmem>>
      %dma_start3A_1108 = tpu.memref_squeeze %dma_start3A_1107 : memref<1x50xi32, #tpu.memory_space<vmem>> -> memref<50xi32, #tpu.memory_space<vmem>>
      %dma_start3A_1109 = arith.constant 0 : i32
      %dma_start3A_1110 = arith.constant 0 : i32
      %dma_start3A_1111 = tpu.memref_slice %arg2[%dma_start3A_1109, %dma_start3A_1110] : memref<100000x128xf32, #tpu.memory_space<hbm>> -> memref<100000x128xf32, #tpu.memory_space<hbm>>
      tpu.enqueue_indirect_dma source(%dma_start3A_1111 : memref<100000x128xf32, #tpu.memory_space<hbm>>) target(%dma_start3A_1105 : memref<50x128xf32, #tpu.memory_space<vmem>>) offsets(%dma_start3A_1108 : memref<50xi32, #tpu.memory_space<vmem>>) semaphore(%arg10 : memref<!tpu.dma_semaphore, #tpu.memory_space<semaphore_mem>>)
      %mul3A_1112 = arith.constant 4 : i32
      %mul3A_1113 = arith.muli %sub3A_1066, %mul3A_1112 : i32
      %add3A_1114 = arith.constant 3 : i32
      %add3A_1115 = arith.addi %mul3A_1113, %add3A_1114 : i32
      %dma_start3A_1116 = arith.constant 3 : i32
      %dma_start3A_1117 = arith.constant 0 : i32
      %dma_start3A_1118 = arith.constant 0 : i32
      %dma_start3A_1119 = tpu.memref_slice %arg6[%dma_start3A_1116, %dma_start3A_1117, %dma_start3A_1118] : memref<4x50x128xf32, #tpu.memory_space<vmem>> -> memref<1x50x128xf32, #tpu.memory_space<vmem>>
      %dma_start3A_1120 = tpu.memref_squeeze %dma_start3A_1119 : memref<1x50x128xf32, #tpu.memory_space<vmem>> -> memref<50x128xf32, #tpu.memory_space<vmem>>
      %dma_start3A_1121 = arith.constant 0 : i32
      %dma_start3A_1122 = tpu.memref_slice %arg5[%add3A_1115, %dma_start3A_1121] : memref<128x50xi32, #tpu.memory_space<vmem>> -> memref<1x50xi32, #tpu.memory_space<vmem>>
      %dma_start3A_1123 = tpu.memref_squeeze %dma_start3A_1122 : memref<1x50xi32, #tpu.memory_space<vmem>> -> memref<50xi32, #tpu.memory_space<vmem>>
      %dma_start3A_1124 = arith.constant 0 : i32
      %dma_start3A_1125 = arith.constant 0 : i32
      %dma_start3A_1126 = tpu.memref_slice %arg2[%dma_start3A_1124, %dma_start3A_1125] : memref<100000x128xf32, #tpu.memory_space<hbm>> -> memref<100000x128xf32, #tpu.memory_space<hbm>>
      tpu.enqueue_indirect_dma source(%dma_start3A_1126 : memref<100000x128xf32, #tpu.memory_space<hbm>>) target(%dma_start3A_1120 : memref<50x128xf32, #tpu.memory_space<vmem>>) offsets(%dma_start3A_1123 : memref<50xi32, #tpu.memory_space<vmem>>) semaphore(%arg10 : memref<!tpu.dma_semaphore, #tpu.memory_space<semaphore_mem>>)
      %mul3A_1127 = arith.constant 4 : i32
      %mul3A_1128 = arith.muli %add3A_1051, %mul3A_1127 : i32
      %add3A_1129 = arith.constant 0 : i32
      %add3A_1130 = arith.addi %mul3A_1128, %add3A_1129 : i32
      %dma_wait3A_1131 = arith.constant 0 : i32
      %dma_wait3A_1132 = arith.constant 0 : i32
      %dma_wait3A_1133 = arith.constant 0 : i32
      %dma_wait3A_1134 = tpu.memref_slice %arg7[%dma_wait3A_1131, %dma_wait3A_1132, %dma_wait3A_1133] : memref<4x50x128xf32, #tpu.memory_space<vmem>> -> memref<1x50x128xf32, #tpu.memory_space<vmem>>
      %dma_wait3A_1135 = tpu.memref_squeeze %dma_wait3A_1134 : memref<1x50x128xf32, #tpu.memory_space<vmem>> -> memref<50x128xf32, #tpu.memory_space<vmem>>
      %dma_wait3A_1136 = arith.constant 0 : i32
      %dma_wait3A_1137 = tpu.memref_slice %arg5[%add3A_1130, %dma_wait3A_1136] : memref<128x50xi32, #tpu.memory_space<vmem>> -> memref<1x50xi32, #tpu.memory_space<vmem>>
      %dma_wait3A_1138 = tpu.memref_squeeze %dma_wait3A_1137 : memref<1x50xi32, #tpu.memory_space<vmem>> -> memref<50xi32, #tpu.memory_space<vmem>>
      %dma_wait3A_1139 = arith.constant 0 : i32
      %dma_wait3A_1140 = arith.constant 0 : i32
      %dma_wait3A_1141 = tpu.memref_slice %arg2[%dma_wait3A_1139, %dma_wait3A_1140] : memref<100000x128xf32, #tpu.memory_space<hbm>> -> memref<100000x128xf32, #tpu.memory_space<hbm>>
      tpu.wait_indirect_dma semaphore(%arg10 : memref<!tpu.dma_semaphore, #tpu.memory_space<semaphore_mem>>) src(%dma_wait3A_1141 : memref<100000x128xf32, #tpu.memory_space<hbm>>) dst(%dma_wait3A_1135 : memref<50x128xf32, #tpu.memory_space<vmem>>)
      %mul3A_1142 = arith.constant 4 : i32
      %mul3A_1143 = arith.muli %add3A_1051, %mul3A_1142 : i32
      %add3A_1144 = arith.constant 1 : i32
      %add3A_1145 = arith.addi %mul3A_1143, %add3A_1144 : i32
      %dma_wait3A_1146 = arith.constant 1 : i32
      %dma_wait3A_1147 = arith.constant 0 : i32
      %dma_wait3A_1148 = arith.constant 0 : i32
      %dma_wait3A_1149 = tpu.memref_slice %arg7[%dma_wait3A_1146, %dma_wait3A_1147, %dma_wait3A_1148] : memref<4x50x128xf32, #tpu.memory_space<vmem>> -> memref<1x50x128xf32, #tpu.memory_space<vmem>>
      %dma_wait3A_1150 = tpu.memref_squeeze %dma_wait3A_1149 : memref<1x50x128xf32, #tpu.memory_space<vmem>> -> memref<50x128xf32, #tpu.memory_space<vmem>>
      %dma_wait3A_1151 = arith.constant 0 : i32
      %dma_wait3A_1152 = tpu.memref_slice %arg5[%add3A_1145, %dma_wait3A_1151] : memref<128x50xi32, #tpu.memory_space<vmem>> -> memref<1x50xi32, #tpu.memory_space<vmem>>
      %dma_wait3A_1153 = tpu.memref_squeeze %dma_wait3A_1152 : memref<1x50xi32, #tpu.memory_space<vmem>> -> memref<50xi32, #tpu.memory_space<vmem>>
      %dma_wait3A_1154 = arith.constant 0 : i32
      %dma_wait3A_1155 = arith.constant 0 : i32
      %dma_wait3A_1156 = tpu.memref_slice %arg2[%dma_wait3A_1154, %dma_wait3A_1155] : memref<100000x128xf32, #tpu.memory_space<hbm>> -> memref<100000x128xf32, #tpu.memory_space<hbm>>
      tpu.wait_indirect_dma semaphore(%arg10 : memref<!tpu.dma_semaphore, #tpu.memory_space<semaphore_mem>>) src(%dma_wait3A_1156 : memref<100000x128xf32, #tpu.memory_space<hbm>>) dst(%dma_wait3A_1150 : memref<50x128xf32, #tpu.memory_space<vmem>>)
      %mul3A_1157 = arith.constant 4 : i32
      %mul3A_1158 = arith.muli %add3A_1051, %mul3A_1157 : i32
      %add3A_1159 = arith.constant 2 : i32
      %add3A_1160 = arith.addi %mul3A_1158, %add3A_1159 : i32
      %dma_wait3A_1161 = arith.constant 2 : i32
      %dma_wait3A_1162 = arith.constant 0 : i32
      %dma_wait3A_1163 = arith.constant 0 : i32
      %dma_wait3A_1164 = tpu.memref_slice %arg7[%dma_wait3A_1161, %dma_wait3A_1162, %dma_wait3A_1163] : memref<4x50x128xf32, #tpu.memory_space<vmem>> -> memref<1x50x128xf32, #tpu.memory_space<vmem>>
      %dma_wait3A_1165 = tpu.memref_squeeze %dma_wait3A_1164 : memref<1x50x128xf32, #tpu.memory_space<vmem>> -> memref<50x128xf32, #tpu.memory_space<vmem>>
      %dma_wait3A_1166 = arith.constant 0 : i32
      %dma_wait3A_1167 = tpu.memref_slice %arg5[%add3A_1160, %dma_wait3A_1166] : memref<128x50xi32, #tpu.memory_space<vmem>> -> memref<1x50xi32, #tpu.memory_space<vmem>>
      %dma_wait3A_1168 = tpu.memref_squeeze %dma_wait3A_1167 : memref<1x50xi32, #tpu.memory_space<vmem>> -> memref<50xi32, #tpu.memory_space<vmem>>
      %dma_wait3A_1169 = arith.constant 0 : i32
      %dma_wait3A_1170 = arith.constant 0 : i32
      %dma_wait3A_1171 = tpu.memref_slice %arg2[%dma_wait3A_1169, %dma_wait3A_1170] : memref<100000x128xf32, #tpu.memory_space<hbm>> -> memref<100000x128xf32, #tpu.memory_space<hbm>>
      tpu.wait_indirect_dma semaphore(%arg10 : memref<!tpu.dma_semaphore, #tpu.memory_space<semaphore_mem>>) src(%dma_wait3A_1171 : memref<100000x128xf32, #tpu.memory_space<hbm>>) dst(%dma_wait3A_1165 : memref<50x128xf32, #tpu.memory_space<vmem>>)
      %mul3A_1172 = arith.constant 4 : i32
      %mul3A_1173 = arith.muli %add3A_1051, %mul3A_1172 : i32
      %add3A_1174 = arith.constant 3 : i32
      %add3A_1175 = arith.addi %mul3A_1173, %add3A_1174 : i32
      %dma_wait3A_1176 = arith.constant 3 : i32
      %dma_wait3A_1177 = arith.constant 0 : i32
      %dma_wait3A_1178 = arith.constant 0 : i32
      %dma_wait3A_1179 = tpu.memref_slice %arg7[%dma_wait3A_1176, %dma_wait3A_1177, %dma_wait3A_1178] : memref<4x50x128xf32, #tpu.memory_space<vmem>> -> memref<1x50x128xf32, #tpu.memory_space<vmem>>
      %dma_wait3A_1180 = tpu.memref_squeeze %dma_wait3A_1179 : memref<1x50x128xf32, #tpu.memory_space<vmem>> -> memref<50x128xf32, #tpu.memory_space<vmem>>
      %dma_wait3A_1181 = arith.constant 0 : i32
      %dma_wait3A_1182 = tpu.memref_slice %arg5[%add3A_1175, %dma_wait3A_1181] : memref<128x50xi32, #tpu.memory_space<vmem>> -> memref<1x50xi32, #tpu.memory_space<vmem>>
      %dma_wait3A_1183 = tpu.memref_squeeze %dma_wait3A_1182 : memref<1x50xi32, #tpu.memory_space<vmem>> -> memref<50xi32, #tpu.memory_space<vmem>>
      %dma_wait3A_1184 = arith.constant 0 : i32
      %dma_wait3A_1185 = arith.constant 0 : i32
      %dma_wait3A_1186 = tpu.memref_slice %arg2[%dma_wait3A_1184, %dma_wait3A_1185] : memref<100000x128xf32, #tpu.memory_space<hbm>> -> memref<100000x128xf32, #tpu.memory_space<hbm>>
      tpu.wait_indirect_dma semaphore(%arg10 : memref<!tpu.dma_semaphore, #tpu.memory_space<semaphore_mem>>) src(%dma_wait3A_1186 : memref<100000x128xf32, #tpu.memory_space<hbm>>) dst(%dma_wait3A_1180 : memref<50x128xf32, #tpu.memory_space<vmem>>)
      %mul3A_1187 = arith.constant 4 : i32
      %mul3A_1188 = arith.muli %add3A_1051, %mul3A_1187 : i32
      %add3A_1189 = arith.addi %mul3A_2, %mul3A_1188 : i32
      %dma_start3A_1190 = arith.constant 0 : i32
      %dma_start3A_1191 = arith.constant 0 : i32
      %dma_start3A_1192 = tpu.memref_slice %arg4[%add3A_1189, %dma_start3A_1190, %dma_start3A_1191] : memref<4096x50x128xf32, #tpu.memory_space<hbm>> -> memref<4x50x128xf32, #tpu.memory_space<hbm>>
      %dma_start3A_1193 = arith.constant 0 : i32
      %dma_start3A_1194 = arith.constant 0 : i32
      %dma_start3A_1195 = tpu.memref_slice %arg4[%add3A_1189, %dma_start3A_1193, %dma_start3A_1194] : memref<4096x50x128xf32, #tpu.memory_space<hbm>> -> memref<4x50x128xf32, #tpu.memory_space<hbm>>
      tpu.enqueue_dma source(%arg7 : memref<4x50x128xf32, #tpu.memory_space<vmem>>) target(%dma_start3A_1195 : memref<4x50x128xf32, #tpu.memory_space<hbm>>) target_semaphore(%arg11 : memref<!tpu.dma_semaphore, #tpu.memory_space<semaphore_mem>>)
      %add3A_1196 = arith.constant 2 : i32
      %add3A_1197 = arith.addi %mul3A_904, %add3A_1196 : i32
      %sub3A_1198 = arith.constant 1 : i32
      %sub3A_1199 = arith.subi %add3A_1197, %sub3A_1198 : i32
      %mul3A_1200 = arith.constant 4 : i32
      %mul3A_1201 = arith.muli %sub3A_1199, %mul3A_1200 : i32
      %add3A_1202 = arith.addi %mul3A_2, %mul3A_1201 : i32
      %dma_wait3A_1203 = arith.constant 0 : i32
      %dma_wait3A_1204 = arith.constant 0 : i32
      %dma_wait3A_1205 = tpu.memref_slice %arg4[%add3A_1202, %dma_wait3A_1203, %dma_wait3A_1204] : memref<4096x50x128xf32, #tpu.memory_space<hbm>> -> memref<4x50x128xf32, #tpu.memory_space<hbm>>
      %dma_wait3A_1206 = arith.constant 0 : i32
      %dma_wait3A_1207 = arith.constant 0 : i32
      %dma_wait3A_1208 = tpu.memref_slice %arg4[%add3A_1202, %dma_wait3A_1206, %dma_wait3A_1207] : memref<4096x50x128xf32, #tpu.memory_space<hbm>> -> memref<4x50x128xf32, #tpu.memory_space<hbm>>
      tpu.wait_dma2 semaphore(%arg11 : memref<!tpu.dma_semaphore, #tpu.memory_space<semaphore_mem>>) src(%arg7 : memref<4x50x128xf32, #tpu.memory_space<vmem>>) dst(%dma_wait3A_1208 : memref<4x50x128xf32, #tpu.memory_space<hbm>>)
      %add3A_1209 = arith.constant 4 : i32
      %add3A_1210 = arith.addi %add3A_1197, %add3A_1209 : i32
      %sub3A_1211 = arith.constant 1 : i32
      %sub3A_1212 = arith.subi %add3A_1210, %sub3A_1211 : i32
      %mul3A_1213 = arith.constant 4 : i32
      %mul3A_1214 = arith.muli %sub3A_1212, %mul3A_1213 : i32
      %add3A_1215 = arith.constant 0 : i32
      %add3A_1216 = arith.addi %mul3A_1214, %add3A_1215 : i32
      %dma_start3A_1217 = arith.constant 0 : i32
      %dma_start3A_1218 = arith.constant 0 : i32
      %dma_start3A_1219 = arith.constant 0 : i32
      %dma_start3A_1220 = tpu.memref_slice %arg7[%dma_start3A_1217, %dma_start3A_1218, %dma_start3A_1219] : memref<4x50x128xf32, #tpu.memory_space<vmem>> -> memref<1x50x128xf32, #tpu.memory_space<vmem>>
      %dma_start3A_1221 = tpu.memref_squeeze %dma_start3A_1220 : memref<1x50x128xf32, #tpu.memory_space<vmem>> -> memref<50x128xf32, #tpu.memory_space<vmem>>
      %dma_start3A_1222 = arith.constant 0 : i32
      %dma_start3A_1223 = tpu.memref_slice %arg5[%add3A_1216, %dma_start3A_1222] : memref<128x50xi32, #tpu.memory_space<vmem>> -> memref<1x50xi32, #tpu.memory_space<vmem>>
      %dma_start3A_1224 = tpu.memref_squeeze %dma_start3A_1223 : memref<1x50xi32, #tpu.memory_space<vmem>> -> memref<50xi32, #tpu.memory_space<vmem>>
      %dma_start3A_1225 = arith.constant 0 : i32
      %dma_start3A_1226 = arith.constant 0 : i32
      %dma_start3A_1227 = tpu.memref_slice %arg2[%dma_start3A_1225, %dma_start3A_1226] : memref<100000x128xf32, #tpu.memory_space<hbm>> -> memref<100000x128xf32, #tpu.memory_space<hbm>>
      tpu.enqueue_indirect_dma source(%dma_start3A_1227 : memref<100000x128xf32, #tpu.memory_space<hbm>>) target(%dma_start3A_1221 : memref<50x128xf32, #tpu.memory_space<vmem>>) offsets(%dma_start3A_1224 : memref<50xi32, #tpu.memory_space<vmem>>) semaphore(%arg10 : memref<!tpu.dma_semaphore, #tpu.memory_space<semaphore_mem>>)
      %mul3A_1228 = arith.constant 4 : i32
      %mul3A_1229 = arith.muli %sub3A_1212, %mul3A_1228 : i32
      %add3A_1230 = arith.constant 1 : i32
      %add3A_1231 = arith.addi %mul3A_1229, %add3A_1230 : i32
      %dma_start3A_1232 = arith.constant 1 : i32
      %dma_start3A_1233 = arith.constant 0 : i32
      %dma_start3A_1234 = arith.constant 0 : i32
      %dma_start3A_1235 = tpu.memref_slice %arg7[%dma_start3A_1232, %dma_start3A_1233, %dma_start3A_1234] : memref<4x50x128xf32, #tpu.memory_space<vmem>> -> memref<1x50x128xf32, #tpu.memory_space<vmem>>
      %dma_start3A_1236 = tpu.memref_squeeze %dma_start3A_1235 : memref<1x50x128xf32, #tpu.memory_space<vmem>> -> memref<50x128xf32, #tpu.memory_space<vmem>>
      %dma_start3A_1237 = arith.constant 0 : i32
      %dma_start3A_1238 = tpu.memref_slice %arg5[%add3A_1231, %dma_start3A_1237] : memref<128x50xi32, #tpu.memory_space<vmem>> -> memref<1x50xi32, #tpu.memory_space<vmem>>
      %dma_start3A_1239 = tpu.memref_squeeze %dma_start3A_1238 : memref<1x50xi32, #tpu.memory_space<vmem>> -> memref<50xi32, #tpu.memory_space<vmem>>
      %dma_start3A_1240 = arith.constant 0 : i32
      %dma_start3A_1241 = arith.constant 0 : i32
      %dma_start3A_1242 = tpu.memref_slice %arg2[%dma_start3A_1240, %dma_start3A_1241] : memref<100000x128xf32, #tpu.memory_space<hbm>> -> memref<100000x128xf32, #tpu.memory_space<hbm>>
      tpu.enqueue_indirect_dma source(%dma_start3A_1242 : memref<100000x128xf32, #tpu.memory_space<hbm>>) target(%dma_start3A_1236 : memref<50x128xf32, #tpu.memory_space<vmem>>) offsets(%dma_start3A_1239 : memref<50xi32, #tpu.memory_space<vmem>>) semaphore(%arg10 : memref<!tpu.dma_semaphore, #tpu.memory_space<semaphore_mem>>)
      %mul3A_1243 = arith.constant 4 : i32
      %mul3A_1244 = arith.muli %sub3A_1212, %mul3A_1243 : i32
      %add3A_1245 = arith.constant 2 : i32
      %add3A_1246 = arith.addi %mul3A_1244, %add3A_1245 : i32
      %dma_start3A_1247 = arith.constant 2 : i32
      %dma_start3A_1248 = arith.constant 0 : i32
      %dma_start3A_1249 = arith.constant 0 : i32
      %dma_start3A_1250 = tpu.memref_slice %arg7[%dma_start3A_1247, %dma_start3A_1248, %dma_start3A_1249] : memref<4x50x128xf32, #tpu.memory_space<vmem>> -> memref<1x50x128xf32, #tpu.memory_space<vmem>>
      %dma_start3A_1251 = tpu.memref_squeeze %dma_start3A_1250 : memref<1x50x128xf32, #tpu.memory_space<vmem>> -> memref<50x128xf32, #tpu.memory_space<vmem>>
      %dma_start3A_1252 = arith.constant 0 : i32
      %dma_start3A_1253 = tpu.memref_slice %arg5[%add3A_1246, %dma_start3A_1252] : memref<128x50xi32, #tpu.memory_space<vmem>> -> memref<1x50xi32, #tpu.memory_space<vmem>>
      %dma_start3A_1254 = tpu.memref_squeeze %dma_start3A_1253 : memref<1x50xi32, #tpu.memory_space<vmem>> -> memref<50xi32, #tpu.memory_space<vmem>>
      %dma_start3A_1255 = arith.constant 0 : i32
      %dma_start3A_1256 = arith.constant 0 : i32
      %dma_start3A_1257 = tpu.memref_slice %arg2[%dma_start3A_1255, %dma_start3A_1256] : memref<100000x128xf32, #tpu.memory_space<hbm>> -> memref<100000x128xf32, #tpu.memory_space<hbm>>
      tpu.enqueue_indirect_dma source(%dma_start3A_1257 : memref<100000x128xf32, #tpu.memory_space<hbm>>) target(%dma_start3A_1251 : memref<50x128xf32, #tpu.memory_space<vmem>>) offsets(%dma_start3A_1254 : memref<50xi32, #tpu.memory_space<vmem>>) semaphore(%arg10 : memref<!tpu.dma_semaphore, #tpu.memory_space<semaphore_mem>>)
      %mul3A_1258 = arith.constant 4 : i32
      %mul3A_1259 = arith.muli %sub3A_1212, %mul3A_1258 : i32
      %add3A_1260 = arith.constant 3 : i32
      %add3A_1261 = arith.addi %mul3A_1259, %add3A_1260 : i32
      %dma_start3A_1262 = arith.constant 3 : i32
      %dma_start3A_1263 = arith.constant 0 : i32
      %dma_start3A_1264 = arith.constant 0 : i32
      %dma_start3A_1265 = tpu.memref_slice %arg7[%dma_start3A_1262, %dma_start3A_1263, %dma_start3A_1264] : memref<4x50x128xf32, #tpu.memory_space<vmem>> -> memref<1x50x128xf32, #tpu.memory_space<vmem>>
      %dma_start3A_1266 = tpu.memref_squeeze %dma_start3A_1265 : memref<1x50x128xf32, #tpu.memory_space<vmem>> -> memref<50x128xf32, #tpu.memory_space<vmem>>
      %dma_start3A_1267 = arith.constant 0 : i32
      %dma_start3A_1268 = tpu.memref_slice %arg5[%add3A_1261, %dma_start3A_1267] : memref<128x50xi32, #tpu.memory_space<vmem>> -> memref<1x50xi32, #tpu.memory_space<vmem>>
      %dma_start3A_1269 = tpu.memref_squeeze %dma_start3A_1268 : memref<1x50xi32, #tpu.memory_space<vmem>> -> memref<50xi32, #tpu.memory_space<vmem>>
      %dma_start3A_1270 = arith.constant 0 : i32
      %dma_start3A_1271 = arith.constant 0 : i32
      %dma_start3A_1272 = tpu.memref_slice %arg2[%dma_start3A_1270, %dma_start3A_1271] : memref<100000x128xf32, #tpu.memory_space<hbm>> -> memref<100000x128xf32, #tpu.memory_space<hbm>>
      tpu.enqueue_indirect_dma source(%dma_start3A_1272 : memref<100000x128xf32, #tpu.memory_space<hbm>>) target(%dma_start3A_1266 : memref<50x128xf32, #tpu.memory_space<vmem>>) offsets(%dma_start3A_1269 : memref<50xi32, #tpu.memory_space<vmem>>) semaphore(%arg10 : memref<!tpu.dma_semaphore, #tpu.memory_space<semaphore_mem>>)
      %mul3A_1273 = arith.constant 4 : i32
      %mul3A_1274 = arith.muli %add3A_1197, %mul3A_1273 : i32
      %add3A_1275 = arith.constant 0 : i32
      %add3A_1276 = arith.addi %mul3A_1274, %add3A_1275 : i32
      %dma_wait3A_1277 = arith.constant 0 : i32
      %dma_wait3A_1278 = arith.constant 0 : i32
      %dma_wait3A_1279 = arith.constant 0 : i32
      %dma_wait3A_1280 = tpu.memref_slice %arg8[%dma_wait3A_1277, %dma_wait3A_1278, %dma_wait3A_1279] : memref<4x50x128xf32, #tpu.memory_space<vmem>> -> memref<1x50x128xf32, #tpu.memory_space<vmem>>
      %dma_wait3A_1281 = tpu.memref_squeeze %dma_wait3A_1280 : memref<1x50x128xf32, #tpu.memory_space<vmem>> -> memref<50x128xf32, #tpu.memory_space<vmem>>
      %dma_wait3A_1282 = arith.constant 0 : i32
      %dma_wait3A_1283 = tpu.memref_slice %arg5[%add3A_1276, %dma_wait3A_1282] : memref<128x50xi32, #tpu.memory_space<vmem>> -> memref<1x50xi32, #tpu.memory_space<vmem>>
      %dma_wait3A_1284 = tpu.memref_squeeze %dma_wait3A_1283 : memref<1x50xi32, #tpu.memory_space<vmem>> -> memref<50xi32, #tpu.memory_space<vmem>>
      %dma_wait3A_1285 = arith.constant 0 : i32
      %dma_wait3A_1286 = arith.constant 0 : i32
      %dma_wait3A_1287 = tpu.memref_slice %arg2[%dma_wait3A_1285, %dma_wait3A_1286] : memref<100000x128xf32, #tpu.memory_space<hbm>> -> memref<100000x128xf32, #tpu.memory_space<hbm>>
      tpu.wait_indirect_dma semaphore(%arg10 : memref<!tpu.dma_semaphore, #tpu.memory_space<semaphore_mem>>) src(%dma_wait3A_1287 : memref<100000x128xf32, #tpu.memory_space<hbm>>) dst(%dma_wait3A_1281 : memref<50x128xf32, #tpu.memory_space<vmem>>)
      %mul3A_1288 = arith.constant 4 : i32
      %mul3A_1289 = arith.muli %add3A_1197, %mul3A_1288 : i32
      %add3A_1290 = arith.constant 1 : i32
      %add3A_1291 = arith.addi %mul3A_1289, %add3A_1290 : i32
      %dma_wait3A_1292 = arith.constant 1 : i32
      %dma_wait3A_1293 = arith.constant 0 : i32
      %dma_wait3A_1294 = arith.constant 0 : i32
      %dma_wait3A_1295 = tpu.memref_slice %arg8[%dma_wait3A_1292, %dma_wait3A_1293, %dma_wait3A_1294] : memref<4x50x128xf32, #tpu.memory_space<vmem>> -> memref<1x50x128xf32, #tpu.memory_space<vmem>>
      %dma_wait3A_1296 = tpu.memref_squeeze %dma_wait3A_1295 : memref<1x50x128xf32, #tpu.memory_space<vmem>> -> memref<50x128xf32, #tpu.memory_space<vmem>>
      %dma_wait3A_1297 = arith.constant 0 : i32
      %dma_wait3A_1298 = tpu.memref_slice %arg5[%add3A_1291, %dma_wait3A_1297] : memref<128x50xi32, #tpu.memory_space<vmem>> -> memref<1x50xi32, #tpu.memory_space<vmem>>
      %dma_wait3A_1299 = tpu.memref_squeeze %dma_wait3A_1298 : memref<1x50xi32, #tpu.memory_space<vmem>> -> memref<50xi32, #tpu.memory_space<vmem>>
      %dma_wait3A_1300 = arith.constant 0 : i32
      %dma_wait3A_1301 = arith.constant 0 : i32
      %dma_wait3A_1302 = tpu.memref_slice %arg2[%dma_wait3A_1300, %dma_wait3A_1301] : memref<100000x128xf32, #tpu.memory_space<hbm>> -> memref<100000x128xf32, #tpu.memory_space<hbm>>
      tpu.wait_indirect_dma semaphore(%arg10 : memref<!tpu.dma_semaphore, #tpu.memory_space<semaphore_mem>>) src(%dma_wait3A_1302 : memref<100000x128xf32, #tpu.memory_space<hbm>>) dst(%dma_wait3A_1296 : memref<50x128xf32, #tpu.memory_space<vmem>>)
      %mul3A_1303 = arith.constant 4 : i32
      %mul3A_1304 = arith.muli %add3A_1197, %mul3A_1303 : i32
      %add3A_1305 = arith.constant 2 : i32
      %add3A_1306 = arith.addi %mul3A_1304, %add3A_1305 : i32
      %dma_wait3A_1307 = arith.constant 2 : i32
      %dma_wait3A_1308 = arith.constant 0 : i32
      %dma_wait3A_1309 = arith.constant 0 : i32
      %dma_wait3A_1310 = tpu.memref_slice %arg8[%dma_wait3A_1307, %dma_wait3A_1308, %dma_wait3A_1309] : memref<4x50x128xf32, #tpu.memory_space<vmem>> -> memref<1x50x128xf32, #tpu.memory_space<vmem>>
      %dma_wait3A_1311 = tpu.memref_squeeze %dma_wait3A_1310 : memref<1x50x128xf32, #tpu.memory_space<vmem>> -> memref<50x128xf32, #tpu.memory_space<vmem>>
      %dma_wait3A_1312 = arith.constant 0 : i32
      %dma_wait3A_1313 = tpu.memref_slice %arg5[%add3A_1306, %dma_wait3A_1312] : memref<128x50xi32, #tpu.memory_space<vmem>> -> memref<1x50xi32, #tpu.memory_space<vmem>>
      %dma_wait3A_1314 = tpu.memref_squeeze %dma_wait3A_1313 : memref<1x50xi32, #tpu.memory_space<vmem>> -> memref<50xi32, #tpu.memory_space<vmem>>
      %dma_wait3A_1315 = arith.constant 0 : i32
      %dma_wait3A_1316 = arith.constant 0 : i32
      %dma_wait3A_1317 = tpu.memref_slice %arg2[%dma_wait3A_1315, %dma_wait3A_1316] : memref<100000x128xf32, #tpu.memory_space<hbm>> -> memref<100000x128xf32, #tpu.memory_space<hbm>>
      tpu.wait_indirect_dma semaphore(%arg10 : memref<!tpu.dma_semaphore, #tpu.memory_space<semaphore_mem>>) src(%dma_wait3A_1317 : memref<100000x128xf32, #tpu.memory_space<hbm>>) dst(%dma_wait3A_1311 : memref<50x128xf32, #tpu.memory_space<vmem>>)
      %mul3A_1318 = arith.constant 4 : i32
      %mul3A_1319 = arith.muli %add3A_1197, %mul3A_1318 : i32
      %add3A_1320 = arith.constant 3 : i32
      %add3A_1321 = arith.addi %mul3A_1319, %add3A_1320 : i32
      %dma_wait3A_1322 = arith.constant 3 : i32
      %dma_wait3A_1323 = arith.constant 0 : i32
      %dma_wait3A_1324 = arith.constant 0 : i32
      %dma_wait3A_1325 = tpu.memref_slice %arg8[%dma_wait3A_1322, %dma_wait3A_1323, %dma_wait3A_1324] : memref<4x50x128xf32, #tpu.memory_space<vmem>> -> memref<1x50x128xf32, #tpu.memory_space<vmem>>
      %dma_wait3A_1326 = tpu.memref_squeeze %dma_wait3A_1325 : memref<1x50x128xf32, #tpu.memory_space<vmem>> -> memref<50x128xf32, #tpu.memory_space<vmem>>
      %dma_wait3A_1327 = arith.constant 0 : i32
      %dma_wait3A_1328 = tpu.memref_slice %arg5[%add3A_1321, %dma_wait3A_1327] : memref<128x50xi32, #tpu.memory_space<vmem>> -> memref<1x50xi32, #tpu.memory_space<vmem>>
      %dma_wait3A_1329 = tpu.memref_squeeze %dma_wait3A_1328 : memref<1x50xi32, #tpu.memory_space<vmem>> -> memref<50xi32, #tpu.memory_space<vmem>>
      %dma_wait3A_1330 = arith.constant 0 : i32
      %dma_wait3A_1331 = arith.constant 0 : i32
      %dma_wait3A_1332 = tpu.memref_slice %arg2[%dma_wait3A_1330, %dma_wait3A_1331] : memref<100000x128xf32, #tpu.memory_space<hbm>> -> memref<100000x128xf32, #tpu.memory_space<hbm>>
      tpu.wait_indirect_dma semaphore(%arg10 : memref<!tpu.dma_semaphore, #tpu.memory_space<semaphore_mem>>) src(%dma_wait3A_1332 : memref<100000x128xf32, #tpu.memory_space<hbm>>) dst(%dma_wait3A_1326 : memref<50x128xf32, #tpu.memory_space<vmem>>)
      %mul3A_1333 = arith.constant 4 : i32
      %mul3A_1334 = arith.muli %add3A_1197, %mul3A_1333 : i32
      %add3A_1335 = arith.addi %mul3A_2, %mul3A_1334 : i32
      %dma_start3A_1336 = arith.constant 0 : i32
      %dma_start3A_1337 = arith.constant 0 : i32
      %dma_start3A_1338 = tpu.memref_slice %arg4[%add3A_1335, %dma_start3A_1336, %dma_start3A_1337] : memref<4096x50x128xf32, #tpu.memory_space<hbm>> -> memref<4x50x128xf32, #tpu.memory_space<hbm>>
      %dma_start3A_1339 = arith.constant 0 : i32
      %dma_start3A_1340 = arith.constant 0 : i32
      %dma_start3A_1341 = tpu.memref_slice %arg4[%add3A_1335, %dma_start3A_1339, %dma_start3A_1340] : memref<4096x50x128xf32, #tpu.memory_space<hbm>> -> memref<4x50x128xf32, #tpu.memory_space<hbm>>
      tpu.enqueue_dma source(%arg8 : memref<4x50x128xf32, #tpu.memory_space<vmem>>) target(%dma_start3A_1341 : memref<4x50x128xf32, #tpu.memory_space<hbm>>) target_semaphore(%arg11 : memref<!tpu.dma_semaphore, #tpu.memory_space<semaphore_mem>>)
      %add3A_1342 = arith.constant 3 : i32
      %add3A_1343 = arith.addi %mul3A_904, %add3A_1342 : i32
      %sub3A_1344 = arith.constant 1 : i32
      %sub3A_1345 = arith.subi %add3A_1343, %sub3A_1344 : i32
      %mul3A_1346 = arith.constant 4 : i32
      %mul3A_1347 = arith.muli %sub3A_1345, %mul3A_1346 : i32
      %add3A_1348 = arith.addi %mul3A_2, %mul3A_1347 : i32
      %dma_wait3A_1349 = arith.constant 0 : i32
      %dma_wait3A_1350 = arith.constant 0 : i32
      %dma_wait3A_1351 = tpu.memref_slice %arg4[%add3A_1348, %dma_wait3A_1349, %dma_wait3A_1350] : memref<4096x50x128xf32, #tpu.memory_space<hbm>> -> memref<4x50x128xf32, #tpu.memory_space<hbm>>
      %dma_wait3A_1352 = arith.constant 0 : i32
      %dma_wait3A_1353 = arith.constant 0 : i32
      %dma_wait3A_1354 = tpu.memref_slice %arg4[%add3A_1348, %dma_wait3A_1352, %dma_wait3A_1353] : memref<4096x50x128xf32, #tpu.memory_space<hbm>> -> memref<4x50x128xf32, #tpu.memory_space<hbm>>
      tpu.wait_dma2 semaphore(%arg11 : memref<!tpu.dma_semaphore, #tpu.memory_space<semaphore_mem>>) src(%arg8 : memref<4x50x128xf32, #tpu.memory_space<vmem>>) dst(%dma_wait3A_1354 : memref<4x50x128xf32, #tpu.memory_space<hbm>>)
      %add3A_1355 = arith.constant 4 : i32
      %add3A_1356 = arith.addi %add3A_1343, %add3A_1355 : i32
      %sub3A_1357 = arith.constant 1 : i32
      %sub3A_1358 = arith.subi %add3A_1356, %sub3A_1357 : i32
      %mul3A_1359 = arith.constant 4 : i32
      %mul3A_1360 = arith.muli %sub3A_1358, %mul3A_1359 : i32
      %add3A_1361 = arith.constant 0 : i32
      %add3A_1362 = arith.addi %mul3A_1360, %add3A_1361 : i32
      %dma_start3A_1363 = arith.constant 0 : i32
      %dma_start3A_1364 = arith.constant 0 : i32
      %dma_start3A_1365 = arith.constant 0 : i32
      %dma_start3A_1366 = tpu.memref_slice %arg8[%dma_start3A_1363, %dma_start3A_1364, %dma_start3A_1365] : memref<4x50x128xf32, #tpu.memory_space<vmem>> -> memref<1x50x128xf32, #tpu.memory_space<vmem>>
      %dma_start3A_1367 = tpu.memref_squeeze %dma_start3A_1366 : memref<1x50x128xf32, #tpu.memory_space<vmem>> -> memref<50x128xf32, #tpu.memory_space<vmem>>
      %dma_start3A_1368 = arith.constant 0 : i32
      %dma_start3A_1369 = tpu.memref_slice %arg5[%add3A_1362, %dma_start3A_1368] : memref<128x50xi32, #tpu.memory_space<vmem>> -> memref<1x50xi32, #tpu.memory_space<vmem>>
      %dma_start3A_1370 = tpu.memref_squeeze %dma_start3A_1369 : memref<1x50xi32, #tpu.memory_space<vmem>> -> memref<50xi32, #tpu.memory_space<vmem>>
      %dma_start3A_1371 = arith.constant 0 : i32
      %dma_start3A_1372 = arith.constant 0 : i32
      %dma_start3A_1373 = tpu.memref_slice %arg2[%dma_start3A_1371, %dma_start3A_1372] : memref<100000x128xf32, #tpu.memory_space<hbm>> -> memref<100000x128xf32, #tpu.memory_space<hbm>>
      tpu.enqueue_indirect_dma source(%dma_start3A_1373 : memref<100000x128xf32, #tpu.memory_space<hbm>>) target(%dma_start3A_1367 : memref<50x128xf32, #tpu.memory_space<vmem>>) offsets(%dma_start3A_1370 : memref<50xi32, #tpu.memory_space<vmem>>) semaphore(%arg10 : memref<!tpu.dma_semaphore, #tpu.memory_space<semaphore_mem>>)
      %mul3A_1374 = arith.constant 4 : i32
      %mul3A_1375 = arith.muli %sub3A_1358, %mul3A_1374 : i32
      %add3A_1376 = arith.constant 1 : i32
      %add3A_1377 = arith.addi %mul3A_1375, %add3A_1376 : i32
      %dma_start3A_1378 = arith.constant 1 : i32
      %dma_start3A_1379 = arith.constant 0 : i32
      %dma_start3A_1380 = arith.constant 0 : i32
      %dma_start3A_1381 = tpu.memref_slice %arg8[%dma_start3A_1378, %dma_start3A_1379, %dma_start3A_1380] : memref<4x50x128xf32, #tpu.memory_space<vmem>> -> memref<1x50x128xf32, #tpu.memory_space<vmem>>
      %dma_start3A_1382 = tpu.memref_squeeze %dma_start3A_1381 : memref<1x50x128xf32, #tpu.memory_space<vmem>> -> memref<50x128xf32, #tpu.memory_space<vmem>>
      %dma_start3A_1383 = arith.constant 0 : i32
      %dma_start3A_1384 = tpu.memref_slice %arg5[%add3A_1377, %dma_start3A_1383] : memref<128x50xi32, #tpu.memory_space<vmem>> -> memref<1x50xi32, #tpu.memory_space<vmem>>
      %dma_start3A_1385 = tpu.memref_squeeze %dma_start3A_1384 : memref<1x50xi32, #tpu.memory_space<vmem>> -> memref<50xi32, #tpu.memory_space<vmem>>
      %dma_start3A_1386 = arith.constant 0 : i32
      %dma_start3A_1387 = arith.constant 0 : i32
      %dma_start3A_1388 = tpu.memref_slice %arg2[%dma_start3A_1386, %dma_start3A_1387] : memref<100000x128xf32, #tpu.memory_space<hbm>> -> memref<100000x128xf32, #tpu.memory_space<hbm>>
      tpu.enqueue_indirect_dma source(%dma_start3A_1388 : memref<100000x128xf32, #tpu.memory_space<hbm>>) target(%dma_start3A_1382 : memref<50x128xf32, #tpu.memory_space<vmem>>) offsets(%dma_start3A_1385 : memref<50xi32, #tpu.memory_space<vmem>>) semaphore(%arg10 : memref<!tpu.dma_semaphore, #tpu.memory_space<semaphore_mem>>)
      %mul3A_1389 = arith.constant 4 : i32
      %mul3A_1390 = arith.muli %sub3A_1358, %mul3A_1389 : i32
      %add3A_1391 = arith.constant 2 : i32
      %add3A_1392 = arith.addi %mul3A_1390, %add3A_1391 : i32
      %dma_start3A_1393 = arith.constant 2 : i32
      %dma_start3A_1394 = arith.constant 0 : i32
      %dma_start3A_1395 = arith.constant 0 : i32
      %dma_start3A_1396 = tpu.memref_slice %arg8[%dma_start3A_1393, %dma_start3A_1394, %dma_start3A_1395] : memref<4x50x128xf32, #tpu.memory_space<vmem>> -> memref<1x50x128xf32, #tpu.memory_space<vmem>>
      %dma_start3A_1397 = tpu.memref_squeeze %dma_start3A_1396 : memref<1x50x128xf32, #tpu.memory_space<vmem>> -> memref<50x128xf32, #tpu.memory_space<vmem>>
      %dma_start3A_1398 = arith.constant 0 : i32
      %dma_start3A_1399 = tpu.memref_slice %arg5[%add3A_1392, %dma_start3A_1398] : memref<128x50xi32, #tpu.memory_space<vmem>> -> memref<1x50xi32, #tpu.memory_space<vmem>>
      %dma_start3A_1400 = tpu.memref_squeeze %dma_start3A_1399 : memref<1x50xi32, #tpu.memory_space<vmem>> -> memref<50xi32, #tpu.memory_space<vmem>>
      %dma_start3A_1401 = arith.constant 0 : i32
      %dma_start3A_1402 = arith.constant 0 : i32
      %dma_start3A_1403 = tpu.memref_slice %arg2[%dma_start3A_1401, %dma_start3A_1402] : memref<100000x128xf32, #tpu.memory_space<hbm>> -> memref<100000x128xf32, #tpu.memory_space<hbm>>
      tpu.enqueue_indirect_dma source(%dma_start3A_1403 : memref<100000x128xf32, #tpu.memory_space<hbm>>) target(%dma_start3A_1397 : memref<50x128xf32, #tpu.memory_space<vmem>>) offsets(%dma_start3A_1400 : memref<50xi32, #tpu.memory_space<vmem>>) semaphore(%arg10 : memref<!tpu.dma_semaphore, #tpu.memory_space<semaphore_mem>>)
      %mul3A_1404 = arith.constant 4 : i32
      %mul3A_1405 = arith.muli %sub3A_1358, %mul3A_1404 : i32
      %add3A_1406 = arith.constant 3 : i32
      %add3A_1407 = arith.addi %mul3A_1405, %add3A_1406 : i32
      %dma_start3A_1408 = arith.constant 3 : i32
      %dma_start3A_1409 = arith.constant 0 : i32
      %dma_start3A_1410 = arith.constant 0 : i32
      %dma_start3A_1411 = tpu.memref_slice %arg8[%dma_start3A_1408, %dma_start3A_1409, %dma_start3A_1410] : memref<4x50x128xf32, #tpu.memory_space<vmem>> -> memref<1x50x128xf32, #tpu.memory_space<vmem>>
      %dma_start3A_1412 = tpu.memref_squeeze %dma_start3A_1411 : memref<1x50x128xf32, #tpu.memory_space<vmem>> -> memref<50x128xf32, #tpu.memory_space<vmem>>
      %dma_start3A_1413 = arith.constant 0 : i32
      %dma_start3A_1414 = tpu.memref_slice %arg5[%add3A_1407, %dma_start3A_1413] : memref<128x50xi32, #tpu.memory_space<vmem>> -> memref<1x50xi32, #tpu.memory_space<vmem>>
      %dma_start3A_1415 = tpu.memref_squeeze %dma_start3A_1414 : memref<1x50xi32, #tpu.memory_space<vmem>> -> memref<50xi32, #tpu.memory_space<vmem>>
      %dma_start3A_1416 = arith.constant 0 : i32
      %dma_start3A_1417 = arith.constant 0 : i32
      %dma_start3A_1418 = tpu.memref_slice %arg2[%dma_start3A_1416, %dma_start3A_1417] : memref<100000x128xf32, #tpu.memory_space<hbm>> -> memref<100000x128xf32, #tpu.memory_space<hbm>>
      tpu.enqueue_indirect_dma source(%dma_start3A_1418 : memref<100000x128xf32, #tpu.memory_space<hbm>>) target(%dma_start3A_1412 : memref<50x128xf32, #tpu.memory_space<vmem>>) offsets(%dma_start3A_1415 : memref<50xi32, #tpu.memory_space<vmem>>) semaphore(%arg10 : memref<!tpu.dma_semaphore, #tpu.memory_space<semaphore_mem>>)
      %mul3A_1419 = arith.constant 4 : i32
      %mul3A_1420 = arith.muli %add3A_1343, %mul3A_1419 : i32
      %add3A_1421 = arith.constant 0 : i32
      %add3A_1422 = arith.addi %mul3A_1420, %add3A_1421 : i32
      %dma_wait3A_1423 = arith.constant 0 : i32
      %dma_wait3A_1424 = arith.constant 0 : i32
      %dma_wait3A_1425 = arith.constant 0 : i32
      %dma_wait3A_1426 = tpu.memref_slice %arg9[%dma_wait3A_1423, %dma_wait3A_1424, %dma_wait3A_1425] : memref<4x50x128xf32, #tpu.memory_space<vmem>> -> memref<1x50x128xf32, #tpu.memory_space<vmem>>
      %dma_wait3A_1427 = tpu.memref_squeeze %dma_wait3A_1426 : memref<1x50x128xf32, #tpu.memory_space<vmem>> -> memref<50x128xf32, #tpu.memory_space<vmem>>
      %dma_wait3A_1428 = arith.constant 0 : i32
      %dma_wait3A_1429 = tpu.memref_slice %arg5[%add3A_1422, %dma_wait3A_1428] : memref<128x50xi32, #tpu.memory_space<vmem>> -> memref<1x50xi32, #tpu.memory_space<vmem>>
      %dma_wait3A_1430 = tpu.memref_squeeze %dma_wait3A_1429 : memref<1x50xi32, #tpu.memory_space<vmem>> -> memref<50xi32, #tpu.memory_space<vmem>>
      %dma_wait3A_1431 = arith.constant 0 : i32
      %dma_wait3A_1432 = arith.constant 0 : i32
      %dma_wait3A_1433 = tpu.memref_slice %arg2[%dma_wait3A_1431, %dma_wait3A_1432] : memref<100000x128xf32, #tpu.memory_space<hbm>> -> memref<100000x128xf32, #tpu.memory_space<hbm>>
      tpu.wait_indirect_dma semaphore(%arg10 : memref<!tpu.dma_semaphore, #tpu.memory_space<semaphore_mem>>) src(%dma_wait3A_1433 : memref<100000x128xf32, #tpu.memory_space<hbm>>) dst(%dma_wait3A_1427 : memref<50x128xf32, #tpu.memory_space<vmem>>)
      %mul3A_1434 = arith.constant 4 : i32
      %mul3A_1435 = arith.muli %add3A_1343, %mul3A_1434 : i32
      %add3A_1436 = arith.constant 1 : i32
      %add3A_1437 = arith.addi %mul3A_1435, %add3A_1436 : i32
      %dma_wait3A_1438 = arith.constant 1 : i32
      %dma_wait3A_1439 = arith.constant 0 : i32
      %dma_wait3A_1440 = arith.constant 0 : i32
      %dma_wait3A_1441 = tpu.memref_slice %arg9[%dma_wait3A_1438, %dma_wait3A_1439, %dma_wait3A_1440] : memref<4x50x128xf32, #tpu.memory_space<vmem>> -> memref<1x50x128xf32, #tpu.memory_space<vmem>>
      %dma_wait3A_1442 = tpu.memref_squeeze %dma_wait3A_1441 : memref<1x50x128xf32, #tpu.memory_space<vmem>> -> memref<50x128xf32, #tpu.memory_space<vmem>>
      %dma_wait3A_1443 = arith.constant 0 : i32
      %dma_wait3A_1444 = tpu.memref_slice %arg5[%add3A_1437, %dma_wait3A_1443] : memref<128x50xi32, #tpu.memory_space<vmem>> -> memref<1x50xi32, #tpu.memory_space<vmem>>
      %dma_wait3A_1445 = tpu.memref_squeeze %dma_wait3A_1444 : memref<1x50xi32, #tpu.memory_space<vmem>> -> memref<50xi32, #tpu.memory_space<vmem>>
      %dma_wait3A_1446 = arith.constant 0 : i32
      %dma_wait3A_1447 = arith.constant 0 : i32
      %dma_wait3A_1448 = tpu.memref_slice %arg2[%dma_wait3A_1446, %dma_wait3A_1447] : memref<100000x128xf32, #tpu.memory_space<hbm>> -> memref<100000x128xf32, #tpu.memory_space<hbm>>
      tpu.wait_indirect_dma semaphore(%arg10 : memref<!tpu.dma_semaphore, #tpu.memory_space<semaphore_mem>>) src(%dma_wait3A_1448 : memref<100000x128xf32, #tpu.memory_space<hbm>>) dst(%dma_wait3A_1442 : memref<50x128xf32, #tpu.memory_space<vmem>>)
      %mul3A_1449 = arith.constant 4 : i32
      %mul3A_1450 = arith.muli %add3A_1343, %mul3A_1449 : i32
      %add3A_1451 = arith.constant 2 : i32
      %add3A_1452 = arith.addi %mul3A_1450, %add3A_1451 : i32
      %dma_wait3A_1453 = arith.constant 2 : i32
      %dma_wait3A_1454 = arith.constant 0 : i32
      %dma_wait3A_1455 = arith.constant 0 : i32
      %dma_wait3A_1456 = tpu.memref_slice %arg9[%dma_wait3A_1453, %dma_wait3A_1454, %dma_wait3A_1455] : memref<4x50x128xf32, #tpu.memory_space<vmem>> -> memref<1x50x128xf32, #tpu.memory_space<vmem>>
      %dma_wait3A_1457 = tpu.memref_squeeze %dma_wait3A_1456 : memref<1x50x128xf32, #tpu.memory_space<vmem>> -> memref<50x128xf32, #tpu.memory_space<vmem>>
      %dma_wait3A_1458 = arith.constant 0 : i32
      %dma_wait3A_1459 = tpu.memref_slice %arg5[%add3A_1452, %dma_wait3A_1458] : memref<128x50xi32, #tpu.memory_space<vmem>> -> memref<1x50xi32, #tpu.memory_space<vmem>>
      %dma_wait3A_1460 = tpu.memref_squeeze %dma_wait3A_1459 : memref<1x50xi32, #tpu.memory_space<vmem>> -> memref<50xi32, #tpu.memory_space<vmem>>
      %dma_wait3A_1461 = arith.constant 0 : i32
      %dma_wait3A_1462 = arith.constant 0 : i32
      %dma_wait3A_1463 = tpu.memref_slice %arg2[%dma_wait3A_1461, %dma_wait3A_1462] : memref<100000x128xf32, #tpu.memory_space<hbm>> -> memref<100000x128xf32, #tpu.memory_space<hbm>>
      tpu.wait_indirect_dma semaphore(%arg10 : memref<!tpu.dma_semaphore, #tpu.memory_space<semaphore_mem>>) src(%dma_wait3A_1463 : memref<100000x128xf32, #tpu.memory_space<hbm>>) dst(%dma_wait3A_1457 : memref<50x128xf32, #tpu.memory_space<vmem>>)
      %mul3A_1464 = arith.constant 4 : i32
      %mul3A_1465 = arith.muli %add3A_1343, %mul3A_1464 : i32
      %add3A_1466 = arith.constant 3 : i32
      %add3A_1467 = arith.addi %mul3A_1465, %add3A_1466 : i32
      %dma_wait3A_1468 = arith.constant 3 : i32
      %dma_wait3A_1469 = arith.constant 0 : i32
      %dma_wait3A_1470 = arith.constant 0 : i32
      %dma_wait3A_1471 = tpu.memref_slice %arg9[%dma_wait3A_1468, %dma_wait3A_1469, %dma_wait3A_1470] : memref<4x50x128xf32, #tpu.memory_space<vmem>> -> memref<1x50x128xf32, #tpu.memory_space<vmem>>
      %dma_wait3A_1472 = tpu.memref_squeeze %dma_wait3A_1471 : memref<1x50x128xf32, #tpu.memory_space<vmem>> -> memref<50x128xf32, #tpu.memory_space<vmem>>
      %dma_wait3A_1473 = arith.constant 0 : i32
      %dma_wait3A_1474 = tpu.memref_slice %arg5[%add3A_1467, %dma_wait3A_1473] : memref<128x50xi32, #tpu.memory_space<vmem>> -> memref<1x50xi32, #tpu.memory_space<vmem>>
      %dma_wait3A_1475 = tpu.memref_squeeze %dma_wait3A_1474 : memref<1x50xi32, #tpu.memory_space<vmem>> -> memref<50xi32, #tpu.memory_space<vmem>>
      %dma_wait3A_1476 = arith.constant 0 : i32
      %dma_wait3A_1477 = arith.constant 0 : i32
      %dma_wait3A_1478 = tpu.memref_slice %arg2[%dma_wait3A_1476, %dma_wait3A_1477] : memref<100000x128xf32, #tpu.memory_space<hbm>> -> memref<100000x128xf32, #tpu.memory_space<hbm>>
      tpu.wait_indirect_dma semaphore(%arg10 : memref<!tpu.dma_semaphore, #tpu.memory_space<semaphore_mem>>) src(%dma_wait3A_1478 : memref<100000x128xf32, #tpu.memory_space<hbm>>) dst(%dma_wait3A_1472 : memref<50x128xf32, #tpu.memory_space<vmem>>)
      %mul3A_1479 = arith.constant 4 : i32
      %mul3A_1480 = arith.muli %add3A_1343, %mul3A_1479 : i32
      %add3A_1481 = arith.addi %mul3A_2, %mul3A_1480 : i32
      %dma_start3A_1482 = arith.constant 0 : i32
      %dma_start3A_1483 = arith.constant 0 : i32
      %dma_start3A_1484 = tpu.memref_slice %arg4[%add3A_1481, %dma_start3A_1482, %dma_start3A_1483] : memref<4096x50x128xf32, #tpu.memory_space<hbm>> -> memref<4x50x128xf32, #tpu.memory_space<hbm>>
      %dma_start3A_1485 = arith.constant 0 : i32
      %dma_start3A_1486 = arith.constant 0 : i32
      %dma_start3A_1487 = tpu.memref_slice %arg4[%add3A_1481, %dma_start3A_1485, %dma_start3A_1486] : memref<4096x50x128xf32, #tpu.memory_space<hbm>> -> memref<4x50x128xf32, #tpu.memory_space<hbm>>
      tpu.enqueue_dma source(%arg9 : memref<4x50x128xf32, #tpu.memory_space<vmem>>) target(%dma_start3A_1487 : memref<4x50x128xf32, #tpu.memory_space<hbm>>) target_semaphore(%arg11 : memref<!tpu.dma_semaphore, #tpu.memory_space<semaphore_mem>>)
    }
    %scan3A_589 = arith.constant 6 : i32
    %add3A_590 = arith.constant 108 : i32
    %add3A_591 = arith.addi %mul3A_2, %add3A_590 : i32
    %dma_wait3A_592 = arith.constant 0 : i32
    %dma_wait3A_593 = arith.constant 0 : i32
    %dma_wait3A_594 = tpu.memref_slice %arg4[%add3A_591, %dma_wait3A_592, %dma_wait3A_593] : memref<4096x50x128xf32, #tpu.memory_space<hbm>> -> memref<4x50x128xf32, #tpu.memory_space<hbm>>
    %dma_wait3A_595 = arith.constant 0 : i32
    %dma_wait3A_596 = arith.constant 0 : i32
    %dma_wait3A_597 = tpu.memref_slice %arg4[%add3A_591, %dma_wait3A_595, %dma_wait3A_596] : memref<4096x50x128xf32, #tpu.memory_space<hbm>> -> memref<4x50x128xf32, #tpu.memory_space<hbm>>
    tpu.wait_dma2 semaphore(%arg11 : memref<!tpu.dma_semaphore, #tpu.memory_space<semaphore_mem>>) src(%arg9 : memref<4x50x128xf32, #tpu.memory_space<vmem>>) dst(%dma_wait3A_597 : memref<4x50x128xf32, #tpu.memory_space<hbm>>)
    %dma_start3A_598 = arith.constant 124 : i32
    %dma_start3A_599 = arith.constant 0 : i32
    %dma_start3A_600 = arith.constant 0 : i32
    %dma_start3A_601 = arith.constant 0 : i32
    %dma_start3A_602 = tpu.memref_slice %arg9[%dma_start3A_599, %dma_start3A_600, %dma_start3A_601] : memref<4x50x128xf32, #tpu.memory_space<vmem>> -> memref<1x50x128xf32, #tpu.memory_space<vmem>>
    %dma_start3A_603 = tpu.memref_squeeze %dma_start3A_602 : memref<1x50x128xf32, #tpu.memory_space<vmem>> -> memref<50x128xf32, #tpu.memory_space<vmem>>
    %dma_start3A_604 = arith.constant 0 : i32
    %dma_start3A_605 = tpu.memref_slice %arg5[%dma_start3A_598, %dma_start3A_604] : memref<128x50xi32, #tpu.memory_space<vmem>> -> memref<1x50xi32, #tpu.memory_space<vmem>>
    %dma_start3A_606 = tpu.memref_squeeze %dma_start3A_605 : memref<1x50xi32, #tpu.memory_space<vmem>> -> memref<50xi32, #tpu.memory_space<vmem>>
    %dma_start3A_607 = arith.constant 0 : i32
    %dma_start3A_608 = arith.constant 0 : i32
    %dma_start3A_609 = tpu.memref_slice %arg2[%dma_start3A_607, %dma_start3A_608] : memref<100000x128xf32, #tpu.memory_space<hbm>> -> memref<100000x128xf32, #tpu.memory_space<hbm>>
    tpu.enqueue_indirect_dma source(%dma_start3A_609 : memref<100000x128xf32, #tpu.memory_space<hbm>>) target(%dma_start3A_603 : memref<50x128xf32, #tpu.memory_space<vmem>>) offsets(%dma_start3A_606 : memref<50xi32, #tpu.memory_space<vmem>>) semaphore(%arg10 : memref<!tpu.dma_semaphore, #tpu.memory_space<semaphore_mem>>)
    %dma_start3A_610 = arith.constant 125 : i32
    %dma_start3A_611 = arith.constant 1 : i32
    %dma_start3A_612 = arith.constant 0 : i32
    %dma_start3A_613 = arith.constant 0 : i32
    %dma_start3A_614 = tpu.memref_slice %arg9[%dma_start3A_611, %dma_start3A_612, %dma_start3A_613] : memref<4x50x128xf32, #tpu.memory_space<vmem>> -> memref<1x50x128xf32, #tpu.memory_space<vmem>>
    %dma_start3A_615 = tpu.memref_squeeze %dma_start3A_614 : memref<1x50x128xf32, #tpu.memory_space<vmem>> -> memref<50x128xf32, #tpu.memory_space<vmem>>
    %dma_start3A_616 = arith.constant 0 : i32
    %dma_start3A_617 = tpu.memref_slice %arg5[%dma_start3A_610, %dma_start3A_616] : memref<128x50xi32, #tpu.memory_space<vmem>> -> memref<1x50xi32, #tpu.memory_space<vmem>>
    %dma_start3A_618 = tpu.memref_squeeze %dma_start3A_617 : memref<1x50xi32, #tpu.memory_space<vmem>> -> memref<50xi32, #tpu.memory_space<vmem>>
    %dma_start3A_619 = arith.constant 0 : i32
    %dma_start3A_620 = arith.constant 0 : i32
    %dma_start3A_621 = tpu.memref_slice %arg2[%dma_start3A_619, %dma_start3A_620] : memref<100000x128xf32, #tpu.memory_space<hbm>> -> memref<100000x128xf32, #tpu.memory_space<hbm>>
    tpu.enqueue_indirect_dma source(%dma_start3A_621 : memref<100000x128xf32, #tpu.memory_space<hbm>>) target(%dma_start3A_615 : memref<50x128xf32, #tpu.memory_space<vmem>>) offsets(%dma_start3A_618 : memref<50xi32, #tpu.memory_space<vmem>>) semaphore(%arg10 : memref<!tpu.dma_semaphore, #tpu.memory_space<semaphore_mem>>)
    %dma_start3A_622 = arith.constant 126 : i32
    %dma_start3A_623 = arith.constant 2 : i32
    %dma_start3A_624 = arith.constant 0 : i32
    %dma_start3A_625 = arith.constant 0 : i32
    %dma_start3A_626 = tpu.memref_slice %arg9[%dma_start3A_623, %dma_start3A_624, %dma_start3A_625] : memref<4x50x128xf32, #tpu.memory_space<vmem>> -> memref<1x50x128xf32, #tpu.memory_space<vmem>>
    %dma_start3A_627 = tpu.memref_squeeze %dma_start3A_626 : memref<1x50x128xf32, #tpu.memory_space<vmem>> -> memref<50x128xf32, #tpu.memory_space<vmem>>
    %dma_start3A_628 = arith.constant 0 : i32
    %dma_start3A_629 = tpu.memref_slice %arg5[%dma_start3A_622, %dma_start3A_628] : memref<128x50xi32, #tpu.memory_space<vmem>> -> memref<1x50xi32, #tpu.memory_space<vmem>>
    %dma_start3A_630 = tpu.memref_squeeze %dma_start3A_629 : memref<1x50xi32, #tpu.memory_space<vmem>> -> memref<50xi32, #tpu.memory_space<vmem>>
    %dma_start3A_631 = arith.constant 0 : i32
    %dma_start3A_632 = arith.constant 0 : i32
    %dma_start3A_633 = tpu.memref_slice %arg2[%dma_start3A_631, %dma_start3A_632] : memref<100000x128xf32, #tpu.memory_space<hbm>> -> memref<100000x128xf32, #tpu.memory_space<hbm>>
    tpu.enqueue_indirect_dma source(%dma_start3A_633 : memref<100000x128xf32, #tpu.memory_space<hbm>>) target(%dma_start3A_627 : memref<50x128xf32, #tpu.memory_space<vmem>>) offsets(%dma_start3A_630 : memref<50xi32, #tpu.memory_space<vmem>>) semaphore(%arg10 : memref<!tpu.dma_semaphore, #tpu.memory_space<semaphore_mem>>)
    %dma_start3A_634 = arith.constant 127 : i32
    %dma_start3A_635 = arith.constant 3 : i32
    %dma_start3A_636 = arith.constant 0 : i32
    %dma_start3A_637 = arith.constant 0 : i32
    %dma_start3A_638 = tpu.memref_slice %arg9[%dma_start3A_635, %dma_start3A_636, %dma_start3A_637] : memref<4x50x128xf32, #tpu.memory_space<vmem>> -> memref<1x50x128xf32, #tpu.memory_space<vmem>>
    %dma_start3A_639 = tpu.memref_squeeze %dma_start3A_638 : memref<1x50x128xf32, #tpu.memory_space<vmem>> -> memref<50x128xf32, #tpu.memory_space<vmem>>
    %dma_start3A_640 = arith.constant 0 : i32
    %dma_start3A_641 = tpu.memref_slice %arg5[%dma_start3A_634, %dma_start3A_640] : memref<128x50xi32, #tpu.memory_space<vmem>> -> memref<1x50xi32, #tpu.memory_space<vmem>>
    %dma_start3A_642 = tpu.memref_squeeze %dma_start3A_641 : memref<1x50xi32, #tpu.memory_space<vmem>> -> memref<50xi32, #tpu.memory_space<vmem>>
    %dma_start3A_643 = arith.constant 0 : i32
    %dma_start3A_644 = arith.constant 0 : i32
    %dma_start3A_645 = tpu.memref_slice %arg2[%dma_start3A_643, %dma_start3A_644] : memref<100000x128xf32, #tpu.memory_space<hbm>> -> memref<100000x128xf32, #tpu.memory_space<hbm>>
    tpu.enqueue_indirect_dma source(%dma_start3A_645 : memref<100000x128xf32, #tpu.memory_space<hbm>>) target(%dma_start3A_639 : memref<50x128xf32, #tpu.memory_space<vmem>>) offsets(%dma_start3A_642 : memref<50xi32, #tpu.memory_space<vmem>>) semaphore(%arg10 : memref<!tpu.dma_semaphore, #tpu.memory_space<semaphore_mem>>)
    %dma_wait3A_646 = arith.constant 112 : i32
    %dma_wait3A_647 = arith.constant 0 : i32
    %dma_wait3A_648 = arith.constant 0 : i32
    %dma_wait3A_649 = arith.constant 0 : i32
    %dma_wait3A_650 = tpu.memref_slice %arg6[%dma_wait3A_647, %dma_wait3A_648, %dma_wait3A_649] : memref<4x50x128xf32, #tpu.memory_space<vmem>> -> memref<1x50x128xf32, #tpu.memory_space<vmem>>
    %dma_wait3A_651 = tpu.memref_squeeze %dma_wait3A_650 : memref<1x50x128xf32, #tpu.memory_space<vmem>> -> memref<50x128xf32, #tpu.memory_space<vmem>>
    %dma_wait3A_652 = arith.constant 0 : i32
    %dma_wait3A_653 = tpu.memref_slice %arg5[%dma_wait3A_646, %dma_wait3A_652] : memref<128x50xi32, #tpu.memory_space<vmem>> -> memref<1x50xi32, #tpu.memory_space<vmem>>
    %dma_wait3A_654 = tpu.memref_squeeze %dma_wait3A_653 : memref<1x50xi32, #tpu.memory_space<vmem>> -> memref<50xi32, #tpu.memory_space<vmem>>
    %dma_wait3A_655 = arith.constant 0 : i32
    %dma_wait3A_656 = arith.constant 0 : i32
    %dma_wait3A_657 = tpu.memref_slice %arg2[%dma_wait3A_655, %dma_wait3A_656] : memref<100000x128xf32, #tpu.memory_space<hbm>> -> memref<100000x128xf32, #tpu.memory_space<hbm>>
    tpu.wait_indirect_dma semaphore(%arg10 : memref<!tpu.dma_semaphore, #tpu.memory_space<semaphore_mem>>) src(%dma_wait3A_657 : memref<100000x128xf32, #tpu.memory_space<hbm>>) dst(%dma_wait3A_651 : memref<50x128xf32, #tpu.memory_space<vmem>>)
    %dma_wait3A_658 = arith.constant 113 : i32
    %dma_wait3A_659 = arith.constant 1 : i32
    %dma_wait3A_660 = arith.constant 0 : i32
    %dma_wait3A_661 = arith.constant 0 : i32
    %dma_wait3A_662 = tpu.memref_slice %arg6[%dma_wait3A_659, %dma_wait3A_660, %dma_wait3A_661] : memref<4x50x128xf32, #tpu.memory_space<vmem>> -> memref<1x50x128xf32, #tpu.memory_space<vmem>>
    %dma_wait3A_663 = tpu.memref_squeeze %dma_wait3A_662 : memref<1x50x128xf32, #tpu.memory_space<vmem>> -> memref<50x128xf32, #tpu.memory_space<vmem>>
    %dma_wait3A_664 = arith.constant 0 : i32
    %dma_wait3A_665 = tpu.memref_slice %arg5[%dma_wait3A_658, %dma_wait3A_664] : memref<128x50xi32, #tpu.memory_space<vmem>> -> memref<1x50xi32, #tpu.memory_space<vmem>>
    %dma_wait3A_666 = tpu.memref_squeeze %dma_wait3A_665 : memref<1x50xi32, #tpu.memory_space<vmem>> -> memref<50xi32, #tpu.memory_space<vmem>>
    %dma_wait3A_667 = arith.constant 0 : i32
    %dma_wait3A_668 = arith.constant 0 : i32
    %dma_wait3A_669 = tpu.memref_slice %arg2[%dma_wait3A_667, %dma_wait3A_668] : memref<100000x128xf32, #tpu.memory_space<hbm>> -> memref<100000x128xf32, #tpu.memory_space<hbm>>
    tpu.wait_indirect_dma semaphore(%arg10 : memref<!tpu.dma_semaphore, #tpu.memory_space<semaphore_mem>>) src(%dma_wait3A_669 : memref<100000x128xf32, #tpu.memory_space<hbm>>) dst(%dma_wait3A_663 : memref<50x128xf32, #tpu.memory_space<vmem>>)
    %dma_wait3A_670 = arith.constant 114 : i32
    %dma_wait3A_671 = arith.constant 2 : i32
    %dma_wait3A_672 = arith.constant 0 : i32
    %dma_wait3A_673 = arith.constant 0 : i32
    %dma_wait3A_674 = tpu.memref_slice %arg6[%dma_wait3A_671, %dma_wait3A_672, %dma_wait3A_673] : memref<4x50x128xf32, #tpu.memory_space<vmem>> -> memref<1x50x128xf32, #tpu.memory_space<vmem>>
    %dma_wait3A_675 = tpu.memref_squeeze %dma_wait3A_674 : memref<1x50x128xf32, #tpu.memory_space<vmem>> -> memref<50x128xf32, #tpu.memory_space<vmem>>
    %dma_wait3A_676 = arith.constant 0 : i32
    %dma_wait3A_677 = tpu.memref_slice %arg5[%dma_wait3A_670, %dma_wait3A_676] : memref<128x50xi32, #tpu.memory_space<vmem>> -> memref<1x50xi32, #tpu.memory_space<vmem>>
    %dma_wait3A_678 = tpu.memref_squeeze %dma_wait3A_677 : memref<1x50xi32, #tpu.memory_space<vmem>> -> memref<50xi32, #tpu.memory_space<vmem>>
    %dma_wait3A_679 = arith.constant 0 : i32
    %dma_wait3A_680 = arith.constant 0 : i32
    %dma_wait3A_681 = tpu.memref_slice %arg2[%dma_wait3A_679, %dma_wait3A_680] : memref<100000x128xf32, #tpu.memory_space<hbm>> -> memref<100000x128xf32, #tpu.memory_space<hbm>>
    tpu.wait_indirect_dma semaphore(%arg10 : memref<!tpu.dma_semaphore, #tpu.memory_space<semaphore_mem>>) src(%dma_wait3A_681 : memref<100000x128xf32, #tpu.memory_space<hbm>>) dst(%dma_wait3A_675 : memref<50x128xf32, #tpu.memory_space<vmem>>)
    %dma_wait3A_682 = arith.constant 115 : i32
    %dma_wait3A_683 = arith.constant 3 : i32
    %dma_wait3A_684 = arith.constant 0 : i32
    %dma_wait3A_685 = arith.constant 0 : i32
    %dma_wait3A_686 = tpu.memref_slice %arg6[%dma_wait3A_683, %dma_wait3A_684, %dma_wait3A_685] : memref<4x50x128xf32, #tpu.memory_space<vmem>> -> memref<1x50x128xf32, #tpu.memory_space<vmem>>
    %dma_wait3A_687 = tpu.memref_squeeze %dma_wait3A_686 : memref<1x50x128xf32, #tpu.memory_space<vmem>> -> memref<50x128xf32, #tpu.memory_space<vmem>>
    %dma_wait3A_688 = arith.constant 0 : i32
    %dma_wait3A_689 = tpu.memref_slice %arg5[%dma_wait3A_682, %dma_wait3A_688] : memref<128x50xi32, #tpu.memory_space<vmem>> -> memref<1x50xi32, #tpu.memory_space<vmem>>
    %dma_wait3A_690 = tpu.memref_squeeze %dma_wait3A_689 : memref<1x50xi32, #tpu.memory_space<vmem>> -> memref<50xi32, #tpu.memory_space<vmem>>
    %dma_wait3A_691 = arith.constant 0 : i32
    %dma_wait3A_692 = arith.constant 0 : i32
    %dma_wait3A_693 = tpu.memref_slice %arg2[%dma_wait3A_691, %dma_wait3A_692] : memref<100000x128xf32, #tpu.memory_space<hbm>> -> memref<100000x128xf32, #tpu.memory_space<hbm>>
    tpu.wait_indirect_dma semaphore(%arg10 : memref<!tpu.dma_semaphore, #tpu.memory_space<semaphore_mem>>) src(%dma_wait3A_693 : memref<100000x128xf32, #tpu.memory_space<hbm>>) dst(%dma_wait3A_687 : memref<50x128xf32, #tpu.memory_space<vmem>>)
    %add3A_694 = arith.constant 112 : i32
    %add3A_695 = arith.addi %mul3A_2, %add3A_694 : i32
    %dma_start3A_696 = arith.constant 0 : i32
    %dma_start3A_697 = arith.constant 0 : i32
    %dma_start3A_698 = tpu.memref_slice %arg4[%add3A_695, %dma_start3A_696, %dma_start3A_697] : memref<4096x50x128xf32, #tpu.memory_space<hbm>> -> memref<4x50x128xf32, #tpu.memory_space<hbm>>
    %dma_start3A_699 = arith.constant 0 : i32
    %dma_start3A_700 = arith.constant 0 : i32
    %dma_start3A_701 = tpu.memref_slice %arg4[%add3A_695, %dma_start3A_699, %dma_start3A_700] : memref<4096x50x128xf32, #tpu.memory_space<hbm>> -> memref<4x50x128xf32, #tpu.memory_space<hbm>>
    tpu.enqueue_dma source(%arg6 : memref<4x50x128xf32, #tpu.memory_space<vmem>>) target(%dma_start3A_701 : memref<4x50x128xf32, #tpu.memory_space<hbm>>) target_semaphore(%arg11 : memref<!tpu.dma_semaphore, #tpu.memory_space<semaphore_mem>>)
    %add3A_702 = arith.constant 112 : i32
    %add3A_703 = arith.addi %mul3A_2, %add3A_702 : i32
    %dma_wait3A_704 = arith.constant 0 : i32
    %dma_wait3A_705 = arith.constant 0 : i32
    %dma_wait3A_706 = tpu.memref_slice %arg4[%add3A_703, %dma_wait3A_704, %dma_wait3A_705] : memref<4096x50x128xf32, #tpu.memory_space<hbm>> -> memref<4x50x128xf32, #tpu.memory_space<hbm>>
    %dma_wait3A_707 = arith.constant 0 : i32
    %dma_wait3A_708 = arith.constant 0 : i32
    %dma_wait3A_709 = tpu.memref_slice %arg4[%add3A_703, %dma_wait3A_707, %dma_wait3A_708] : memref<4096x50x128xf32, #tpu.memory_space<hbm>> -> memref<4x50x128xf32, #tpu.memory_space<hbm>>
    tpu.wait_dma2 semaphore(%arg11 : memref<!tpu.dma_semaphore, #tpu.memory_space<semaphore_mem>>) src(%arg6 : memref<4x50x128xf32, #tpu.memory_space<vmem>>) dst(%dma_wait3A_709 : memref<4x50x128xf32, #tpu.memory_space<hbm>>)
    %dma_wait3A_710 = arith.constant 116 : i32
    %dma_wait3A_711 = arith.constant 0 : i32
    %dma_wait3A_712 = arith.constant 0 : i32
    %dma_wait3A_713 = arith.constant 0 : i32
    %dma_wait3A_714 = tpu.memref_slice %arg7[%dma_wait3A_711, %dma_wait3A_712, %dma_wait3A_713] : memref<4x50x128xf32, #tpu.memory_space<vmem>> -> memref<1x50x128xf32, #tpu.memory_space<vmem>>
    %dma_wait3A_715 = tpu.memref_squeeze %dma_wait3A_714 : memref<1x50x128xf32, #tpu.memory_space<vmem>> -> memref<50x128xf32, #tpu.memory_space<vmem>>
    %dma_wait3A_716 = arith.constant 0 : i32
    %dma_wait3A_717 = tpu.memref_slice %arg5[%dma_wait3A_710, %dma_wait3A_716] : memref<128x50xi32, #tpu.memory_space<vmem>> -> memref<1x50xi32, #tpu.memory_space<vmem>>
    %dma_wait3A_718 = tpu.memref_squeeze %dma_wait3A_717 : memref<1x50xi32, #tpu.memory_space<vmem>> -> memref<50xi32, #tpu.memory_space<vmem>>
    %dma_wait3A_719 = arith.constant 0 : i32
    %dma_wait3A_720 = arith.constant 0 : i32
    %dma_wait3A_721 = tpu.memref_slice %arg2[%dma_wait3A_719, %dma_wait3A_720] : memref<100000x128xf32, #tpu.memory_space<hbm>> -> memref<100000x128xf32, #tpu.memory_space<hbm>>
    tpu.wait_indirect_dma semaphore(%arg10 : memref<!tpu.dma_semaphore, #tpu.memory_space<semaphore_mem>>) src(%dma_wait3A_721 : memref<100000x128xf32, #tpu.memory_space<hbm>>) dst(%dma_wait3A_715 : memref<50x128xf32, #tpu.memory_space<vmem>>)
    %dma_wait3A_722 = arith.constant 117 : i32
    %dma_wait3A_723 = arith.constant 1 : i32
    %dma_wait3A_724 = arith.constant 0 : i32
    %dma_wait3A_725 = arith.constant 0 : i32
    %dma_wait3A_726 = tpu.memref_slice %arg7[%dma_wait3A_723, %dma_wait3A_724, %dma_wait3A_725] : memref<4x50x128xf32, #tpu.memory_space<vmem>> -> memref<1x50x128xf32, #tpu.memory_space<vmem>>
    %dma_wait3A_727 = tpu.memref_squeeze %dma_wait3A_726 : memref<1x50x128xf32, #tpu.memory_space<vmem>> -> memref<50x128xf32, #tpu.memory_space<vmem>>
    %dma_wait3A_728 = arith.constant 0 : i32
    %dma_wait3A_729 = tpu.memref_slice %arg5[%dma_wait3A_722, %dma_wait3A_728] : memref<128x50xi32, #tpu.memory_space<vmem>> -> memref<1x50xi32, #tpu.memory_space<vmem>>
    %dma_wait3A_730 = tpu.memref_squeeze %dma_wait3A_729 : memref<1x50xi32, #tpu.memory_space<vmem>> -> memref<50xi32, #tpu.memory_space<vmem>>
    %dma_wait3A_731 = arith.constant 0 : i32
    %dma_wait3A_732 = arith.constant 0 : i32
    %dma_wait3A_733 = tpu.memref_slice %arg2[%dma_wait3A_731, %dma_wait3A_732] : memref<100000x128xf32, #tpu.memory_space<hbm>> -> memref<100000x128xf32, #tpu.memory_space<hbm>>
    tpu.wait_indirect_dma semaphore(%arg10 : memref<!tpu.dma_semaphore, #tpu.memory_space<semaphore_mem>>) src(%dma_wait3A_733 : memref<100000x128xf32, #tpu.memory_space<hbm>>) dst(%dma_wait3A_727 : memref<50x128xf32, #tpu.memory_space<vmem>>)
    %dma_wait3A_734 = arith.constant 118 : i32
    %dma_wait3A_735 = arith.constant 2 : i32
    %dma_wait3A_736 = arith.constant 0 : i32
    %dma_wait3A_737 = arith.constant 0 : i32
    %dma_wait3A_738 = tpu.memref_slice %arg7[%dma_wait3A_735, %dma_wait3A_736, %dma_wait3A_737] : memref<4x50x128xf32, #tpu.memory_space<vmem>> -> memref<1x50x128xf32, #tpu.memory_space<vmem>>
    %dma_wait3A_739 = tpu.memref_squeeze %dma_wait3A_738 : memref<1x50x128xf32, #tpu.memory_space<vmem>> -> memref<50x128xf32, #tpu.memory_space<vmem>>
    %dma_wait3A_740 = arith.constant 0 : i32
    %dma_wait3A_741 = tpu.memref_slice %arg5[%dma_wait3A_734, %dma_wait3A_740] : memref<128x50xi32, #tpu.memory_space<vmem>> -> memref<1x50xi32, #tpu.memory_space<vmem>>
    %dma_wait3A_742 = tpu.memref_squeeze %dma_wait3A_741 : memref<1x50xi32, #tpu.memory_space<vmem>> -> memref<50xi32, #tpu.memory_space<vmem>>
    %dma_wait3A_743 = arith.constant 0 : i32
    %dma_wait3A_744 = arith.constant 0 : i32
    %dma_wait3A_745 = tpu.memref_slice %arg2[%dma_wait3A_743, %dma_wait3A_744] : memref<100000x128xf32, #tpu.memory_space<hbm>> -> memref<100000x128xf32, #tpu.memory_space<hbm>>
    tpu.wait_indirect_dma semaphore(%arg10 : memref<!tpu.dma_semaphore, #tpu.memory_space<semaphore_mem>>) src(%dma_wait3A_745 : memref<100000x128xf32, #tpu.memory_space<hbm>>) dst(%dma_wait3A_739 : memref<50x128xf32, #tpu.memory_space<vmem>>)
    %dma_wait3A_746 = arith.constant 119 : i32
    %dma_wait3A_747 = arith.constant 3 : i32
    %dma_wait3A_748 = arith.constant 0 : i32
    %dma_wait3A_749 = arith.constant 0 : i32
    %dma_wait3A_750 = tpu.memref_slice %arg7[%dma_wait3A_747, %dma_wait3A_748, %dma_wait3A_749] : memref<4x50x128xf32, #tpu.memory_space<vmem>> -> memref<1x50x128xf32, #tpu.memory_space<vmem>>
    %dma_wait3A_751 = tpu.memref_squeeze %dma_wait3A_750 : memref<1x50x128xf32, #tpu.memory_space<vmem>> -> memref<50x128xf32, #tpu.memory_space<vmem>>
    %dma_wait3A_752 = arith.constant 0 : i32
    %dma_wait3A_753 = tpu.memref_slice %arg5[%dma_wait3A_746, %dma_wait3A_752] : memref<128x50xi32, #tpu.memory_space<vmem>> -> memref<1x50xi32, #tpu.memory_space<vmem>>
    %dma_wait3A_754 = tpu.memref_squeeze %dma_wait3A_753 : memref<1x50xi32, #tpu.memory_space<vmem>> -> memref<50xi32, #tpu.memory_space<vmem>>
    %dma_wait3A_755 = arith.constant 0 : i32
    %dma_wait3A_756 = arith.constant 0 : i32
    %dma_wait3A_757 = tpu.memref_slice %arg2[%dma_wait3A_755, %dma_wait3A_756] : memref<100000x128xf32, #tpu.memory_space<hbm>> -> memref<100000x128xf32, #tpu.memory_space<hbm>>
    tpu.wait_indirect_dma semaphore(%arg10 : memref<!tpu.dma_semaphore, #tpu.memory_space<semaphore_mem>>) src(%dma_wait3A_757 : memref<100000x128xf32, #tpu.memory_space<hbm>>) dst(%dma_wait3A_751 : memref<50x128xf32, #tpu.memory_space<vmem>>)
    %add3A_758 = arith.constant 116 : i32
    %add3A_759 = arith.addi %mul3A_2, %add3A_758 : i32
    %dma_start3A_760 = arith.constant 0 : i32
    %dma_start3A_761 = arith.constant 0 : i32
    %dma_start3A_762 = tpu.memref_slice %arg4[%add3A_759, %dma_start3A_760, %dma_start3A_761] : memref<4096x50x128xf32, #tpu.memory_space<hbm>> -> memref<4x50x128xf32, #tpu.memory_space<hbm>>
    %dma_start3A_763 = arith.constant 0 : i32
    %dma_start3A_764 = arith.constant 0 : i32
    %dma_start3A_765 = tpu.memref_slice %arg4[%add3A_759, %dma_start3A_763, %dma_start3A_764] : memref<4096x50x128xf32, #tpu.memory_space<hbm>> -> memref<4x50x128xf32, #tpu.memory_space<hbm>>
    tpu.enqueue_dma source(%arg7 : memref<4x50x128xf32, #tpu.memory_space<vmem>>) target(%dma_start3A_765 : memref<4x50x128xf32, #tpu.memory_space<hbm>>) target_semaphore(%arg11 : memref<!tpu.dma_semaphore, #tpu.memory_space<semaphore_mem>>)
    %add3A_766 = arith.constant 116 : i32
    %add3A_767 = arith.addi %mul3A_2, %add3A_766 : i32
    %dma_wait3A_768 = arith.constant 0 : i32
    %dma_wait3A_769 = arith.constant 0 : i32
    %dma_wait3A_770 = tpu.memref_slice %arg4[%add3A_767, %dma_wait3A_768, %dma_wait3A_769] : memref<4096x50x128xf32, #tpu.memory_space<hbm>> -> memref<4x50x128xf32, #tpu.memory_space<hbm>>
    %dma_wait3A_771 = arith.constant 0 : i32
    %dma_wait3A_772 = arith.constant 0 : i32
    %dma_wait3A_773 = tpu.memref_slice %arg4[%add3A_767, %dma_wait3A_771, %dma_wait3A_772] : memref<4096x50x128xf32, #tpu.memory_space<hbm>> -> memref<4x50x128xf32, #tpu.memory_space<hbm>>
    tpu.wait_dma2 semaphore(%arg11 : memref<!tpu.dma_semaphore, #tpu.memory_space<semaphore_mem>>) src(%arg7 : memref<4x50x128xf32, #tpu.memory_space<vmem>>) dst(%dma_wait3A_773 : memref<4x50x128xf32, #tpu.memory_space<hbm>>)
    %dma_wait3A_774 = arith.constant 120 : i32
    %dma_wait3A_775 = arith.constant 0 : i32
    %dma_wait3A_776 = arith.constant 0 : i32
    %dma_wait3A_777 = arith.constant 0 : i32
    %dma_wait3A_778 = tpu.memref_slice %arg8[%dma_wait3A_775, %dma_wait3A_776, %dma_wait3A_777] : memref<4x50x128xf32, #tpu.memory_space<vmem>> -> memref<1x50x128xf32, #tpu.memory_space<vmem>>
    %dma_wait3A_779 = tpu.memref_squeeze %dma_wait3A_778 : memref<1x50x128xf32, #tpu.memory_space<vmem>> -> memref<50x128xf32, #tpu.memory_space<vmem>>
    %dma_wait3A_780 = arith.constant 0 : i32
    %dma_wait3A_781 = tpu.memref_slice %arg5[%dma_wait3A_774, %dma_wait3A_780] : memref<128x50xi32, #tpu.memory_space<vmem>> -> memref<1x50xi32, #tpu.memory_space<vmem>>
    %dma_wait3A_782 = tpu.memref_squeeze %dma_wait3A_781 : memref<1x50xi32, #tpu.memory_space<vmem>> -> memref<50xi32, #tpu.memory_space<vmem>>
    %dma_wait3A_783 = arith.constant 0 : i32
    %dma_wait3A_784 = arith.constant 0 : i32
    %dma_wait3A_785 = tpu.memref_slice %arg2[%dma_wait3A_783, %dma_wait3A_784] : memref<100000x128xf32, #tpu.memory_space<hbm>> -> memref<100000x128xf32, #tpu.memory_space<hbm>>
    tpu.wait_indirect_dma semaphore(%arg10 : memref<!tpu.dma_semaphore, #tpu.memory_space<semaphore_mem>>) src(%dma_wait3A_785 : memref<100000x128xf32, #tpu.memory_space<hbm>>) dst(%dma_wait3A_779 : memref<50x128xf32, #tpu.memory_space<vmem>>)
    %dma_wait3A_786 = arith.constant 121 : i32
    %dma_wait3A_787 = arith.constant 1 : i32
    %dma_wait3A_788 = arith.constant 0 : i32
    %dma_wait3A_789 = arith.constant 0 : i32
    %dma_wait3A_790 = tpu.memref_slice %arg8[%dma_wait3A_787, %dma_wait3A_788, %dma_wait3A_789] : memref<4x50x128xf32, #tpu.memory_space<vmem>> -> memref<1x50x128xf32, #tpu.memory_space<vmem>>
    %dma_wait3A_791 = tpu.memref_squeeze %dma_wait3A_790 : memref<1x50x128xf32, #tpu.memory_space<vmem>> -> memref<50x128xf32, #tpu.memory_space<vmem>>
    %dma_wait3A_792 = arith.constant 0 : i32
    %dma_wait3A_793 = tpu.memref_slice %arg5[%dma_wait3A_786, %dma_wait3A_792] : memref<128x50xi32, #tpu.memory_space<vmem>> -> memref<1x50xi32, #tpu.memory_space<vmem>>
    %dma_wait3A_794 = tpu.memref_squeeze %dma_wait3A_793 : memref<1x50xi32, #tpu.memory_space<vmem>> -> memref<50xi32, #tpu.memory_space<vmem>>
    %dma_wait3A_795 = arith.constant 0 : i32
    %dma_wait3A_796 = arith.constant 0 : i32
    %dma_wait3A_797 = tpu.memref_slice %arg2[%dma_wait3A_795, %dma_wait3A_796] : memref<100000x128xf32, #tpu.memory_space<hbm>> -> memref<100000x128xf32, #tpu.memory_space<hbm>>
    tpu.wait_indirect_dma semaphore(%arg10 : memref<!tpu.dma_semaphore, #tpu.memory_space<semaphore_mem>>) src(%dma_wait3A_797 : memref<100000x128xf32, #tpu.memory_space<hbm>>) dst(%dma_wait3A_791 : memref<50x128xf32, #tpu.memory_space<vmem>>)
    %dma_wait3A_798 = arith.constant 122 : i32
    %dma_wait3A_799 = arith.constant 2 : i32
    %dma_wait3A_800 = arith.constant 0 : i32
    %dma_wait3A_801 = arith.constant 0 : i32
    %dma_wait3A_802 = tpu.memref_slice %arg8[%dma_wait3A_799, %dma_wait3A_800, %dma_wait3A_801] : memref<4x50x128xf32, #tpu.memory_space<vmem>> -> memref<1x50x128xf32, #tpu.memory_space<vmem>>
    %dma_wait3A_803 = tpu.memref_squeeze %dma_wait3A_802 : memref<1x50x128xf32, #tpu.memory_space<vmem>> -> memref<50x128xf32, #tpu.memory_space<vmem>>
    %dma_wait3A_804 = arith.constant 0 : i32
    %dma_wait3A_805 = tpu.memref_slice %arg5[%dma_wait3A_798, %dma_wait3A_804] : memref<128x50xi32, #tpu.memory_space<vmem>> -> memref<1x50xi32, #tpu.memory_space<vmem>>
    %dma_wait3A_806 = tpu.memref_squeeze %dma_wait3A_805 : memref<1x50xi32, #tpu.memory_space<vmem>> -> memref<50xi32, #tpu.memory_space<vmem>>
    %dma_wait3A_807 = arith.constant 0 : i32
    %dma_wait3A_808 = arith.constant 0 : i32
    %dma_wait3A_809 = tpu.memref_slice %arg2[%dma_wait3A_807, %dma_wait3A_808] : memref<100000x128xf32, #tpu.memory_space<hbm>> -> memref<100000x128xf32, #tpu.memory_space<hbm>>
    tpu.wait_indirect_dma semaphore(%arg10 : memref<!tpu.dma_semaphore, #tpu.memory_space<semaphore_mem>>) src(%dma_wait3A_809 : memref<100000x128xf32, #tpu.memory_space<hbm>>) dst(%dma_wait3A_803 : memref<50x128xf32, #tpu.memory_space<vmem>>)
    %dma_wait3A_810 = arith.constant 123 : i32
    %dma_wait3A_811 = arith.constant 3 : i32
    %dma_wait3A_812 = arith.constant 0 : i32
    %dma_wait3A_813 = arith.constant 0 : i32
    %dma_wait3A_814 = tpu.memref_slice %arg8[%dma_wait3A_811, %dma_wait3A_812, %dma_wait3A_813] : memref<4x50x128xf32, #tpu.memory_space<vmem>> -> memref<1x50x128xf32, #tpu.memory_space<vmem>>
    %dma_wait3A_815 = tpu.memref_squeeze %dma_wait3A_814 : memref<1x50x128xf32, #tpu.memory_space<vmem>> -> memref<50x128xf32, #tpu.memory_space<vmem>>
    %dma_wait3A_816 = arith.constant 0 : i32
    %dma_wait3A_817 = tpu.memref_slice %arg5[%dma_wait3A_810, %dma_wait3A_816] : memref<128x50xi32, #tpu.memory_space<vmem>> -> memref<1x50xi32, #tpu.memory_space<vmem>>
    %dma_wait3A_818 = tpu.memref_squeeze %dma_wait3A_817 : memref<1x50xi32, #tpu.memory_space<vmem>> -> memref<50xi32, #tpu.memory_space<vmem>>
    %dma_wait3A_819 = arith.constant 0 : i32
    %dma_wait3A_820 = arith.constant 0 : i32
    %dma_wait3A_821 = tpu.memref_slice %arg2[%dma_wait3A_819, %dma_wait3A_820] : memref<100000x128xf32, #tpu.memory_space<hbm>> -> memref<100000x128xf32, #tpu.memory_space<hbm>>
    tpu.wait_indirect_dma semaphore(%arg10 : memref<!tpu.dma_semaphore, #tpu.memory_space<semaphore_mem>>) src(%dma_wait3A_821 : memref<100000x128xf32, #tpu.memory_space<hbm>>) dst(%dma_wait3A_815 : memref<50x128xf32, #tpu.memory_space<vmem>>)
    %add3A_822 = arith.constant 120 : i32
    %add3A_823 = arith.addi %mul3A_2, %add3A_822 : i32
    %dma_start3A_824 = arith.constant 0 : i32
    %dma_start3A_825 = arith.constant 0 : i32
    %dma_start3A_826 = tpu.memref_slice %arg4[%add3A_823, %dma_start3A_824, %dma_start3A_825] : memref<4096x50x128xf32, #tpu.memory_space<hbm>> -> memref<4x50x128xf32, #tpu.memory_space<hbm>>
    %dma_start3A_827 = arith.constant 0 : i32
    %dma_start3A_828 = arith.constant 0 : i32
    %dma_start3A_829 = tpu.memref_slice %arg4[%add3A_823, %dma_start3A_827, %dma_start3A_828] : memref<4096x50x128xf32, #tpu.memory_space<hbm>> -> memref<4x50x128xf32, #tpu.memory_space<hbm>>
    tpu.enqueue_dma source(%arg8 : memref<4x50x128xf32, #tpu.memory_space<vmem>>) target(%dma_start3A_829 : memref<4x50x128xf32, #tpu.memory_space<hbm>>) target_semaphore(%arg11 : memref<!tpu.dma_semaphore, #tpu.memory_space<semaphore_mem>>)
    %add3A_830 = arith.constant 120 : i32
    %add3A_831 = arith.addi %mul3A_2, %add3A_830 : i32
    %dma_wait3A_832 = arith.constant 0 : i32
    %dma_wait3A_833 = arith.constant 0 : i32
    %dma_wait3A_834 = tpu.memref_slice %arg4[%add3A_831, %dma_wait3A_832, %dma_wait3A_833] : memref<4096x50x128xf32, #tpu.memory_space<hbm>> -> memref<4x50x128xf32, #tpu.memory_space<hbm>>
    %dma_wait3A_835 = arith.constant 0 : i32
    %dma_wait3A_836 = arith.constant 0 : i32
    %dma_wait3A_837 = tpu.memref_slice %arg4[%add3A_831, %dma_wait3A_835, %dma_wait3A_836] : memref<4096x50x128xf32, #tpu.memory_space<hbm>> -> memref<4x50x128xf32, #tpu.memory_space<hbm>>
    tpu.wait_dma2 semaphore(%arg11 : memref<!tpu.dma_semaphore, #tpu.memory_space<semaphore_mem>>) src(%arg8 : memref<4x50x128xf32, #tpu.memory_space<vmem>>) dst(%dma_wait3A_837 : memref<4x50x128xf32, #tpu.memory_space<hbm>>)
    %dma_wait3A_838 = arith.constant 124 : i32
    %dma_wait3A_839 = arith.constant 0 : i32
    %dma_wait3A_840 = arith.constant 0 : i32
    %dma_wait3A_841 = arith.constant 0 : i32
    %dma_wait3A_842 = tpu.memref_slice %arg9[%dma_wait3A_839, %dma_wait3A_840, %dma_wait3A_841] : memref<4x50x128xf32, #tpu.memory_space<vmem>> -> memref<1x50x128xf32, #tpu.memory_space<vmem>>
    %dma_wait3A_843 = tpu.memref_squeeze %dma_wait3A_842 : memref<1x50x128xf32, #tpu.memory_space<vmem>> -> memref<50x128xf32, #tpu.memory_space<vmem>>
    %dma_wait3A_844 = arith.constant 0 : i32
    %dma_wait3A_845 = tpu.memref_slice %arg5[%dma_wait3A_838, %dma_wait3A_844] : memref<128x50xi32, #tpu.memory_space<vmem>> -> memref<1x50xi32, #tpu.memory_space<vmem>>
    %dma_wait3A_846 = tpu.memref_squeeze %dma_wait3A_845 : memref<1x50xi32, #tpu.memory_space<vmem>> -> memref<50xi32, #tpu.memory_space<vmem>>
    %dma_wait3A_847 = arith.constant 0 : i32
    %dma_wait3A_848 = arith.constant 0 : i32
    %dma_wait3A_849 = tpu.memref_slice %arg2[%dma_wait3A_847, %dma_wait3A_848] : memref<100000x128xf32, #tpu.memory_space<hbm>> -> memref<100000x128xf32, #tpu.memory_space<hbm>>
    tpu.wait_indirect_dma semaphore(%arg10 : memref<!tpu.dma_semaphore, #tpu.memory_space<semaphore_mem>>) src(%dma_wait3A_849 : memref<100000x128xf32, #tpu.memory_space<hbm>>) dst(%dma_wait3A_843 : memref<50x128xf32, #tpu.memory_space<vmem>>)
    %dma_wait3A_850 = arith.constant 125 : i32
    %dma_wait3A_851 = arith.constant 1 : i32
    %dma_wait3A_852 = arith.constant 0 : i32
    %dma_wait3A_853 = arith.constant 0 : i32
    %dma_wait3A_854 = tpu.memref_slice %arg9[%dma_wait3A_851, %dma_wait3A_852, %dma_wait3A_853] : memref<4x50x128xf32, #tpu.memory_space<vmem>> -> memref<1x50x128xf32, #tpu.memory_space<vmem>>
    %dma_wait3A_855 = tpu.memref_squeeze %dma_wait3A_854 : memref<1x50x128xf32, #tpu.memory_space<vmem>> -> memref<50x128xf32, #tpu.memory_space<vmem>>
    %dma_wait3A_856 = arith.constant 0 : i32
    %dma_wait3A_857 = tpu.memref_slice %arg5[%dma_wait3A_850, %dma_wait3A_856] : memref<128x50xi32, #tpu.memory_space<vmem>> -> memref<1x50xi32, #tpu.memory_space<vmem>>
    %dma_wait3A_858 = tpu.memref_squeeze %dma_wait3A_857 : memref<1x50xi32, #tpu.memory_space<vmem>> -> memref<50xi32, #tpu.memory_space<vmem>>
    %dma_wait3A_859 = arith.constant 0 : i32
    %dma_wait3A_860 = arith.constant 0 : i32
    %dma_wait3A_861 = tpu.memref_slice %arg2[%dma_wait3A_859, %dma_wait3A_860] : memref<100000x128xf32, #tpu.memory_space<hbm>> -> memref<100000x128xf32, #tpu.memory_space<hbm>>
    tpu.wait_indirect_dma semaphore(%arg10 : memref<!tpu.dma_semaphore, #tpu.memory_space<semaphore_mem>>) src(%dma_wait3A_861 : memref<100000x128xf32, #tpu.memory_space<hbm>>) dst(%dma_wait3A_855 : memref<50x128xf32, #tpu.memory_space<vmem>>)
    %dma_wait3A_862 = arith.constant 126 : i32
    %dma_wait3A_863 = arith.constant 2 : i32
    %dma_wait3A_864 = arith.constant 0 : i32
    %dma_wait3A_865 = arith.constant 0 : i32
    %dma_wait3A_866 = tpu.memref_slice %arg9[%dma_wait3A_863, %dma_wait3A_864, %dma_wait3A_865] : memref<4x50x128xf32, #tpu.memory_space<vmem>> -> memref<1x50x128xf32, #tpu.memory_space<vmem>>
    %dma_wait3A_867 = tpu.memref_squeeze %dma_wait3A_866 : memref<1x50x128xf32, #tpu.memory_space<vmem>> -> memref<50x128xf32, #tpu.memory_space<vmem>>
    %dma_wait3A_868 = arith.constant 0 : i32
    %dma_wait3A_869 = tpu.memref_slice %arg5[%dma_wait3A_862, %dma_wait3A_868] : memref<128x50xi32, #tpu.memory_space<vmem>> -> memref<1x50xi32, #tpu.memory_space<vmem>>
    %dma_wait3A_870 = tpu.memref_squeeze %dma_wait3A_869 : memref<1x50xi32, #tpu.memory_space<vmem>> -> memref<50xi32, #tpu.memory_space<vmem>>
    %dma_wait3A_871 = arith.constant 0 : i32
    %dma_wait3A_872 = arith.constant 0 : i32
    %dma_wait3A_873 = tpu.memref_slice %arg2[%dma_wait3A_871, %dma_wait3A_872] : memref<100000x128xf32, #tpu.memory_space<hbm>> -> memref<100000x128xf32, #tpu.memory_space<hbm>>
    tpu.wait_indirect_dma semaphore(%arg10 : memref<!tpu.dma_semaphore, #tpu.memory_space<semaphore_mem>>) src(%dma_wait3A_873 : memref<100000x128xf32, #tpu.memory_space<hbm>>) dst(%dma_wait3A_867 : memref<50x128xf32, #tpu.memory_space<vmem>>)
    %dma_wait3A_874 = arith.constant 127 : i32
    %dma_wait3A_875 = arith.constant 3 : i32
    %dma_wait3A_876 = arith.constant 0 : i32
    %dma_wait3A_877 = arith.constant 0 : i32
    %dma_wait3A_878 = tpu.memref_slice %arg9[%dma_wait3A_875, %dma_wait3A_876, %dma_wait3A_877] : memref<4x50x128xf32, #tpu.memory_space<vmem>> -> memref<1x50x128xf32, #tpu.memory_space<vmem>>
    %dma_wait3A_879 = tpu.memref_squeeze %dma_wait3A_878 : memref<1x50x128xf32, #tpu.memory_space<vmem>> -> memref<50x128xf32, #tpu.memory_space<vmem>>
    %dma_wait3A_880 = arith.constant 0 : i32
    %dma_wait3A_881 = tpu.memref_slice %arg5[%dma_wait3A_874, %dma_wait3A_880] : memref<128x50xi32, #tpu.memory_space<vmem>> -> memref<1x50xi32, #tpu.memory_space<vmem>>
    %dma_wait3A_882 = tpu.memref_squeeze %dma_wait3A_881 : memref<1x50xi32, #tpu.memory_space<vmem>> -> memref<50xi32, #tpu.memory_space<vmem>>
    %dma_wait3A_883 = arith.constant 0 : i32
    %dma_wait3A_884 = arith.constant 0 : i32
    %dma_wait3A_885 = tpu.memref_slice %arg2[%dma_wait3A_883, %dma_wait3A_884] : memref<100000x128xf32, #tpu.memory_space<hbm>> -> memref<100000x128xf32, #tpu.memory_space<hbm>>
    tpu.wait_indirect_dma semaphore(%arg10 : memref<!tpu.dma_semaphore, #tpu.memory_space<semaphore_mem>>) src(%dma_wait3A_885 : memref<100000x128xf32, #tpu.memory_space<hbm>>) dst(%dma_wait3A_879 : memref<50x128xf32, #tpu.memory_space<vmem>>)
    %add3A_886 = arith.constant 124 : i32
    %add3A_887 = arith.addi %mul3A_2, %add3A_886 : i32
    %dma_start3A_888 = arith.constant 0 : i32
    %dma_start3A_889 = arith.constant 0 : i32
    %dma_start3A_890 = tpu.memref_slice %arg4[%add3A_887, %dma_start3A_888, %dma_start3A_889] : memref<4096x50x128xf32, #tpu.memory_space<hbm>> -> memref<4x50x128xf32, #tpu.memory_space<hbm>>
    %dma_start3A_891 = arith.constant 0 : i32
    %dma_start3A_892 = arith.constant 0 : i32
    %dma_start3A_893 = tpu.memref_slice %arg4[%add3A_887, %dma_start3A_891, %dma_start3A_892] : memref<4096x50x128xf32, #tpu.memory_space<hbm>> -> memref<4x50x128xf32, #tpu.memory_space<hbm>>
    tpu.enqueue_dma source(%arg9 : memref<4x50x128xf32, #tpu.memory_space<vmem>>) target(%dma_start3A_893 : memref<4x50x128xf32, #tpu.memory_space<hbm>>) target_semaphore(%arg11 : memref<!tpu.dma_semaphore, #tpu.memory_space<semaphore_mem>>)
    %add3A_894 = arith.constant 124 : i32
    %add3A_895 = arith.addi %mul3A_2, %add3A_894 : i32
    %dma_wait3A_896 = arith.constant 0 : i32
    %dma_wait3A_897 = arith.constant 0 : i32
    %dma_wait3A_898 = tpu.memref_slice %arg4[%add3A_895, %dma_wait3A_896, %dma_wait3A_897] : memref<4096x50x128xf32, #tpu.memory_space<hbm>> -> memref<4x50x128xf32, #tpu.memory_space<hbm>>
    %dma_wait3A_899 = arith.constant 0 : i32
    %dma_wait3A_900 = arith.constant 0 : i32
    %dma_wait3A_901 = tpu.memref_slice %arg4[%add3A_895, %dma_wait3A_899, %dma_wait3A_900] : memref<4096x50x128xf32, #tpu.memory_space<hbm>> -> memref<4x50x128xf32, #tpu.memory_space<hbm>>
    tpu.wait_dma2 semaphore(%arg11 : memref<!tpu.dma_semaphore, #tpu.memory_space<semaphore_mem>>) src(%arg9 : memref<4x50x128xf32, #tpu.memory_space<vmem>>) dst(%dma_wait3A_901 : memref<4x50x128xf32, #tpu.memory_space<hbm>>)
    return
  }
}

</mosaic_0001>

<sc_bundles>
// kernel: _sc_gather.3.cloned.1.call-start
scs
__scs_entry_jumppad:
0x0: {  	(pc) =	sbr.rel $0x88, $3  }
0x1: {  	(tag) =	ssettag $0x0;
	lr =	simm.s32 $0x1  }
0x2: {  	[smem:$0x3F9F] =	sst lr;
	_ =	strace $0xD0000000  }
0x3: {  	_ = 	snop  }
0x4: {  	_ = 	snop  }
0x5: {  	_ = 	snop  }
0x6: {  	_ = 	snop  }
0x7: {  	_ = 	snop  }
__scs_overlays_trampoline_lowered:
0x8: {  	[smem:$0x3FAE] =	sst s0  }
0x9: {  	[smem:$0x3FAF] =	sst s1  }
0xa: {  	[smem:$0x3FB0] =	sst s2  }
0xb: {  	[smem:$0x3FB1] =	sst s3  }
0xc: {  	[smem:$0x3FB2] =	sst s4  }
0xd: {  	[smem:$0x3FB3] =	sst s5  }
0xe: {  	[smem:$0x3FB4] =	sst s6  }
0xf: {  	[smem:$0x3FB5] =	sst s7  }
0x10: {  	[smem:$0x3FB6] =	sst s8  }
0x11: {  	[smem:$0x3FB7] =	sst s9;
	s0 =	simm.s32 @!p0 $0x0  }
0x12: {  	s1 =	sld [smem:$0x3F9D];
	s0 =	simm.s32 @p0 $0x1  }
0x13: {  	[smem:$0x3FB8] =	sst s0;
	s0 =	simm.s32 @!p1 $0x0  }
0x14: {  	s2 =	sld [smem:$0x3F9C];
	s0 =	simm.s32 @p1 $0x1  }
0x15: {  	[smem:$0x3FB9] =	sst s0;
	s0 =	simm.s32 @!p2 $0x0  }
0x16: {  	s3 =	sld [smem:$0x3FDB];
	s0 =	simm.s32 @p2 $0x1  }
0x17: {  	s4 =	simm.s32 $0x1BF5;
	[smem:$0x3FBB] =	sst s0  }
0x18: {  	s0 =	sld [smem:$0x3F9E];
	_ =	swait.ge [sflag:s4], $0x0  }
0x19: {  	s7 =	sld [smem:$0x3F9F]  }
0x1a: {  	s8 =	sadd.s32 $0xFFFFE003, lr  }
0x1b: {  	s9 =	sadd.s32 $0xFFFFFEF7, lr;
	s5 =	simm.s32 $0xFFFFFFFF;
	p2 =	slt.u32 s8, $0xFFFFF086  }
0x1c: {  	p1 =	slt.u32 s9, $0xF7A;
	s5 =	simm.s32 @!p2 $0x0  }
0x1d: {  	s5 =	simm.s32 @p1 $0x1;
	p0 =	seq.s32 s7, s2  }
0x1e: {  	s7 =	smul.u32 @!p0 $0xF7A, s2;
	p2 =	seq.s32 @!p0 s5, $0x0  }
0x1f: {  	s9 =	smul.u32 $0xF7A, s1;
	s8 =	simm.s32 @!p0 $0x1BF5;
	p2 =	por !p2, p0  }
0x20: {  	[sflag:s8] =	ssyncset.s32 @!p0 $0xFFFFF086;
	s6 =	sadd.s32 @!p0 s3, s7;
	s7 =	simm.s32 @!p0 $0x108  }
0x21: {  	s3 =	sadd.s32 s3, s9;
	s6 =	sadd.s32 @!p0 $0x88, s6;
	s7 =	simm.s32 @p2 $0x1082  }
0x22: {  	[simem:s7], [sflag:s8] =	dma.local @!p0 [hbm:s6], $0xF7A  }
0x23: {  	s9 =	sor.u32 $0xD0000000, s2;
	s6 =	simm.s32 $0x108;
	_ =	swait.ge @!p0 [sflag:s8], $0x0  }
0x24: {  	s3 =	sadd.s32 $0x88, s3;
	s6 =	simm.s32 @!p1 $0x1082;
	[sflag:s4] =	ssyncset.s32 $0xFFFFF086  }
0x25: {  	[simem:s6], [sflag:s4] =	dma.local [hbm:s3], $0xF7A  }
0x26: {  	[smem:$0x3F9F] =	sst s1;
	(tag) =	ssettag s2;
	_ =	strace s9  }
0x27: {  	s1 =	sld [smem:$0x3FAF]  }
0x28: {  	s2 =	sld [smem:$0x3FB0]  }
0x29: {  	s4 =	sld [smem:$0x3FB2]  }
0x2a: {  	p0 =	seq.s32 s5, $0x0;
	s5 =	sld [smem:$0x3FB3]  }
0x2b: {  	s6 =	sld [smem:$0x3FB4]  }
0x2c: {  	s7 =	sld [smem:$0x3FB5]  }
0x2d: {  	s3 =	simm.s32 $0x108;
	s8 =	sld [smem:$0x3FB6]  }
0x2e: {  	s3 =	simm.s32 @!p0 $0x1082;
	s9 =	sld [smem:$0x3FB7]  }
0x2f: {  	lr =	sadd.s32 s0, s3;
	s0 =	sld [smem:$0x3FAE]  }
0x30: {  	s3 =	sld [smem:$0x3FB1]  }
0x31: {  	[smem:$0x3FBA] =	sst s10  }
0x32: {  	s10 =	sld [smem:$0x3FB8];
	_ =	sdelay $0x3  }
0x33: {  	p0 =	seq.s32 s10, $0x1;
	s10 =	sld [smem:$0x3FBA];
	_ =	sdelay $0x3  }
0x34: {  	[smem:$0x3FBA] =	sst s10  }
0x35: {  	s10 =	sld [smem:$0x3FB9];
	_ =	sdelay $0x3  }
0x36: {  	p1 =	seq.s32 s10, $0x1;
	s10 =	sld [smem:$0x3FBA];
	_ =	sdelay $0x3  }
0x37: {  	[smem:$0x3FBA] =	sst s10  }
0x38: {  	s10 =	sld [smem:$0x3FBB]  }
0x39: {  	_ = 	snop;
	(pc) =	sbr.ind lr, $3  }
0x3a: {  	_ = 	snop  }
0x3b: {  	_ = 	snop  }
0x3c: {  	p2 =	seq.s32 s10, $0x1;
	s10 =	sld [smem:$0x3FBA]  }
0x3d: {  	_ =	shalt  }
0x3e: {  	_ =	shalt  }
0x3f: {  	_ =	shalt  }
0x40: {  	_ =	shalt  }
0x41: {  	_ =	shalt  }
0x42: {  	_ =	shalt  }
0x43: {  	_ =	shalt  }
0x44: {  	_ =	shalt  }
0x45: {  	_ =	shalt  }
0x46: {  	_ =	shalt  }
0x47: {  	_ =	shalt  }
0x48: {  	_ =	shalt  }
0x49: {  	_ =	shalt  }
0x4a: {  	_ =	shalt  }
0x4b: {  	_ =	shalt  }
0x4c: {  	_ =	shalt  }
0x4d: {  	_ =	shalt  }
0x4e: {  	_ =	shalt  }
0x4f: {  	_ =	shalt  }
0x50: {  	_ =	shalt  }
0x51: {  	_ =	shalt  }
0x52: {  	_ =	shalt  }
0x53: {  	_ =	shalt  }
0x54: {  	_ =	shalt  }
0x55: {  	_ =	shalt  }
0x56: {  	_ =	shalt  }
0x57: {  	_ =	shalt  }
0x58: {  	_ =	shalt  }
0x59: {  	_ =	shalt  }
0x5a: {  	_ =	shalt  }
0x5b: {  	_ =	shalt  }
0x5c: {  	_ =	shalt  }
0x5d: {  	_ =	shalt  }
0x5e: {  	_ =	shalt  }
0x5f: {  	_ =	shalt  }
0x60: {  	_ =	shalt  }
0x61: {  	_ =	shalt  }
0x62: {  	_ =	shalt  }
0x63: {  	_ =	shalt  }
0x64: {  	_ =	shalt  }
0x65: {  	_ =	shalt  }
0x66: {  	_ =	shalt  }
0x67: {  	_ =	shalt  }
0x68: {  	_ =	shalt  }
0x69: {  	_ =	shalt  }
0x6a: {  	_ =	shalt  }
0x6b: {  	_ =	shalt  }
0x6c: {  	_ =	shalt  }
0x6d: {  	_ =	shalt  }
0x6e: {  	_ =	shalt  }
0x6f: {  	_ =	shalt  }
0x70: {  	_ =	shalt  }
0x71: {  	_ =	shalt  }
0x72: {  	_ =	shalt  }
0x73: {  	_ =	shalt  }
0x74: {  	_ =	shalt  }
0x75: {  	_ =	shalt  }
0x76: {  	_ =	shalt  }
0x77: {  	_ =	shalt  }
0x78: {  	_ =	shalt  }
0x79: {  	_ =	shalt  }
0x7a: {  	_ =	shalt  }
0x7b: {  	_ =	shalt  }
0x7c: {  	_ =	shalt  }
0x7d: {  	_ =	shalt  }
0x7e: {  	_ =	shalt  }
0x7f: {  	_ =	shalt  }
0x80: {  	_ =	shalt  }
0x81: {  	_ =	shalt  }
0x82: {  	_ =	shalt  }
0x83: {  	_ =	shalt  }
0x84: {  	_ =	shalt  }
0x85: {  	_ =	shalt  }
0x86: {  	_ =	shalt  }
0x87: {  	_ =	shalt  }
.Lfunc_end0:
.L_simem_size_0:
called_computation_lowered:
.L_overlay_start_0:
0x88: {  	s2 =	sld [smem:$0x3FD9]  }
0x89: {  	s3 =	sld [smem:$0x3FFE];
	_ =	sdelay $0x1  }
0x8a: {  	s1 =	srdreg.scid  }
0x8b: {  	s0 =	sand.u32 $0x1, s1  }
0x8c: {  	s17 =	sshll.u32 s0, $0xA;
	s2 =	sadd.s32 s3, s2  }
0x8d: {  	s2 =	sadd.s32 s2, s17  }
0x8e: {  	[smem:$0x3FC6] =	sst s2  }
0x8f: {  	_ = 	snop  }
0x90: {  	s2 =	sld [smem:$0x3FC8]  }
0x91: {  	s18 =	sld [smem:$0x3FD0];
	(tm) =	ssettm $0x1  }
0x92: {  	s4 =	sld [smem:$0x3FFB];
	_ =	sdelay $0x3  }
0x93: {  	_ =	strace s4  }
0x94: {  	s4 =	sld [smem:$0x3FFC];
	_ =	sdelay $0x3  }
0x95: {  	_ =	strace s4  }
0x96: {  	s4 =	sld [smem:$0x3FFD];
	_ =	sdelay $0x3  }
0x97: {  	_ =	strace s4  }
0x98: {  	_ =	strace $0x8FFFFFFF  }
0x99: {  	s19 =	sld [smem:$0x3FDB];
	_ =	sdelay $0x1  }
0x9a: {  	s5 =	simm.s32 $_scs_section_size  }
0x9b: {  	s6 =	simm.s32 $_size__tile_overlayer_lowered;
	s7 =	simm.s32 $_tile_overlayer_lowered  }
0x9c: {  	s22 =	simm.s32 $0x1BFF;
	s21 =	sshll.u32 s7, $0x1;
	s4 =	sadd.s32 s5, s19  }
0x9d: {  	s8 =	simm.s32 $0x0;
	s20 =	sshll.u32 s6, $0x1;
	s6 =	sadd.s32 s21, s4  }
0x9e: {  	[timem:s8], [sflag:s22] =	dma.local [hbm:s6], s20  }
0x9f: {  	_ =	swait.ge [sflag:s22], s20  }
0xa0: {  	s5 =	ssub.s32 $0x0, s20;
	[sflag:s22] =	ssyncset.done $0x0  }
0xa1: {  	[sflag:s22] =	ssyncadd.s32 s5;
	_ =	sdelay $0x1  }
0xa2: {  	s23 =	simm.s32 $0x1B8B  }
0xa3: {  	_ =	swait.ge [sflag:s23], $0x1  }
0xa4: {  	[sflag:s23] =	ssyncset.done $0x0  }
0xa5: {  	s25 =	simm.s32 $0x1B8E;
	s24 =	sld [smem:$0x3FFE];
	[sflag:s23] =	ssyncadd.s32 $0xFFFFFFFF  }
0xa6: {  	s26 =	simm.s32 $execute0_lowered;
	[smem:$0x3FD2] =	sst s25  }
0xa7: {  	s6 =	sshll.u32 s26, $0x1;
	_ =	strace $0x80000046;
	[dreg:$0x1] =	wrdreg $0xFFFFFFFF  }
0xa8: {  	s28 =	simm.s32 $_size_execute0_lowered;
	s4 =	sadd.s32 s4, s6;
	[dreg:$0x0] =	wrdreg $0x0  }
0xa9: {  	s6 =	sshll.u32 s28, $0x1;
	[dreg:$0x2] =	wrdreg s4  }
0xaa: {  	[dreg:$0x3] =	wrdreg s6  }
0xab: {  	[dreg:$0x4] =	wrdreg $0xC0  }
0xac: {  	_ =	task [dreg:s8], $0x5FFFF  }
0xad: {  	[dreg:$0x1] =	wrdreg $0xFFFFFFFF  }
0xae: {  	[dreg:$0x0] =	wrdreg $0x60  }
0xaf: {  	[dreg:$0x2] =	wrdreg s2  }
0xb0: {  	[dreg:$0x3] =	wrdreg s18  }
0xb1: {  	[dreg:$0x4] =	wrdreg s24  }
0xb2: {  	[dreg:$0x5] =	wrdreg $0x9  }
0xb3: {  	_ =	task.clear_ibuf [dreg:s8], $0x6FFFF;
	_ =	strace $0x90000046  }
0xb4: {  	s29 =	simm.s32 $0x9;
	_ =	strace $0x80000048  }
0xb5: {  	_ =	swait.ge [sflag:s29], $0x1  }
0xb6: {  	[sflag:s29] =	ssyncadd.s32 $0xFFFFFFFF  }
0xb7: {  	_ =	strace $0x90000048  }
0xb8: {  	_ =	sfence  }
0xb9: {  	s30 =	sld [smem:$0x0];
	_ =	sdelay $0x2  }
0xba: {  	s31 =	sshll.u32 s1, $0xD;
	s1 =	sshrl.u32 s1, $0x2  }
0xbb: {  	s3 =	sand.u32 $0x4000, s31;
	s1 =	sadd.s32 s1, s30  }
0xbc: {  	s0 =	sor.u32 s3, s0;
	s1 =	sshll.u32 s1, $0x11  }
0xbd: {  	s0 =	sor.u32 s1, s0  }
0xbe: {  	s0 =	sadd.s32 $0x8F2B, s0  }
0xbf: {  	[sflag:s0] =	ssyncadd.remote.s32 $0x1  }
0xc0: {  	_ =	sfence.sel $0xFFFF  }
0xc1: {  	[dreg:$0x0] =	wrdreg $0xFFFFFFFF;
	(pc) =	sbr.abs _section_cstart, $3  }
0xc2: {  	[dreg:$0x1] =	wrdreg $0xFFFFFFFF  }
0xc3: {  	_ =	task.clear_ibuf [dreg:s8], $0x2FFFF;
	_ =	strace $0x9FFFFFFF  }
0xc4: {  	(tm) =	ssettm $0x7FFFFFFF  }
0xc5: {  	_ =	shalt  }
tec
execute0_lowered:
.L_overlay_start_1:
0x0: {  	(tag) =	ssettag $0x1  }
0x1: {  	s1 =	rddreg [dreg:$0x0]  }
0x2: {  	s0 =	srdreg.scid;
	s2 =	rddreg [dreg:$0x1]  }
0x3: {  	s11 =	stileid.u32;
	s4 =	rddreg [dreg:$0x2]  }
0x4: {  	s3 =	simm.s32 $0x0;
	s16 =	simm.s32 $0x32;
	s17 =	simm.s32 $0x4000  }
0x5: {  	s19 =	simm.s32 $0x5C00;
	s28 =	simm.s32 $0xCC00;
	s30 =	simm.s32 $0xE800  }
0x6: {  	s18 =	simm.s32 $0x12000;
	s31 =	simm.s32 $0x17400;
	s29 =	simm.s32 $0x1AC00  }
0x7: {  	s13 =	simm.s32 $0x2;
	s15 =	simm.s32 $0x0;
	s0 =	sand.u32 $0x1, s0  }
0x8: {  	s5 =	sshll.u32 s11, $0x8;
	[smem:$0x7FF] =	sst s3;
	s8 =	sadd.s32 $0x400, s4  }
0x9: {  	s24 =	smul.u32 $0x38000, s11;
	s6 =	sshll.u32 s0, $0x7;
	s20 =	ssub.s32 $0x2, s0  }
0xa: {  	_ =	strace $0x80000047;
	s0 =	smul.u32 $0x1C000, s0;
	s5 =	sor.u32 s6, s5  }
0xb: {  	s9 =	sshrl.u32 s20, $0x1;
	s7 =	smul.u32 $0x380, s5;
	s10 =	sshll.u32 s5, $0x4  }
0xc: {  	s5 =	smul.u32 $0x1C00, s5;
	s6 =	ssub.s32 s20, s9;
	s20 =	simm.s32 $0x19000  }
0xd: {  	s2 =	sadd.s32 s2, s10;
	s26 =	smax.u32 s6, $0x1;
	s4 =	sadd.s32 s8, s7  }
0xe: {  	[dreg:$0x4] =	wrdreg s2;
	s23 =	sshrl.u32 s5, $0x3;
	s5 =	sadd.s32 s24, s8  }
0xf: {  	[dreg:$0x9] =	wrdreg s26;
	s26 =	simm.s32 $0x15800;
	s24 =	simm.s32 $0x1C800  }
0x10: {  	s21 =	sadd.s32 $0xE00, s4;
	s22 =	sadd.s32 $0x1C00, s4;
	s7 =	sadd.s32 $0x2A00, s4  }
0x11: {  	s2 =	sadd.s32 s8, s23;
	s0 =	sadd.s32 s0, s5;
	[dreg:$0x5] =	wrdreg s21  }
0x12: {  	s23 =	simm.s32 $0x9400;
	s5 =	simm.s32 $0x1;
	[dreg:$0x6] =	wrdreg s22  }
0x13: {  	[dreg:$0x7] =	wrdreg s7;
	s25 =	sadd.s32 $0x18800, s2;
	s10 =	sadd.s32 $0x19600, s2  }
0x14: {  	s11 =	sadd.s32 $0x1A400, s2;
	s12 =	sadd.s32 $0x1B200, s2;
	s14 =	sadd.s32 $0x3800, s0  }
0x15: {  	s21 =	simm.s32 $0x7800;
	s2 =	simm.s32 $0x10400;
	s22 =	simm.s32 $0x13C00  }
0x16: {  	s0 =	simm.s32 $0x1E400;
	[dreg:$0x8] =	wrdreg s25;
	s25 =	simm.s32 $0xB000  }
.LBB2_1:
0x17: {  	s6 =	rddreg [dreg:$0x4];
	s7 =	simm.s32 $0x3  }
0x18: {  	[tilespmem:s3], [sflag:$0x3] =	stream.linear.gather [hbm4b:s6+s3], $0x4000, $0x38;
	v63 =	vld [tilespmem:$0x0]  }
0x19: {  	_ =	swait.ge [sflag:s7], $0x4000  }
0x1a: {  	[sflag:s7] =	ssyncset.done $0x0  }
0x1b: {  	[sflag:s7] =	ssyncadd.s32 $0xFFFFC000  }
0x1c: {  	[tilespmem:s17], [sflag:$0x1] =	stream.indirect.gather [hbm4b:s1+s16], $0x80, s3, s16, $0xb8;
	v63 =	vld [tilespmem:$0x0]  }
0x1d: {  	s8 =	simm.s32 $0x80  }
0x1e: {  	[tilespmem:s19], [sflag:$0x1] =	stream.indirect.gather [hbm4b:s1+s16], $0x80, s8, s16, $0xb8;
	v63 =	vld [tilespmem:$0x0]  }
0x1f: {  	s9 =	simm.s32 $0x100  }
0x20: {  	[tilespmem:s21], [sflag:$0x1] =	stream.indirect.gather [hbm4b:s1+s16], $0x80, s9, s16, $0xb8;
	v63 =	vld [tilespmem:$0x0]  }
0x21: {  	s7 =	simm.s32 $0x180  }
0x22: {  	[tilespmem:s23], [sflag:$0x1] =	stream.indirect.gather [hbm4b:s1+s16], $0x80, s7, s16, $0xb8;
	v63 =	vld [tilespmem:$0x0]  }
0x23: {  	s8 =	simm.s32 $0x200  }
0x24: {  	[tilespmem:s25], [sflag:$0x1] =	stream.indirect.gather [hbm4b:s1+s16], $0x80, s8, s16, $0xb8;
	v63 =	vld [tilespmem:$0x0]  }
0x25: {  	s9 =	simm.s32 $0x280  }
0x26: {  	[tilespmem:s28], [sflag:$0x1] =	stream.indirect.gather [hbm4b:s1+s16], $0x80, s9, s16, $0xb8;
	v63 =	vld [tilespmem:$0x0]  }
0x27: {  	s7 =	simm.s32 $0x300  }
0x28: {  	[tilespmem:s30], [sflag:$0x1] =	stream.indirect.gather [hbm4b:s1+s16], $0x80, s7, s16, $0xb8;
	v63 =	vld [tilespmem:$0x0]  }
0x29: {  	s8 =	simm.s32 $0x380  }
0x2a: {  	[tilespmem:s2], [sflag:$0x1] =	stream.indirect.gather [hbm4b:s1+s16], $0x80, s8, s16, $0xb8;
	v63 =	vld [tilespmem:$0x0]  }
0x2b: {  	s9 =	simm.s32 $0x400  }
0x2c: {  	[tilespmem:s18], [sflag:$0x1] =	stream.indirect.gather [hbm4b:s1+s16], $0x80, s9, s16, $0xb8;
	v63 =	vld [tilespmem:$0x0]  }
0x2d: {  	s7 =	simm.s32 $0x480  }
0x2e: {  	[tilespmem:s22], [sflag:$0x1] =	stream.indirect.gather [hbm4b:s1+s16], $0x80, s7, s16, $0xb8;
	v63 =	vld [tilespmem:$0x0]  }
0x2f: {  	s8 =	simm.s32 $0x500  }
0x30: {  	[tilespmem:s26], [sflag:$0x1] =	stream.indirect.gather [hbm4b:s1+s16], $0x80, s8, s16, $0xb8;
	v63 =	vld [tilespmem:$0x0]  }
0x31: {  	s9 =	simm.s32 $0x580  }
0x32: {  	[tilespmem:s31], [sflag:$0x1] =	stream.indirect.gather [hbm4b:s1+s16], $0x80, s9, s16, $0xb8;
	v63 =	vld [tilespmem:$0x0]  }
0x33: {  	s7 =	simm.s32 $0x600  }
0x34: {  	[tilespmem:s20], [sflag:$0x1] =	stream.indirect.gather [hbm4b:s1+s16], $0x80, s7, s16, $0xb8;
	v63 =	vld [tilespmem:$0x0]  }
0x35: {  	s8 =	simm.s32 $0x680  }
0x36: {  	[tilespmem:s29], [sflag:$0x1] =	stream.indirect.gather [hbm4b:s1+s16], $0x80, s8, s16, $0xb8;
	v63 =	vld [tilespmem:$0x0]  }
0x37: {  	s9 =	simm.s32 $0x700  }
0x38: {  	[tilespmem:s24], [sflag:$0x1] =	stream.indirect.gather [hbm4b:s1+s16], $0x80, s9, s16, $0xb8;
	v63 =	vld [tilespmem:$0x0]  }
0x39: {  	s7 =	simm.s32 $0x780  }
0x3a: {  	[tilespmem:s0], [sflag:$0x1] =	stream.indirect.gather [hbm4b:s1+s16], $0x80, s7, s16, $0xb8;
	v63 =	vld [tilespmem:$0x0]  }
0x3b: {  	_ =	swait.ge [sflag:s5], $0x1900  }
0x3c: {  	[sflag:s5] =	ssyncset.done $0x0  }
0x3d: {  	[sflag:s5] =	ssyncadd.s32 $0xFFFFE700  }
0x3e: {  	_ =	swait.ge [sflag:s5], $0x1900  }
0x3f: {  	[sflag:s5] =	ssyncset.done $0x0  }
0x40: {  	[sflag:s5] =	ssyncadd.s32 $0xFFFFE700  }
0x41: {  	_ =	swait.ge [sflag:s5], $0x1900  }
0x42: {  	[sflag:s5] =	ssyncset.done $0x0  }
0x43: {  	[sflag:s5] =	ssyncadd.s32 $0xFFFFE700  }
0x44: {  	_ =	swait.ge [sflag:s5], $0x1900  }
0x45: {  	[sflag:s5] =	ssyncset.done $0x0  }
0x46: {  	[sflag:s5] =	ssyncadd.s32 $0xFFFFE700  }
0x47: {  	[hbm4b:s4+s3] =	stream.linear.scatter [tilespmem:s17], [sflag:$0x2], $0x1900, $0x38;
	v63 =	vld [tilespmem:$0x0]  }
0x48: {  	s8 =	sadd.s32 $0x380, s4  }
0x49: {  	[hbm4b:s8+s3] =	stream.linear.scatter [tilespmem:s19], [sflag:$0x2], $0x1900, $0x38;
	v63 =	vld [tilespmem:$0x0]  }
0x4a: {  	s9 =	sadd.s32 $0x700, s4  }
0x4b: {  	[hbm4b:s9+s3] =	stream.linear.scatter [tilespmem:s21], [sflag:$0x2], $0x1900, $0x38;
	v63 =	vld [tilespmem:$0x0]  }
0x4c: {  	s7 =	sadd.s32 $0xA80, s4  }
0x4d: {  	[hbm4b:s7+s3] =	stream.linear.scatter [tilespmem:s23], [sflag:$0x2], $0x1900, $0x38;
	v63 =	vld [tilespmem:$0x0]  }
0x4e: {  	_ =	swait.ge [sflag:s13], $0x6400  }
0x4f: {  	[sflag:s13] =	ssyncset.done $0x0  }
0x50: {  	s8 =	simm.s32 $0x800;
	[sflag:s13] =	ssyncadd.s32 $0xFFFF9C00  }
0x51: {  	[tilespmem:s17], [sflag:$0x1] =	stream.indirect.gather [hbm4b:s1+s16], $0x80, s8, s16, $0xb8;
	v63 =	vld [tilespmem:$0x0]  }
0x52: {  	s9 =	simm.s32 $0x880  }
0x53: {  	[tilespmem:s19], [sflag:$0x1] =	stream.indirect.gather [hbm4b:s1+s16], $0x80, s9, s16, $0xb8;
	v63 =	vld [tilespmem:$0x0]  }
0x54: {  	s7 =	simm.s32 $0x900  }
0x55: {  	[tilespmem:s21], [sflag:$0x1] =	stream.indirect.gather [hbm4b:s1+s16], $0x80, s7, s16, $0xb8;
	v63 =	vld [tilespmem:$0x0]  }
0x56: {  	s8 =	simm.s32 $0x980  }
0x57: {  	[tilespmem:s23], [sflag:$0x1] =	stream.indirect.gather [hbm4b:s1+s16], $0x80, s8, s16, $0xb8;
	v63 =	vld [tilespmem:$0x0]  }
0x58: {  	_ =	swait.ge [sflag:s5], $0x1900  }
0x59: {  	[sflag:s5] =	ssyncset.done $0x0  }
0x5a: {  	[sflag:s5] =	ssyncadd.s32 $0xFFFFE700  }
0x5b: {  	_ =	swait.ge [sflag:s5], $0x1900  }
0x5c: {  	[sflag:s5] =	ssyncset.done $0x0  }
0x5d: {  	[sflag:s5] =	ssyncadd.s32 $0xFFFFE700  }
0x5e: {  	_ =	swait.ge [sflag:s5], $0x1900  }
0x5f: {  	[sflag:s5] =	ssyncset.done $0x0  }
0x60: {  	[sflag:s5] =	ssyncadd.s32 $0xFFFFE700  }
0x61: {  	_ =	swait.ge [sflag:s5], $0x1900  }
0x62: {  	[sflag:s5] =	ssyncset.done $0x0  }
0x63: {  	s7 =	rddreg [dreg:$0x5];
	[sflag:s5] =	ssyncadd.s32 $0xFFFFE700  }
0x64: {  	[hbm4b:s7+s3] =	stream.linear.scatter [tilespmem:s25], [sflag:$0x2], $0x1900, $0x38;
	v63 =	vld [tilespmem:$0x0]  }
0x65: {  	s9 =	sadd.s32 $0x380, s7  }
0x66: {  	[hbm4b:s9+s3] =	stream.linear.scatter [tilespmem:s28], [sflag:$0x2], $0x1900, $0x38;
	v63 =	vld [tilespmem:$0x0]  }
0x67: {  	s8 =	sadd.s32 $0x700, s7  }
0x68: {  	[hbm4b:s8+s3] =	stream.linear.scatter [tilespmem:s30], [sflag:$0x2], $0x1900, $0x38;
	v63 =	vld [tilespmem:$0x0]  }
0x69: {  	s9 =	sadd.s32 $0xA80, s7  }
0x6a: {  	[hbm4b:s9+s3] =	stream.linear.scatter [tilespmem:s2], [sflag:$0x2], $0x1900, $0x38;
	v63 =	vld [tilespmem:$0x0]  }
0x6b: {  	_ =	swait.ge [sflag:s13], $0x6400  }
0x6c: {  	[sflag:s13] =	ssyncset.done $0x0  }
0x6d: {  	s7 =	simm.s32 $0xA00;
	[sflag:s13] =	ssyncadd.s32 $0xFFFF9C00  }
0x6e: {  	[tilespmem:s25], [sflag:$0x1] =	stream.indirect.gather [hbm4b:s1+s16], $0x80, s7, s16, $0xb8;
	v63 =	vld [tilespmem:$0x0]  }
0x6f: {  	s8 =	simm.s32 $0xA80  }
0x70: {  	[tilespmem:s28], [sflag:$0x1] =	stream.indirect.gather [hbm4b:s1+s16], $0x80, s8, s16, $0xb8;
	v63 =	vld [tilespmem:$0x0]  }
0x71: {  	s9 =	simm.s32 $0xB00  }
0x72: {  	[tilespmem:s30], [sflag:$0x1] =	stream.indirect.gather [hbm4b:s1+s16], $0x80, s9, s16, $0xb8;
	v63 =	vld [tilespmem:$0x0]  }
0x73: {  	s7 =	simm.s32 $0xB80  }
0x74: {  	[tilespmem:s2], [sflag:$0x1] =	stream.indirect.gather [hbm4b:s1+s16], $0x80, s7, s16, $0xb8;
	v63 =	vld [tilespmem:$0x0]  }
0x75: {  	_ =	swait.ge [sflag:s5], $0x1900  }
0x76: {  	[sflag:s5] =	ssyncset.done $0x0  }
0x77: {  	[sflag:s5] =	ssyncadd.s32 $0xFFFFE700  }
0x78: {  	_ =	swait.ge [sflag:s5], $0x1900  }
0x79: {  	[sflag:s5] =	ssyncset.done $0x0  }
0x7a: {  	[sflag:s5] =	ssyncadd.s32 $0xFFFFE700  }
0x7b: {  	_ =	swait.ge [sflag:s5], $0x1900  }
0x7c: {  	[sflag:s5] =	ssyncset.done $0x0  }
0x7d: {  	[sflag:s5] =	ssyncadd.s32 $0xFFFFE700  }
0x7e: {  	_ =	swait.ge [sflag:s5], $0x1900  }
0x7f: {  	[sflag:s5] =	ssyncset.done $0x0  }
0x80: {  	s7 =	rddreg [dreg:$0x6];
	[sflag:s5] =	ssyncadd.s32 $0xFFFFE700  }
0x81: {  	[hbm4b:s7+s3] =	stream.linear.scatter [tilespmem:s18], [sflag:$0x2], $0x1900, $0x38;
	v63 =	vld [tilespmem:$0x0]  }
0x82: {  	s8 =	sadd.s32 $0x380, s7  }
0x83: {  	[hbm4b:s8+s3] =	stream.linear.scatter [tilespmem:s22], [sflag:$0x2], $0x1900, $0x38;
	v63 =	vld [tilespmem:$0x0]  }
0x84: {  	s9 =	sadd.s32 $0x700, s7  }
0x85: {  	[hbm4b:s9+s3] =	stream.linear.scatter [tilespmem:s26], [sflag:$0x2], $0x1900, $0x38;
	v63 =	vld [tilespmem:$0x0]  }
0x86: {  	s7 =	sadd.s32 $0xA80, s7  }
0x87: {  	[hbm4b:s7+s3] =	stream.linear.scatter [tilespmem:s31], [sflag:$0x2], $0x1900, $0x38;
	v63 =	vld [tilespmem:$0x0]  }
0x88: {  	_ =	swait.ge [sflag:s13], $0x6400  }
0x89: {  	[sflag:s13] =	ssyncset.done $0x0  }
0x8a: {  	s8 =	simm.s32 $0xC00;
	[sflag:s13] =	ssyncadd.s32 $0xFFFF9C00  }
0x8b: {  	[tilespmem:s18], [sflag:$0x1] =	stream.indirect.gather [hbm4b:s1+s16], $0x80, s8, s16, $0xb8;
	v63 =	vld [tilespmem:$0x0]  }
0x8c: {  	s9 =	simm.s32 $0xC80  }
0x8d: {  	[tilespmem:s22], [sflag:$0x1] =	stream.indirect.gather [hbm4b:s1+s16], $0x80, s9, s16, $0xb8;
	v63 =	vld [tilespmem:$0x0]  }
0x8e: {  	s7 =	simm.s32 $0xD00  }
0x8f: {  	[tilespmem:s26], [sflag:$0x1] =	stream.indirect.gather [hbm4b:s1+s16], $0x80, s7, s16, $0xb8;
	v63 =	vld [tilespmem:$0x0]  }
0x90: {  	s8 =	simm.s32 $0xD80  }
0x91: {  	[tilespmem:s31], [sflag:$0x1] =	stream.indirect.gather [hbm4b:s1+s16], $0x80, s8, s16, $0xb8;
	v63 =	vld [tilespmem:$0x0]  }
0x92: {  	_ =	swait.ge [sflag:s5], $0x1900  }
0x93: {  	[sflag:s5] =	ssyncset.done $0x0  }
0x94: {  	[sflag:s5] =	ssyncadd.s32 $0xFFFFE700  }
0x95: {  	_ =	swait.ge [sflag:s5], $0x1900  }
0x96: {  	[sflag:s5] =	ssyncset.done $0x0  }
0x97: {  	[sflag:s5] =	ssyncadd.s32 $0xFFFFE700  }
0x98: {  	_ =	swait.ge [sflag:s5], $0x1900  }
0x99: {  	[sflag:s5] =	ssyncset.done $0x0  }
0x9a: {  	[sflag:s5] =	ssyncadd.s32 $0xFFFFE700  }
0x9b: {  	_ =	swait.ge [sflag:s5], $0x1900  }
0x9c: {  	[sflag:s5] =	ssyncset.done $0x0  }
0x9d: {  	s7 =	rddreg [dreg:$0x7];
	[sflag:s5] =	ssyncadd.s32 $0xFFFFE700  }
0x9e: {  	[hbm4b:s7+s3] =	stream.linear.scatter [tilespmem:s20], [sflag:$0x2], $0x1900, $0x38;
	v63 =	vld [tilespmem:$0x0]  }
0x9f: {  	s9 =	sadd.s32 $0x380, s7  }
0xa0: {  	[hbm4b:s9+s3] =	stream.linear.scatter [tilespmem:s29], [sflag:$0x2], $0x1900, $0x38;
	v63 =	vld [tilespmem:$0x0]  }
0xa1: {  	s8 =	sadd.s32 $0x700, s7  }
0xa2: {  	[hbm4b:s8+s3] =	stream.linear.scatter [tilespmem:s24], [sflag:$0x2], $0x1900, $0x38;
	v63 =	vld [tilespmem:$0x0]  }
0xa3: {  	s9 =	sadd.s32 $0xA80, s7  }
0xa4: {  	[hbm4b:s9+s3] =	stream.linear.scatter [tilespmem:s0], [sflag:$0x2], $0x1900, $0x38;
	v63 =	vld [tilespmem:$0x0]  }
0xa5: {  	_ =	swait.ge [sflag:s13], $0x6400  }
0xa6: {  	[sflag:s13] =	ssyncset.done $0x0  }
0xa7: {  	s7 =	simm.s32 $0xE00;
	[sflag:s13] =	ssyncadd.s32 $0xFFFF9C00  }
0xa8: {  	[tilespmem:s20], [sflag:$0x1] =	stream.indirect.gather [hbm4b:s1+s16], $0x80, s7, s16, $0xb8;
	v63 =	vld [tilespmem:$0x0]  }
0xa9: {  	s8 =	simm.s32 $0xE80  }
0xaa: {  	[tilespmem:s29], [sflag:$0x1] =	stream.indirect.gather [hbm4b:s1+s16], $0x80, s8, s16, $0xb8;
	v63 =	vld [tilespmem:$0x0]  }
0xab: {  	s9 =	simm.s32 $0xF00  }
0xac: {  	[tilespmem:s24], [sflag:$0x1] =	stream.indirect.gather [hbm4b:s1+s16], $0x80, s9, s16, $0xb8;
	v63 =	vld [tilespmem:$0x0]  }
0xad: {  	s7 =	simm.s32 $0xF80  }
0xae: {  	[tilespmem:s0], [sflag:$0x1] =	stream.indirect.gather [hbm4b:s1+s16], $0x80, s7, s16, $0xb8;
	v63 =	vld [tilespmem:$0x0]  }
0xaf: {  	_ =	swait.ge [sflag:s5], $0x1900  }
0xb0: {  	[sflag:s5] =	ssyncset.done $0x0  }
0xb1: {  	[sflag:s5] =	ssyncadd.s32 $0xFFFFE700  }
0xb2: {  	_ =	swait.ge [sflag:s5], $0x1900  }
0xb3: {  	[sflag:s5] =	ssyncset.done $0x0  }
0xb4: {  	[sflag:s5] =	ssyncadd.s32 $0xFFFFE700  }
0xb5: {  	_ =	swait.ge [sflag:s5], $0x1900  }
0xb6: {  	[sflag:s5] =	ssyncset.done $0x0  }
0xb7: {  	[sflag:s5] =	ssyncadd.s32 $0xFFFFE700  }
0xb8: {  	_ =	swait.ge [sflag:s5], $0x1900  }
0xb9: {  	[sflag:s5] =	ssyncset.done $0x0  }
0xba: {  	[sflag:s5] =	ssyncadd.s32 $0xFFFFE700  }
0xbb: {  	[hbm4b:s14+s3] =	stream.linear.scatter [tilespmem:s17], [sflag:$0x2], $0x1900, $0x38;
	v63 =	vld [tilespmem:$0x0]  }
0xbc: {  	s8 =	sadd.s32 $0x380, s14  }
0xbd: {  	[hbm4b:s8+s3] =	stream.linear.scatter [tilespmem:s19], [sflag:$0x2], $0x1900, $0x38;
	v63 =	vld [tilespmem:$0x0]  }
0xbe: {  	s9 =	sadd.s32 $0x700, s14  }
0xbf: {  	[hbm4b:s9+s3] =	stream.linear.scatter [tilespmem:s21], [sflag:$0x2], $0x1900, $0x38;
	v63 =	vld [tilespmem:$0x0]  }
0xc0: {  	s7 =	sadd.s32 $0xA80, s14  }
0xc1: {  	[hbm4b:s7+s3] =	stream.linear.scatter [tilespmem:s23], [sflag:$0x2], $0x1900, $0x38;
	v63 =	vld [tilespmem:$0x0]  }
0xc2: {  	_ =	swait.ge [sflag:s13], $0x6400  }
0xc3: {  	[sflag:s13] =	ssyncset.done $0x0  }
0xc4: {  	s8 =	simm.s32 $0x1000;
	[sflag:s13] =	ssyncadd.s32 $0xFFFF9C00  }
0xc5: {  	[tilespmem:s17], [sflag:$0x1] =	stream.indirect.gather [hbm4b:s1+s16], $0x80, s8, s16, $0xb8;
	v63 =	vld [tilespmem:$0x0]  }
0xc6: {  	s9 =	simm.s32 $0x1080  }
0xc7: {  	[tilespmem:s19], [sflag:$0x1] =	stream.indirect.gather [hbm4b:s1+s16], $0x80, s9, s16, $0xb8;
	v63 =	vld [tilespmem:$0x0]  }
0xc8: {  	s7 =	simm.s32 $0x1100  }
0xc9: {  	[tilespmem:s21], [sflag:$0x1] =	stream.indirect.gather [hbm4b:s1+s16], $0x80, s7, s16, $0xb8;
	v63 =	vld [tilespmem:$0x0]  }
0xca: {  	s8 =	simm.s32 $0x1180  }
0xcb: {  	[tilespmem:s23], [sflag:$0x1] =	stream.indirect.gather [hbm4b:s1+s16], $0x80, s8, s16, $0xb8;
	v63 =	vld [tilespmem:$0x0]  }
0xcc: {  	_ =	swait.ge [sflag:s5], $0x1900  }
0xcd: {  	[sflag:s5] =	ssyncset.done $0x0  }
0xce: {  	[sflag:s5] =	ssyncadd.s32 $0xFFFFE700  }
0xcf: {  	_ =	swait.ge [sflag:s5], $0x1900  }
0xd0: {  	[sflag:s5] =	ssyncset.done $0x0  }
0xd1: {  	[sflag:s5] =	ssyncadd.s32 $0xFFFFE700  }
0xd2: {  	_ =	swait.ge [sflag:s5], $0x1900  }
0xd3: {  	[sflag:s5] =	ssyncset.done $0x0  }
0xd4: {  	[sflag:s5] =	ssyncadd.s32 $0xFFFFE700  }
0xd5: {  	_ =	swait.ge [sflag:s5], $0x1900  }
0xd6: {  	[sflag:s5] =	ssyncset.done $0x0  }
0xd7: {  	s9 =	sadd.s32 $0xE00, s14;
	[sflag:s5] =	ssyncadd.s32 $0xFFFFE700  }
0xd8: {  	[hbm4b:s9+s3] =	stream.linear.scatter [tilespmem:s25], [sflag:$0x2], $0x1900, $0x38;
	v63 =	vld [tilespmem:$0x0]  }
0xd9: {  	s7 =	sadd.s32 $0x1180, s14  }
0xda: {  	[hbm4b:s7+s3] =	stream.linear.scatter [tilespmem:s28], [sflag:$0x2], $0x1900, $0x38;
	v63 =	vld [tilespmem:$0x0]  }
0xdb: {  	s8 =	sadd.s32 $0x1500, s14  }
0xdc: {  	[hbm4b:s8+s3] =	stream.linear.scatter [tilespmem:s30], [sflag:$0x2], $0x1900, $0x38;
	v63 =	vld [tilespmem:$0x0]  }
0xdd: {  	s9 =	sadd.s32 $0x1880, s14  }
0xde: {  	[hbm4b:s9+s3] =	stream.linear.scatter [tilespmem:s2], [sflag:$0x2], $0x1900, $0x38;
	v63 =	vld [tilespmem:$0x0]  }
0xdf: {  	_ =	swait.ge [sflag:s13], $0x6400  }
0xe0: {  	[sflag:s13] =	ssyncset.done $0x0  }
0xe1: {  	s7 =	simm.s32 $0x1200;
	[sflag:s13] =	ssyncadd.s32 $0xFFFF9C00  }
0xe2: {  	[tilespmem:s25], [sflag:$0x1] =	stream.indirect.gather [hbm4b:s1+s16], $0x80, s7, s16, $0xb8;
	v63 =	vld [tilespmem:$0x0]  }
0xe3: {  	s8 =	simm.s32 $0x1280  }
0xe4: {  	[tilespmem:s28], [sflag:$0x1] =	stream.indirect.gather [hbm4b:s1+s16], $0x80, s8, s16, $0xb8;
	v63 =	vld [tilespmem:$0x0]  }
0xe5: {  	s9 =	simm.s32 $0x1300  }
0xe6: {  	[tilespmem:s30], [sflag:$0x1] =	stream.indirect.gather [hbm4b:s1+s16], $0x80, s9, s16, $0xb8;
	v63 =	vld [tilespmem:$0x0]  }
0xe7: {  	s7 =	simm.s32 $0x1380  }
0xe8: {  	[tilespmem:s2], [sflag:$0x1] =	stream.indirect.gather [hbm4b:s1+s16], $0x80, s7, s16, $0xb8;
	v63 =	vld [tilespmem:$0x0]  }
0xe9: {  	_ =	swait.ge [sflag:s5], $0x1900  }
0xea: {  	[sflag:s5] =	ssyncset.done $0x0  }
0xeb: {  	[sflag:s5] =	ssyncadd.s32 $0xFFFFE700  }
0xec: {  	_ =	swait.ge [sflag:s5], $0x1900  }
0xed: {  	[sflag:s5] =	ssyncset.done $0x0  }
0xee: {  	[sflag:s5] =	ssyncadd.s32 $0xFFFFE700  }
0xef: {  	_ =	swait.ge [sflag:s5], $0x1900  }
0xf0: {  	[sflag:s5] =	ssyncset.done $0x0  }
0xf1: {  	[sflag:s5] =	ssyncadd.s32 $0xFFFFE700  }
0xf2: {  	_ =	swait.ge [sflag:s5], $0x1900  }
0xf3: {  	[sflag:s5] =	ssyncset.done $0x0  }
0xf4: {  	s8 =	sadd.s32 $0x1C00, s14;
	[sflag:s5] =	ssyncadd.s32 $0xFFFFE700  }
0xf5: {  	[hbm4b:s8+s3] =	stream.linear.scatter [tilespmem:s18], [sflag:$0x2], $0x1900, $0x38;
	v63 =	vld [tilespmem:$0x0]  }
0xf6: {  	s9 =	sadd.s32 $0x1F80, s14  }
0xf7: {  	[hbm4b:s9+s3] =	stream.linear.scatter [tilespmem:s22], [sflag:$0x2], $0x1900, $0x38;
	v63 =	vld [tilespmem:$0x0]  }
0xf8: {  	s7 =	sadd.s32 $0x2300, s14  }
0xf9: {  	[hbm4b:s7+s3] =	stream.linear.scatter [tilespmem:s26], [sflag:$0x2], $0x1900, $0x38;
	v63 =	vld [tilespmem:$0x0]  }
0xfa: {  	s8 =	sadd.s32 $0x2680, s14  }
0xfb: {  	[hbm4b:s8+s3] =	stream.linear.scatter [tilespmem:s31], [sflag:$0x2], $0x1900, $0x38;
	v63 =	vld [tilespmem:$0x0]  }
0xfc: {  	_ =	swait.ge [sflag:s13], $0x6400  }
0xfd: {  	[sflag:s13] =	ssyncset.done $0x0  }
0xfe: {  	s9 =	simm.s32 $0x1400;
	[sflag:s13] =	ssyncadd.s32 $0xFFFF9C00  }
0xff: {  	[tilespmem:s18], [sflag:$0x1] =	stream.indirect.gather [hbm4b:s1+s16], $0x80, s9, s16, $0xb8;
	v63 =	vld [tilespmem:$0x0]  }
0x100: {  	s7 =	simm.s32 $0x1480  }
0x101: {  	[tilespmem:s22], [sflag:$0x1] =	stream.indirect.gather [hbm4b:s1+s16], $0x80, s7, s16, $0xb8;
	v63 =	vld [tilespmem:$0x0]  }
0x102: {  	s8 =	simm.s32 $0x1500  }
0x103: {  	[tilespmem:s26], [sflag:$0x1] =	stream.indirect.gather [hbm4b:s1+s16], $0x80, s8, s16, $0xb8;
	v63 =	vld [tilespmem:$0x0]  }
0x104: {  	s9 =	simm.s32 $0x1580  }
0x105: {  	[tilespmem:s31], [sflag:$0x1] =	stream.indirect.gather [hbm4b:s1+s16], $0x80, s9, s16, $0xb8;
	v63 =	vld [tilespmem:$0x0]  }
0x106: {  	_ =	swait.ge [sflag:s5], $0x1900  }
0x107: {  	[sflag:s5] =	ssyncset.done $0x0  }
0x108: {  	[sflag:s5] =	ssyncadd.s32 $0xFFFFE700  }
0x109: {  	_ =	swait.ge [sflag:s5], $0x1900  }
0x10a: {  	[sflag:s5] =	ssyncset.done $0x0  }
0x10b: {  	[sflag:s5] =	ssyncadd.s32 $0xFFFFE700  }
0x10c: {  	_ =	swait.ge [sflag:s5], $0x1900  }
0x10d: {  	[sflag:s5] =	ssyncset.done $0x0  }
0x10e: {  	[sflag:s5] =	ssyncadd.s32 $0xFFFFE700  }
0x10f: {  	_ =	swait.ge [sflag:s5], $0x1900  }
0x110: {  	[sflag:s5] =	ssyncset.done $0x0  }
0x111: {  	s7 =	sadd.s32 $0x2A00, s14;
	[sflag:s5] =	ssyncadd.s32 $0xFFFFE700  }
0x112: {  	[hbm4b:s7+s3] =	stream.linear.scatter [tilespmem:s20], [sflag:$0x2], $0x1900, $0x38;
	v63 =	vld [tilespmem:$0x0]  }
0x113: {  	s6 =	simm.s32 $0x2000;
	s8 =	sadd.s32 $0x2D80, s14  }
0x114: {  	[hbm4b:s8+s3] =	stream.linear.scatter [tilespmem:s29], [sflag:$0x2], $0x1900, $0x38;
	v63 =	vld [tilespmem:$0x0]  }
0x115: {  	s9 =	sadd.s32 $0x3100, s14;
	s7 =	sadd.s32 $0x3800, s14;
	s8 =	sadd.s32 $0x3480, s14  }
0x116: {  	[hbm4b:s9+s3] =	stream.linear.scatter [tilespmem:s24], [sflag:$0x2], $0x1900, $0x38;
	v63 =	vld [tilespmem:$0x0]  }
.LBB2_2:
0x117: {  	[hbm4b:s8+s3] =	stream.linear.scatter [tilespmem:s0], [sflag:$0x2], $0x1900, $0x38;
	v63 =	vld [tilespmem:$0x0]  }
0x118: {  	s8 =	smov.u32 s6  }
0x119: {  	p0 =	sne.s32 s6, $0xA000;
	s6 =	sadd.s32 $0x2000, s6;
	_ =	swait.ge [sflag:s13], $0x6400  }
0x11a: {  	s8 =	sshra.s32 s8, $0x2;
	[sflag:s13] =	ssyncset.done $0x0  }
0x11b: {  	s9 =	sadd.s32 $0xE00, s8;
	[sflag:s13] =	ssyncadd.s32 $0xFFFF9C00  }
0x11c: {  	[tilespmem:s20], [sflag:$0x1] =	stream.indirect.gather [hbm4b:s1+s16], $0x80, s9, s16, $0xb8;
	v63 =	vld [tilespmem:$0x0]  }
0x11d: {  	s9 =	sadd.s32 $0xE80, s8  }
0x11e: {  	[tilespmem:s29], [sflag:$0x1] =	stream.indirect.gather [hbm4b:s1+s16], $0x80, s9, s16, $0xb8;
	v63 =	vld [tilespmem:$0x0]  }
0x11f: {  	s9 =	sadd.s32 $0xF00, s8  }
0x120: {  	[tilespmem:s24], [sflag:$0x1] =	stream.indirect.gather [hbm4b:s1+s16], $0x80, s9, s16, $0xb8;
	v63 =	vld [tilespmem:$0x0]  }
0x121: {  	s9 =	sadd.s32 $0xF80, s8  }
0x122: {  	[tilespmem:s0], [sflag:$0x1] =	stream.indirect.gather [hbm4b:s1+s16], $0x80, s9, s16, $0xb8;
	v63 =	vld [tilespmem:$0x0]  }
0x123: {  	_ =	swait.ge [sflag:s5], $0x1900  }
0x124: {  	[sflag:s5] =	ssyncset.done $0x0  }
0x125: {  	[sflag:s5] =	ssyncadd.s32 $0xFFFFE700  }
0x126: {  	_ =	swait.ge [sflag:s5], $0x1900  }
0x127: {  	[sflag:s5] =	ssyncset.done $0x0  }
0x128: {  	[sflag:s5] =	ssyncadd.s32 $0xFFFFE700  }
0x129: {  	_ =	swait.ge [sflag:s5], $0x1900  }
0x12a: {  	[sflag:s5] =	ssyncset.done $0x0  }
0x12b: {  	[sflag:s5] =	ssyncadd.s32 $0xFFFFE700  }
0x12c: {  	_ =	swait.ge [sflag:s5], $0x1900  }
0x12d: {  	[sflag:s5] =	ssyncset.done $0x0  }
0x12e: {  	[sflag:s5] =	ssyncadd.s32 $0xFFFFE700  }
0x12f: {  	[hbm4b:s7+s3] =	stream.linear.scatter [tilespmem:s17], [sflag:$0x2], $0x1900, $0x38;
	v63 =	vld [tilespmem:$0x0]  }
0x130: {  	s9 =	sadd.s32 $0x380, s7  }
0x131: {  	[hbm4b:s9+s3] =	stream.linear.scatter [tilespmem:s19], [sflag:$0x2], $0x1900, $0x38;
	v63 =	vld [tilespmem:$0x0]  }
0x132: {  	s9 =	sadd.s32 $0x700, s7  }
0x133: {  	[hbm4b:s9+s3] =	stream.linear.scatter [tilespmem:s21], [sflag:$0x2], $0x1900, $0x38;
	v63 =	vld [tilespmem:$0x0]  }
0x134: {  	s9 =	sadd.s32 $0xA80, s7  }
0x135: {  	[hbm4b:s9+s3] =	stream.linear.scatter [tilespmem:s23], [sflag:$0x2], $0x1900, $0x38;
	v63 =	vld [tilespmem:$0x0]  }
0x136: {  	_ =	swait.ge [sflag:s13], $0x6400  }
0x137: {  	[sflag:s13] =	ssyncset.done $0x0  }
0x138: {  	s9 =	sadd.s32 $0x1000, s8;
	[sflag:s13] =	ssyncadd.s32 $0xFFFF9C00  }
0x139: {  	[tilespmem:s17], [sflag:$0x1] =	stream.indirect.gather [hbm4b:s1+s16], $0x80, s9, s16, $0xb8;
	v63 =	vld [tilespmem:$0x0]  }
0x13a: {  	s9 =	sadd.s32 $0x1080, s8  }
0x13b: {  	[tilespmem:s19], [sflag:$0x1] =	stream.indirect.gather [hbm4b:s1+s16], $0x80, s9, s16, $0xb8;
	v63 =	vld [tilespmem:$0x0]  }
0x13c: {  	s9 =	sadd.s32 $0x1100, s8  }
0x13d: {  	[tilespmem:s21], [sflag:$0x1] =	stream.indirect.gather [hbm4b:s1+s16], $0x80, s9, s16, $0xb8;
	v63 =	vld [tilespmem:$0x0]  }
0x13e: {  	s9 =	sadd.s32 $0x1180, s8  }
0x13f: {  	[tilespmem:s23], [sflag:$0x1] =	stream.indirect.gather [hbm4b:s1+s16], $0x80, s9, s16, $0xb8;
	v63 =	vld [tilespmem:$0x0]  }
0x140: {  	_ =	swait.ge [sflag:s5], $0x1900  }
0x141: {  	[sflag:s5] =	ssyncset.done $0x0  }
0x142: {  	[sflag:s5] =	ssyncadd.s32 $0xFFFFE700  }
0x143: {  	_ =	swait.ge [sflag:s5], $0x1900  }
0x144: {  	[sflag:s5] =	ssyncset.done $0x0  }
0x145: {  	[sflag:s5] =	ssyncadd.s32 $0xFFFFE700  }
0x146: {  	_ =	swait.ge [sflag:s5], $0x1900  }
0x147: {  	[sflag:s5] =	ssyncset.done $0x0  }
0x148: {  	[sflag:s5] =	ssyncadd.s32 $0xFFFFE700  }
0x149: {  	_ =	swait.ge [sflag:s5], $0x1900  }
0x14a: {  	[sflag:s5] =	ssyncset.done $0x0  }
0x14b: {  	s9 =	sadd.s32 $0xE00, s7;
	[sflag:s5] =	ssyncadd.s32 $0xFFFFE700  }
0x14c: {  	[hbm4b:s9+s3] =	stream.linear.scatter [tilespmem:s25], [sflag:$0x2], $0x1900, $0x38;
	v63 =	vld [tilespmem:$0x0]  }
0x14d: {  	s9 =	sadd.s32 $0x1180, s7  }
0x14e: {  	[hbm4b:s9+s3] =	stream.linear.scatter [tilespmem:s28], [sflag:$0x2], $0x1900, $0x38;
	v63 =	vld [tilespmem:$0x0]  }
0x14f: {  	s9 =	sadd.s32 $0x1500, s7  }
0x150: {  	[hbm4b:s9+s3] =	stream.linear.scatter [tilespmem:s30], [sflag:$0x2], $0x1900, $0x38;
	v63 =	vld [tilespmem:$0x0]  }
0x151: {  	s9 =	sadd.s32 $0x1880, s7  }
0x152: {  	[hbm4b:s9+s3] =	stream.linear.scatter [tilespmem:s2], [sflag:$0x2], $0x1900, $0x38;
	v63 =	vld [tilespmem:$0x0]  }
0x153: {  	_ =	swait.ge [sflag:s13], $0x6400  }
0x154: {  	[sflag:s13] =	ssyncset.done $0x0  }
0x155: {  	s9 =	sadd.s32 $0x1200, s8;
	[sflag:s13] =	ssyncadd.s32 $0xFFFF9C00  }
0x156: {  	[tilespmem:s25], [sflag:$0x1] =	stream.indirect.gather [hbm4b:s1+s16], $0x80, s9, s16, $0xb8;
	v63 =	vld [tilespmem:$0x0]  }
0x157: {  	s9 =	sadd.s32 $0x1280, s8  }
0x158: {  	[tilespmem:s28], [sflag:$0x1] =	stream.indirect.gather [hbm4b:s1+s16], $0x80, s9, s16, $0xb8;
	v63 =	vld [tilespmem:$0x0]  }
0x159: {  	s9 =	sadd.s32 $0x1300, s8  }
0x15a: {  	[tilespmem:s30], [sflag:$0x1] =	stream.indirect.gather [hbm4b:s1+s16], $0x80, s9, s16, $0xb8;
	v63 =	vld [tilespmem:$0x0]  }
0x15b: {  	s9 =	sadd.s32 $0x1380, s8  }
0x15c: {  	[tilespmem:s2], [sflag:$0x1] =	stream.indirect.gather [hbm4b:s1+s16], $0x80, s9, s16, $0xb8;
	v63 =	vld [tilespmem:$0x0]  }
0x15d: {  	_ =	swait.ge [sflag:s5], $0x1900  }
0x15e: {  	[sflag:s5] =	ssyncset.done $0x0  }
0x15f: {  	[sflag:s5] =	ssyncadd.s32 $0xFFFFE700  }
0x160: {  	_ =	swait.ge [sflag:s5], $0x1900  }
0x161: {  	[sflag:s5] =	ssyncset.done $0x0  }
0x162: {  	[sflag:s5] =	ssyncadd.s32 $0xFFFFE700  }
0x163: {  	_ =	swait.ge [sflag:s5], $0x1900  }
0x164: {  	[sflag:s5] =	ssyncset.done $0x0  }
0x165: {  	[sflag:s5] =	ssyncadd.s32 $0xFFFFE700  }
0x166: {  	_ =	swait.ge [sflag:s5], $0x1900  }
0x167: {  	[sflag:s5] =	ssyncset.done $0x0  }
0x168: {  	s9 =	sadd.s32 $0x1C00, s7;
	[sflag:s5] =	ssyncadd.s32 $0xFFFFE700  }
0x169: {  	[hbm4b:s9+s3] =	stream.linear.scatter [tilespmem:s18], [sflag:$0x2], $0x1900, $0x38;
	v63 =	vld [tilespmem:$0x0]  }
0x16a: {  	s9 =	sadd.s32 $0x1F80, s7  }
0x16b: {  	[hbm4b:s9+s3] =	stream.linear.scatter [tilespmem:s22], [sflag:$0x2], $0x1900, $0x38;
	v63 =	vld [tilespmem:$0x0]  }
0x16c: {  	s9 =	sadd.s32 $0x2300, s7  }
0x16d: {  	[hbm4b:s9+s3] =	stream.linear.scatter [tilespmem:s26], [sflag:$0x2], $0x1900, $0x38;
	v63 =	vld [tilespmem:$0x0]  }
0x16e: {  	s9 =	sadd.s32 $0x2680, s7  }
0x16f: {  	[hbm4b:s9+s3] =	stream.linear.scatter [tilespmem:s31], [sflag:$0x2], $0x1900, $0x38;
	v63 =	vld [tilespmem:$0x0]  }
0x170: {  	_ =	swait.ge [sflag:s13], $0x6400  }
0x171: {  	[sflag:s13] =	ssyncset.done $0x0  }
0x172: {  	s9 =	sadd.s32 $0x1400, s8;
	[sflag:s13] =	ssyncadd.s32 $0xFFFF9C00  }
0x173: {  	[tilespmem:s18], [sflag:$0x1] =	stream.indirect.gather [hbm4b:s1+s16], $0x80, s9, s16, $0xb8;
	v63 =	vld [tilespmem:$0x0]  }
0x174: {  	s9 =	sadd.s32 $0x1480, s8  }
0x175: {  	[tilespmem:s22], [sflag:$0x1] =	stream.indirect.gather [hbm4b:s1+s16], $0x80, s9, s16, $0xb8;
	v63 =	vld [tilespmem:$0x0]  }
0x176: {  	s9 =	sadd.s32 $0x1500, s8  }
0x177: {  	[tilespmem:s26], [sflag:$0x1] =	stream.indirect.gather [hbm4b:s1+s16], $0x80, s9, s16, $0xb8;
	v63 =	vld [tilespmem:$0x0]  }
0x178: {  	s8 =	sadd.s32 $0x1580, s8  }
0x179: {  	[tilespmem:s31], [sflag:$0x1] =	stream.indirect.gather [hbm4b:s1+s16], $0x80, s8, s16, $0xb8;
	v63 =	vld [tilespmem:$0x0]  }
0x17a: {  	_ =	swait.ge [sflag:s5], $0x1900  }
0x17b: {  	[sflag:s5] =	ssyncset.done $0x0  }
0x17c: {  	[sflag:s5] =	ssyncadd.s32 $0xFFFFE700  }
0x17d: {  	_ =	swait.ge [sflag:s5], $0x1900  }
0x17e: {  	[sflag:s5] =	ssyncset.done $0x0  }
0x17f: {  	[sflag:s5] =	ssyncadd.s32 $0xFFFFE700  }
0x180: {  	_ =	swait.ge [sflag:s5], $0x1900  }
0x181: {  	[sflag:s5] =	ssyncset.done $0x0  }
0x182: {  	[sflag:s5] =	ssyncadd.s32 $0xFFFFE700  }
0x183: {  	_ =	swait.ge [sflag:s5], $0x1900  }
0x184: {  	[sflag:s5] =	ssyncset.done $0x0  }
0x185: {  	s8 =	sadd.s32 $0x2A00, s7;
	[sflag:s5] =	ssyncadd.s32 $0xFFFFE700  }
0x186: {  	[hbm4b:s8+s3] =	stream.linear.scatter [tilespmem:s20], [sflag:$0x2], $0x1900, $0x38;
	v63 =	vld [tilespmem:$0x0]  }
.Ltmp0:
0x187: {  	s8 =	sadd.s32 $0x2D80, s7;
	(pc) =	sbr.rel @p0 .LBB2_2-.Ltmp0, $4  }
0x188: {  	[hbm4b:s8+s3] =	stream.linear.scatter [tilespmem:s29], [sflag:$0x2], $0x1900, $0x38;
	v63 =	vld [tilespmem:$0x0]  }
0x189: {  	s8 =	sadd.s32 $0x3100, s7  }
0x18a: {  	[hbm4b:s8+s3] =	stream.linear.scatter [tilespmem:s24], [sflag:$0x2], $0x1900, $0x38;
	v63 =	vld [tilespmem:$0x0]  }
0x18b: {  	s8 =	sadd.s32 $0x3480, s7;
	s7 =	sadd.s32 $0x3800, s7  }
0x18c: {  	[hbm4b:s8+s3] =	stream.linear.scatter [tilespmem:s0], [sflag:$0x2], $0x1900, $0x38;
	v63 =	vld [tilespmem:$0x0]  }
0x18d: {  	_ =	swait.ge [sflag:s13], $0x6400  }
0x18e: {  	[sflag:s13] =	ssyncset.done $0x0  }
0x18f: {  	s6 =	simm.s32 $0x3E00;
	[sflag:s13] =	ssyncadd.s32 $0xFFFF9C00  }
0x190: {  	[tilespmem:s20], [sflag:$0x1] =	stream.indirect.gather [hbm4b:s1+s16], $0x80, s6, s16, $0xb8;
	v63 =	vld [tilespmem:$0x0]  }
0x191: {  	s8 =	simm.s32 $0x3E80  }
0x192: {  	[tilespmem:s29], [sflag:$0x1] =	stream.indirect.gather [hbm4b:s1+s16], $0x80, s8, s16, $0xb8;
	v63 =	vld [tilespmem:$0x0]  }
0x193: {  	s9 =	simm.s32 $0x3F00  }
0x194: {  	[tilespmem:s24], [sflag:$0x1] =	stream.indirect.gather [hbm4b:s1+s16], $0x80, s9, s16, $0xb8;
	v63 =	vld [tilespmem:$0x0]  }
0x195: {  	s7 =	simm.s32 $0x3F80  }
0x196: {  	[tilespmem:s0], [sflag:$0x1] =	stream.indirect.gather [hbm4b:s1+s16], $0x80, s7, s16, $0xb8;
	v63 =	vld [tilespmem:$0x0]  }
0x197: {  	_ =	swait.ge [sflag:s5], $0x1900  }
0x198: {  	[sflag:s5] =	ssyncset.done $0x0  }
0x199: {  	[sflag:s5] =	ssyncadd.s32 $0xFFFFE700  }
0x19a: {  	_ =	swait.ge [sflag:s5], $0x1900  }
0x19b: {  	[sflag:s5] =	ssyncset.done $0x0  }
0x19c: {  	[sflag:s5] =	ssyncadd.s32 $0xFFFFE700  }
0x19d: {  	_ =	swait.ge [sflag:s5], $0x1900  }
0x19e: {  	[sflag:s5] =	ssyncset.done $0x0  }
0x19f: {  	[sflag:s5] =	ssyncadd.s32 $0xFFFFE700  }
0x1a0: {  	_ =	swait.ge [sflag:s5], $0x1900  }
0x1a1: {  	[sflag:s5] =	ssyncset.done $0x0  }
0x1a2: {  	s7 =	rddreg [dreg:$0x8];
	[sflag:s5] =	ssyncadd.s32 $0xFFFFE700  }
0x1a3: {  	[hbm4b:s7+s3] =	stream.linear.scatter [tilespmem:s17], [sflag:$0x2], $0x1900, $0x38;
	v63 =	vld [tilespmem:$0x0]  }
0x1a4: {  	s8 =	sadd.s32 $0x380, s7  }
0x1a5: {  	[hbm4b:s8+s3] =	stream.linear.scatter [tilespmem:s19], [sflag:$0x2], $0x1900, $0x38;
	v63 =	vld [tilespmem:$0x0]  }
0x1a6: {  	s9 =	sadd.s32 $0x700, s7  }
0x1a7: {  	[hbm4b:s9+s3] =	stream.linear.scatter [tilespmem:s21], [sflag:$0x2], $0x1900, $0x38;
	v63 =	vld [tilespmem:$0x0]  }
0x1a8: {  	s8 =	sadd.s32 $0xA80, s7  }
0x1a9: {  	[hbm4b:s8+s3] =	stream.linear.scatter [tilespmem:s23], [sflag:$0x2], $0x1900, $0x38;
	v63 =	vld [tilespmem:$0x0]  }
0x1aa: {  	_ =	swait.ge [sflag:s13], $0x6400  }
0x1ab: {  	[sflag:s13] =	ssyncset.done $0x0  }
0x1ac: {  	[sflag:s13] =	ssyncadd.s32 $0xFFFF9C00  }
0x1ad: {  	_ =	swait.ge [sflag:s5], $0x1900  }
0x1ae: {  	[sflag:s5] =	ssyncset.done $0x0  }
0x1af: {  	[sflag:s5] =	ssyncadd.s32 $0xFFFFE700  }
0x1b0: {  	_ =	swait.ge [sflag:s5], $0x1900  }
0x1b1: {  	[sflag:s5] =	ssyncset.done $0x0  }
0x1b2: {  	[sflag:s5] =	ssyncadd.s32 $0xFFFFE700  }
0x1b3: {  	_ =	swait.ge [sflag:s5], $0x1900  }
0x1b4: {  	[sflag:s5] =	ssyncset.done $0x0  }
0x1b5: {  	[sflag:s5] =	ssyncadd.s32 $0xFFFFE700  }
0x1b6: {  	_ =	swait.ge [sflag:s5], $0x1900  }
0x1b7: {  	[sflag:s5] =	ssyncset.done $0x0  }
0x1b8: {  	[sflag:s5] =	ssyncadd.s32 $0xFFFFE700  }
0x1b9: {  	[hbm4b:s10+s3] =	stream.linear.scatter [tilespmem:s25], [sflag:$0x2], $0x1900, $0x38;
	v63 =	vld [tilespmem:$0x0]  }
0x1ba: {  	s9 =	sadd.s32 $0x380, s10  }
0x1bb: {  	[hbm4b:s9+s3] =	stream.linear.scatter [tilespmem:s28], [sflag:$0x2], $0x1900, $0x38;
	v63 =	vld [tilespmem:$0x0]  }
0x1bc: {  	s7 =	sadd.s32 $0x700, s10  }
0x1bd: {  	[hbm4b:s7+s3] =	stream.linear.scatter [tilespmem:s30], [sflag:$0x2], $0x1900, $0x38;
	v63 =	vld [tilespmem:$0x0]  }
0x1be: {  	s8 =	sadd.s32 $0xA80, s10  }
0x1bf: {  	[hbm4b:s8+s3] =	stream.linear.scatter [tilespmem:s2], [sflag:$0x2], $0x1900, $0x38;
	v63 =	vld [tilespmem:$0x0]  }
0x1c0: {  	_ =	swait.ge [sflag:s13], $0x6400  }
0x1c1: {  	[sflag:s13] =	ssyncset.done $0x0  }
0x1c2: {  	[sflag:s13] =	ssyncadd.s32 $0xFFFF9C00  }
0x1c3: {  	_ =	swait.ge [sflag:s5], $0x1900  }
0x1c4: {  	[sflag:s5] =	ssyncset.done $0x0  }
0x1c5: {  	[sflag:s5] =	ssyncadd.s32 $0xFFFFE700  }
0x1c6: {  	_ =	swait.ge [sflag:s5], $0x1900  }
0x1c7: {  	[sflag:s5] =	ssyncset.done $0x0  }
0x1c8: {  	[sflag:s5] =	ssyncadd.s32 $0xFFFFE700  }
0x1c9: {  	_ =	swait.ge [sflag:s5], $0x1900  }
0x1ca: {  	[sflag:s5] =	ssyncset.done $0x0  }
0x1cb: {  	[sflag:s5] =	ssyncadd.s32 $0xFFFFE700  }
0x1cc: {  	_ =	swait.ge [sflag:s5], $0x1900  }
0x1cd: {  	[sflag:s5] =	ssyncset.done $0x0  }
0x1ce: {  	[sflag:s5] =	ssyncadd.s32 $0xFFFFE700  }
0x1cf: {  	[hbm4b:s11+s3] =	stream.linear.scatter [tilespmem:s18], [sflag:$0x2], $0x1900, $0x38;
	v63 =	vld [tilespmem:$0x0]  }
0x1d0: {  	s9 =	sadd.s32 $0x380, s11  }
0x1d1: {  	[hbm4b:s9+s3] =	stream.linear.scatter [tilespmem:s22], [sflag:$0x2], $0x1900, $0x38;
	v63 =	vld [tilespmem:$0x0]  }
0x1d2: {  	s7 =	sadd.s32 $0x700, s11  }
0x1d3: {  	[hbm4b:s7+s3] =	stream.linear.scatter [tilespmem:s26], [sflag:$0x2], $0x1900, $0x38;
	v63 =	vld [tilespmem:$0x0]  }
0x1d4: {  	s8 =	sadd.s32 $0xA80, s11  }
0x1d5: {  	[hbm4b:s8+s3] =	stream.linear.scatter [tilespmem:s31], [sflag:$0x2], $0x1900, $0x38;
	v63 =	vld [tilespmem:$0x0]  }
0x1d6: {  	_ =	swait.ge [sflag:s13], $0x6400  }
0x1d7: {  	[sflag:s13] =	ssyncset.done $0x0  }
0x1d8: {  	[sflag:s13] =	ssyncadd.s32 $0xFFFF9C00  }
0x1d9: {  	_ =	swait.ge [sflag:s5], $0x1900  }
0x1da: {  	[sflag:s5] =	ssyncset.done $0x0  }
0x1db: {  	[sflag:s5] =	ssyncadd.s32 $0xFFFFE700  }
0x1dc: {  	_ =	swait.ge [sflag:s5], $0x1900  }
0x1dd: {  	[sflag:s5] =	ssyncset.done $0x0  }
0x1de: {  	[sflag:s5] =	ssyncadd.s32 $0xFFFFE700  }
0x1df: {  	_ =	swait.ge [sflag:s5], $0x1900  }
0x1e0: {  	[sflag:s5] =	ssyncset.done $0x0  }
0x1e1: {  	[sflag:s5] =	ssyncadd.s32 $0xFFFFE700  }
0x1e2: {  	_ =	swait.ge [sflag:s5], $0x1900  }
0x1e3: {  	[sflag:s5] =	ssyncset.done $0x0  }
0x1e4: {  	[sflag:s5] =	ssyncadd.s32 $0xFFFFE700  }
0x1e5: {  	[hbm4b:s12+s3] =	stream.linear.scatter [tilespmem:s20], [sflag:$0x2], $0x1900, $0x38;
	v63 =	vld [tilespmem:$0x0]  }
0x1e6: {  	s9 =	sadd.s32 $0x380, s12  }
0x1e7: {  	[hbm4b:s9+s3] =	stream.linear.scatter [tilespmem:s29], [sflag:$0x2], $0x1900, $0x38;
	v63 =	vld [tilespmem:$0x0]  }
0x1e8: {  	s7 =	sadd.s32 $0x700, s12  }
0x1e9: {  	[hbm4b:s7+s3] =	stream.linear.scatter [tilespmem:s24], [sflag:$0x2], $0x1900, $0x38;
	v63 =	vld [tilespmem:$0x0]  }
0x1ea: {  	s8 =	sadd.s32 $0xA80, s12  }
0x1eb: {  	[hbm4b:s8+s3] =	stream.linear.scatter [tilespmem:s0], [sflag:$0x2], $0x1900, $0x38;
	v63 =	vld [tilespmem:$0x0]  }
0x1ec: {  	_ =	swait.ge [sflag:s13], $0x6400  }
0x1ed: {  	s15 =	sadd.s32 $0x1, s15;
	s9 =	rddreg [dreg:$0x9]  }
0x1ee: {  	p0 =	sne.s32 s15, s9  }
.Ltmp1:
0x1ef: {  	_ = 	snop;
	(pc) =	sbr.rel @p0 .LBB2_1-.Ltmp1, $3  }
0x1f0: {  	_ =	sdelay $0x1  }
0x1f1: {  	[sflag:s13] =	ssyncset.done $0x0  }
0x1f2: {  	[sflag:s13] =	ssyncadd.s32 $0xFFFF9C00  }
0x1f3: {  	_ =	sfence.sel $0x180000  }
0x1f4: {  	[bflag:$0x0] =	sbarrier.arrive $0xFFFF  }
0x1f5: {  	_ =	strace $0x90000047  }
0x1f6: {  	s0 =	stileid.u32;
	[bflag:$0x2] =	sbarrier.arrive $0xFFFF  }
0x1f7: {  	p0 =	sne.s32 s0, $0x0;
	s0 =	rddreg [dreg:$0x3]  }
0x1f8: {  	s0 =	sadd.s32 @!p0 $0x100000, s0  }
0x1f9: {  	[sflag:s0] =	ssyncadd.tile.s32 @!p0 $0x1;
	_ =	shalt  }
.Lfunc_end2:
_tile_overlayer_lowered:
.L_overlay_start_2:
0x1fa: {  	(tag) =	ssettag $0x2  }
0x1fb: {  	s0 =	rddreg [dreg:$0x0];
	s2 =	stileid.u32  }
0x1fc: {  	s1 =	rddreg [dreg:$0x1];
	p0 =	sne.s32 s2, $0x0  }
0x1fd: {  	s3 =	rddreg [dreg:$0x2];
	[bflag:$0x3] =	sbarrier.arrive $0xFFFF;
	s2 =	simm.s32 @!p0 $0x1C03  }
0x1fe: {  	[timem:s3], [sflag:s2] =	dma.local @!p0 [hbm:s0], s1  }
0x1ff: {  	s0 =	simm.s32 @!p0 $0x3  }
0x200: {  	_ =	swait.ge @!p0 [sflag:s0], s1  }
0x201: {  	s1 =	ssub.s32 @!p0 $0x0, s1;
	[sflag:s0] =	ssyncset.done @!p0 $0x0  }
0x202: {  	[sflag:s0] =	ssyncadd.s32 @!p0 s1  }
0x203: {  	[bflag:$0x3] =	sbarrier.arrive $0xFFFF  }
0x204: {  	_ =	shalt  }

</sc_bundles>
